<compile_context>
chip_gen: v7x
topology: tpu7x:2x2x1
jax: 0.10.2.dev20260603
libtpu: 0.0.44.dev20260713+nightly
codegen_flags: <defaults>
</compile_context>

<pallas_src>
import functools

import jax
import jax.numpy as jnp
from jax import lax
from jax.experimental import pallas as pl
from jax.experimental.pallas import tpu as pltpu
from jax.experimental.pallas import tpu_sc as plsc

Q = 32
D = 64
V = 1_000_000
B = 1024
L = 128
N_TOK = B * L

_NC, _NS = 2, 16
_TPT = N_TOK // _NS
_FPC = D // _NC
_FGRP = 8
_IDX_MINOR = 128
_NROW = _TPT // _IDX_MINOR
_W = 499712
_WS = _W // _NS
_TAIL = V - 2 * _W
_TAIL_PAD = 640
_SENT = 2**31 - 1


def _sc_gather_body(wt_hbm, tail_hbm, idx_hbm, out_hbm,
                    row_sp, idx_a, idx_b, grp_v, sem):
    cid = lax.axis_index("c")
    sid = lax.axis_index("s")
    pltpu.sync_copy(idx_hbm.at[sid], idx_a)

    def prep(t, _):
        r = t // (_IDX_MINOR // 16)
        c = t % (_IDX_MINOR // 16)
        v = idx_a[r, pl.ds(c * 16, 16)]
        sent = jnp.full((16,), _SENT, jnp.int32)
        idx_b[r, pl.ds(c * 16, 16)] = jnp.where(v >= _W, v - _W, sent)
        idx_a[r, pl.ds(c * 16, 16)] = jnp.where(v < _W, v, sent)
        return ()

    lax.fori_loop(0, _NROW * (_IDX_MINOR // 16), prep, (), unroll=False)

    def gather_window(idx_ref, j8):
        def mk(i):
            return (
                row_sp.at[plsc.Indices(idx_ref.at[i], ignored_value=_SENT)],
                grp_v.at[j8, pl.ds(i * _IDX_MINOR, _IDX_MINOR)],
                sem,
            )

        def fire(k, _):
            for i in range(8):
                pltpu.async_copy(*mk(k * 8 + i))
            return ()

        lax.fori_loop(0, _NROW // 8, fire, (), unroll=False)
        pltpu.make_async_copy(
            wt_hbm.at[0].at[pl.ds(0, _TPT)], grp_v.at[j8], sem
        ).wait()

    def stage(row_hbm, src_base):
        off = pl.multiple_of(sid * _WS, 128)
        src = pl.multiple_of(src_base + sid * _WS, 128)
        pltpu.sync_copy(row_hbm.at[pl.ds(src, _WS)],
                        row_sp.at[pl.ds(off, _WS)])

    def feat_group(g, _):
        def feat(j8, _):
            jj = cid * _FPC + g * _FGRP + j8
            row_hbm = wt_hbm.at[jj]
            stage(row_hbm, 0)
            plsc.subcore_barrier()
            gather_window(idx_a, j8)
            plsc.subcore_barrier()
            stage(row_hbm, _W)

            @pl.when(sid == 0)
            def _():
                pltpu.sync_copy(tail_hbm.at[jj],
                                row_sp.at[pl.ds(_W, _TAIL_PAD)])

            plsc.subcore_barrier()
            gather_window(idx_b, j8)
            plsc.subcore_barrier()
            return ()

        lax.fori_loop(0, _FGRP, feat, (), unroll=False)
        row_start = pl.multiple_of(cid * _FPC + g * _FGRP, _FGRP)
        pltpu.sync_copy(
            grp_v,
            out_hbm.at[pl.ds(row_start, _FGRP), pl.ds(sid * _TPT, _TPT)],
        )
        return ()

    lax.fori_loop(0, _FPC // _FGRP, feat_group, (), unroll=False)


@functools.cache
def _sc_gather():
    return functools.partial(
        pl.kernel,
        out_type=jax.ShapeDtypeStruct((D, N_TOK), jnp.float32),
        mesh=plsc.VectorSubcoreMesh(core_axis_name="c", subcore_axis_name="s"),
        scratch_types=[
            pltpu.VMEM_SHARED((_W + _TAIL_PAD,), jnp.float32),
            pltpu.VMEM((_NROW, _IDX_MINOR), jnp.int32),
            pltpu.VMEM((_NROW, _IDX_MINOR), jnp.int32),
            pltpu.VMEM((_FGRP, _TPT), jnp.float32),
            pltpu.SemaphoreType.DMA,
        ],
    )(_sc_gather_body)


_BLK = 8192


def _tc_dist_body(x_ref, t_ref, o_ref):
    x = x_ref[...]
    t = t_ref[...]
    a2 = jnp.sum(x * x, axis=1)
    ones = jnp.ones((1, D), jnp.float32)
    b2 = lax.dot_general(ones, t * t, (((1,), (0,)), ((), ())),
                         preferred_element_type=jnp.float32)
    ab = lax.dot_general(x, t, (((1,), (0,)), ((), ())),
                         preferred_element_type=jnp.float32)
    d2 = b2 + a2[:, None] - 2.0 * ab
    s = 0.0
    for i in range(_BLK // L):
        m = jnp.min(d2[:, i * L:(i + 1) * L], axis=1)
        s = s + jnp.sum(jnp.sqrt(jnp.maximum(m, 0.0)))

    @pl.when(pl.program_id(0) == 0)
    def _():
        o_ref[0, 0] = 0.0

    o_ref[0, 0] += s


def _tc_dist(x, targets_t):
    return pl.pallas_call(
        _tc_dist_body,
        grid=(N_TOK // _BLK,),
        in_specs=[
            pl.BlockSpec((Q, D), lambda i: (0, 0)),
            pl.BlockSpec((D, _BLK), lambda i: (0, i)),
        ],
        out_specs=pl.BlockSpec(memory_space=pltpu.SMEM),
        out_shape=jax.ShapeDtypeStruct((1, 1), jnp.float32),
    )(x, targets_t)


def kernel(image_features, input_ids, embedding_weight):
    wt = embedding_weight.T
    tail = jnp.pad(wt[:, 2 * _W:], ((0, 0), (0, _TAIL_PAD - _TAIL)))
    idx = input_ids.reshape(_NS, _TPT // _IDX_MINOR, _IDX_MINOR)
    gathered_t = _sc_gather()(wt, tail, idx)
    s = _tc_dist(image_features, gathered_t)
    return s[0, 0] / jnp.float32(B * Q)

# --- scband reference (transcript-rebuilt; emitter-appended) ---
"""Pipeline reference for scband-captioner-41412074668572 (READ-ONLY COPY).

The authoritative reference and input builder live on the scoring server;
editing this copy changes nothing except your own understanding.
"""

import jax, jax.numpy as jnp
import numpy as np


def setup_inputs(seed: int = 0) -> dict:
    key = jax.random.key(seed)
    k1, k2, k3 = jax.random.split(key, 3)
    image_features = jax.random.normal(k1, (32, 64), dtype=jnp.float32)
    input_ids = jax.random.randint(k2, (1024, 128), 0, 1000000, dtype=jnp.int32)
    embedding_weight = jax.random.normal(k3, (1000000, 64), dtype=jnp.float32) * 0.02
    return {
        "image_features": image_features,
        "input_ids": input_ids,
        "embedding_weight": embedding_weight,
    }


def reference(image_features, input_ids, embedding_weight):
    # embeddings(text_tokens.input_ids): gather rows from the embedding table
    targets = jnp.take(embedding_weight, input_ids, axis=0)  # [B, L, d]
    # torch.cdist(image_features [Q, d], targets [B, L, d], p=2) -> [B, Q, L]
    # computed via ||a||^2 + ||b||^2 - 2 a.b (same algorithm torch.cdist uses for p=2)
    a2 = jnp.sum(image_features * image_features, axis=-1)  # [Q]
    b2 = jnp.sum(targets * targets, axis=-1)  # [B, L]
    ab = jnp.einsum("qd,bld->bql", image_features, targets)  # [B, Q, L]
    d2 = a2[None, :, None] + b2[:, None, :] - 2.0 * ab
    costs = jnp.sqrt(jnp.maximum(d2, 0.0))  # [B, Q, L]
    # torch.min(costs, dim=-1).values
    smallest_distances = jnp.min(costs, axis=-1)  # [B, Q]
    return jnp.mean(smallest_distances)

if __name__ == "__main__":
    import jax
    _d = setup_inputs()
    print(jax.jit(kernel)(*tuple(_d.values())))

</pallas_src>

<mosaic_0001>
#map = affine_map<(d0, d1) -> (0, 0)>
#map1 = affine_map<(d0, d1) -> (0, 0, 0)>
module attributes {stable_mosaic.version = 14 : i64} {
  func.func @_sc_gather_body(%arg0: i32, %arg1: i32, %arg2: memref<64x1000000xf32, #tpu.memory_space<hbm>>, %arg3: memref<64x640xf32, #tpu.memory_space<hbm>>, %arg4: memref<16x64x128xi32, #tpu.memory_space<hbm>>, %arg5: memref<64x131072xf32, #tpu.memory_space<hbm>>, %arg6: memref<500352xf32, #tpu.memory_space<vmem_shared>>, %arg7: memref<64x128xi32, #tpu.memory_space<vmem>>, %arg8: memref<64x128xi32, #tpu.memory_space<vmem>>, %arg9: memref<8x8192xf32, #tpu.memory_space<vmem>>, %arg10: memref<!tpu.dma_semaphore, #tpu.memory_space<semaphore_mem>>) attributes {dimension_semantics = [#tpu.dimension_semantics<core_parallel>, #tpu.dimension_semantics<subcore_parallel>], iteration_bounds = array<i64: 2, 16>, scalar_prefetch = 0 : i64, scratch_operands = 5 : i64, tpu.core_type = #tpu.core_type<sc_vector_subcore>, window_params = [{transform_indices = #map}, {transform_indices = #map}, {transform_indices = #map1}, {transform_indices = #map}]} {
    "tpu.region"() ({
      %run_scoped3A = tpu.sem_alloc : memref<!tpu.dma_semaphore, #tpu.memory_space<semaphore_mem>>
      %dma_start3A = arith.constant 0 : i32
      %dma_start3A_9 = arith.constant 0 : i32
      %dma_start3A_10 = tpu.memref_slice %arg4[%arg1, %dma_start3A, %dma_start3A_9] : memref<16x64x128xi32, #tpu.memory_space<hbm>> -> memref<1x64x128xi32, #tpu.memory_space<hbm>>
      %dma_start3A_11 = tpu.memref_squeeze %dma_start3A_10 : memref<1x64x128xi32, #tpu.memory_space<hbm>> -> memref<64x128xi32, #tpu.memory_space<hbm>>
      %dma_start3A_12 = arith.constant 0 : i32
      %dma_start3A_13 = arith.constant 0 : i32
      %dma_start3A_14 = tpu.memref_slice %arg4[%arg1, %dma_start3A_12, %dma_start3A_13] : memref<16x64x128xi32, #tpu.memory_space<hbm>> -> memref<1x64x128xi32, #tpu.memory_space<hbm>>
      %dma_start3A_15 = tpu.memref_squeeze %dma_start3A_14 : memref<1x64x128xi32, #tpu.memory_space<hbm>> -> memref<64x128xi32, #tpu.memory_space<hbm>>
      tpu.enqueue_dma source(%dma_start3A_15 : memref<64x128xi32, #tpu.memory_space<hbm>>) target(%arg7 : memref<64x128xi32, #tpu.memory_space<vmem>>) target_semaphore(%run_scoped3A : memref<!tpu.dma_semaphore, #tpu.memory_space<semaphore_mem>>)
      %dma_wait3A = arith.constant 0 : i32
      %dma_wait3A_16 = arith.constant 0 : i32
      %dma_wait3A_17 = tpu.memref_slice %arg4[%arg1, %dma_wait3A, %dma_wait3A_16] : memref<16x64x128xi32, #tpu.memory_space<hbm>> -> memref<1x64x128xi32, #tpu.memory_space<hbm>>
      %dma_wait3A_18 = tpu.memref_squeeze %dma_wait3A_17 : memref<1x64x128xi32, #tpu.memory_space<hbm>> -> memref<64x128xi32, #tpu.memory_space<hbm>>
      %dma_wait3A_19 = arith.constant 0 : i32
      %dma_wait3A_20 = arith.constant 0 : i32
      %dma_wait3A_21 = tpu.memref_slice %arg4[%arg1, %dma_wait3A_19, %dma_wait3A_20] : memref<16x64x128xi32, #tpu.memory_space<hbm>> -> memref<1x64x128xi32, #tpu.memory_space<hbm>>
      %dma_wait3A_22 = tpu.memref_squeeze %dma_wait3A_21 : memref<1x64x128xi32, #tpu.memory_space<hbm>> -> memref<64x128xi32, #tpu.memory_space<hbm>>
      tpu.wait_dma2 semaphore(%run_scoped3A : memref<!tpu.dma_semaphore, #tpu.memory_space<semaphore_mem>>) src(%dma_wait3A_22 : memref<64x128xi32, #tpu.memory_space<hbm>>) dst(%arg7 : memref<64x128xi32, #tpu.memory_space<vmem>>)
      tpu.yield
    }) : () -> ()
    %scan3A = arith.constant 0 : i32
    %scan3A_0 = arith.constant 512 : i32
    %scan3A_1 = arith.addi %scan3A, %scan3A_0 : i32
    %scan3A_2 = arith.constant 1 : i32
    scf.for %scan3A_9 = %scan3A to %scan3A_1 step %scan3A_2  : i32 {
      %jit3A = arith.constant 8 : i32
      %div3A = arith.divsi %scan3A_9, %jit3A : i32
      %sign3A = arith.constant 0 : i32
      %sign3A_10 = arith.cmpi sgt, %scan3A_9, %sign3A : i32
      %sign3A_11 = arith.extui %sign3A_10 : i1 to i32
      %sign3A_12 = arith.constant 0 : i32
      %sign3A_13 = arith.cmpi slt, %scan3A_9, %sign3A_12 : i32
      %sign3A_14 = arith.extui %sign3A_13 : i1 to i32
      %sign3A_15 = arith.subi %sign3A_11, %sign3A_14 : i32
      %sign3A_16 = arith.constant 0 : i32
      %sign3A_17 = arith.cmpi sgt, %jit3A, %sign3A_16 : i32
      %sign3A_18 = arith.extui %sign3A_17 : i1 to i32
      %sign3A_19 = arith.constant 0 : i32
      %sign3A_20 = arith.cmpi slt, %jit3A, %sign3A_19 : i32
      %sign3A_21 = arith.extui %sign3A_20 : i1 to i32
      %sign3A_22 = arith.subi %sign3A_18, %sign3A_21 : i32
      %ne3A = arith.cmpi ne, %sign3A_15, %sign3A_22 : i32
      %rem3A = arith.remsi %scan3A_9, %jit3A : i32
      %ne3A_23 = arith.constant 0 : i32
      %ne3A_24 = arith.cmpi ne, %rem3A, %ne3A_23 : i32
      %and3A = arith.andi %ne3A, %ne3A_24 : i1
      %sub3A = arith.constant 1 : i32
      %sub3A_25 = arith.subi %div3A, %sub3A : i32
      %select_n3A = arith.select %and3A, %sub3A_25, %div3A : i32
      %jit3A_26 = arith.constant 8 : i32
      %eq3A = arith.constant 0 : i32
      %eq3A_27 = arith.cmpi eq, %jit3A_26, %eq3A : i32
      %jit3A_28 = arith.constant 1 : i32
      %select_n3A_29 = arith.select %eq3A_27, %jit3A_28, %jit3A_26 : i32
      %rem3A_30 = arith.remsi %scan3A_9, %select_n3A_29 : i32
      %ne3A_31 = arith.constant 0 : i32
      %ne3A_32 = arith.cmpi ne, %rem3A_30, %ne3A_31 : i32
      %lt3A = arith.constant 0 : i32
      %lt3A_33 = arith.cmpi slt, %rem3A_30, %lt3A : i32
      %lt3A_34 = arith.constant 0 : i32
      %lt3A_35 = arith.cmpi slt, %select_n3A_29, %lt3A_34 : i32
      %ne3A_36 = arith.xori %lt3A_33, %lt3A_35 : i1
      %and3A_37 = arith.andi %ne3A_36, %ne3A_32 : i1
      %add3A = arith.addi %rem3A_30, %select_n3A_29 : i32
      %select_n3A_38 = arith.select %and3A_37, %add3A, %rem3A_30 : i32
      %mul3A = arith.constant 16 : i32
      %mul3A_39 = arith.muli %select_n3A_38, %mul3A : i32
      %get3A = arith.index_cast %select_n3A : i32 to index
      %get3A_40 = arith.index_cast %mul3A_39 : i32 to index
      %get3A_41 = tpu.vector_load %arg7[%get3A, %get3A_40] {strides = array<i32>} : memref<64x128xi32, #tpu.memory_space<vmem>>, vector<1x16xi32>,
      %get3A_42 = vector.shape_cast %get3A_41 : vector<1x16xi32> to vector<16xi32>
      %broadcast_in_dim3A = arith.constant 2147483647 : i32
      %broadcast_in_dim3A_43 = vector.broadcast %broadcast_in_dim3A : i32 to vector<16xi32>
      %ge3A = arith.constant 499712 : i32
      %ge3A_44 = vector.broadcast %ge3A : i32 to vector<16xi32>
      %ge3A_45 = arith.cmpi sge, %get3A_42, %ge3A_44 : vector<16xi32>
      %sub3A_46 = arith.constant 499712 : i32
      %sub3A_47 = vector.broadcast %sub3A_46 : i32 to vector<16xi32>
      %sub3A_48 = arith.subi %get3A_42, %sub3A_47 : vector<16xi32>
      %select_n3A_49 = arith.select %ge3A_45, %sub3A_48, %broadcast_in_dim3A_43 : vector<16xi1>, vector<16xi32>
      %mul3A_50 = arith.constant 16 : i32
      %mul3A_51 = arith.muli %select_n3A_38, %mul3A_50 : i32
      %swap3A = arith.index_cast %select_n3A : i32 to index
      %swap3A_52 = arith.index_cast %mul3A_51 : i32 to index
      %swap3A_53 = tpu.vector_load %arg8[%swap3A, %swap3A_52] {strides = array<i32>} : memref<64x128xi32, #tpu.memory_space<vmem>>, vector<1x16xi32>,
      %swap3A_54 = vector.shape_cast %swap3A_53 : vector<1x16xi32> to vector<16xi32>
      %swap3A_55 = vector.shape_cast %select_n3A_49 : vector<16xi32> to vector<1x16xi32>
      tpu.vector_store %arg8[%swap3A, %swap3A_52], %swap3A_55 {strides = array<i32>} : memref<64x128xi32, #tpu.memory_space<vmem>>, vector<1x16xi32>,
      %lt3A_56 = arith.constant 499712 : i32
      %lt3A_57 = vector.broadcast %lt3A_56 : i32 to vector<16xi32>
      %lt3A_58 = arith.cmpi slt, %get3A_42, %lt3A_57 : vector<16xi32>
      %select_n3A_59 = arith.select %lt3A_58, %get3A_42, %broadcast_in_dim3A_43 : vector<16xi1>, vector<16xi32>
      %mul3A_60 = arith.constant 16 : i32
      %mul3A_61 = arith.muli %select_n3A_38, %mul3A_60 : i32
      %swap3A_62 = arith.index_cast %select_n3A : i32 to index
      %swap3A_63 = arith.index_cast %mul3A_61 : i32 to index
      %swap3A_64 = tpu.vector_load %arg7[%swap3A_62, %swap3A_63] {strides = array<i32>} : memref<64x128xi32, #tpu.memory_space<vmem>>, vector<1x16xi32>,
      %swap3A_65 = vector.shape_cast %swap3A_64 : vector<1x16xi32> to vector<16xi32>
      %swap3A_66 = vector.shape_cast %select_n3A_59 : vector<16xi32> to vector<1x16xi32>
      tpu.vector_store %arg7[%swap3A_62, %swap3A_63], %swap3A_66 {strides = array<i32>} : memref<64x128xi32, #tpu.memory_space<vmem>>, vector<1x16xi32>,
    }
    %scan3A_3 = arith.constant 512 : i32
    %scan3A_4 = arith.constant 0 : i32
    %scan3A_5 = arith.constant 4 : i32
    %scan3A_6 = arith.addi %scan3A_4, %scan3A_5 : i32
    %scan3A_7 = arith.constant 1 : i32
    scf.for %scan3A_9 = %scan3A_4 to %scan3A_6 step %scan3A_7  : i32 {
      %scan3A_10 = arith.constant 0 : i32
      %scan3A_11 = arith.constant 8 : i32
      %scan3A_12 = arith.addi %scan3A_10, %scan3A_11 : i32
      %scan3A_13 = arith.constant 1 : i32
      scf.for %scan3A_20 = %scan3A_10 to %scan3A_12 step %scan3A_13  : i32 {
        %mul3A_21 = arith.constant 32 : i32
        %mul3A_22 = arith.muli %arg0, %mul3A_21 : i32
        %mul3A_23 = arith.constant 8 : i32
        %mul3A_24 = arith.muli %scan3A_9, %mul3A_23 : i32
        %add3A_25 = arith.addi %mul3A_22, %mul3A_24 : i32
        %add3A_26 = arith.addi %add3A_25, %scan3A_20 : i32
        %mul3A_27 = arith.constant 31232 : i32
        %mul3A_28 = arith.muli %arg1, %mul3A_27 : i32
        %multiple_of3A_29 = tpu.assume_multiple %mul3A_28, 128 : i32
        %mul3A_30 = arith.constant 31232 : i32
        %mul3A_31 = arith.muli %arg1, %mul3A_30 : i32
        %add3A_32 = arith.constant 0 : i32
        %add3A_33 = arith.addi %add3A_32, %mul3A_31 : i32
        %multiple_of3A_34 = tpu.assume_multiple %add3A_33, 128 : i32
        "tpu.region"() ({
          %run_scoped3A = tpu.sem_alloc : memref<!tpu.dma_semaphore, #tpu.memory_space<semaphore_mem>>
          %dma_start3A = tpu.memref_slice %arg6[%multiple_of3A_29] : memref<500352xf32, #tpu.memory_space<vmem_shared>> -> memref<31232xf32, #tpu.memory_space<vmem_shared>>
          %dma_start3A_91 = arith.constant 0 : i32
          %dma_start3A_92 = tpu.memref_slice %arg2[%add3A_26, %dma_start3A_91] : memref<64x1000000xf32, #tpu.memory_space<hbm>> -> memref<1x1000000xf32, #tpu.memory_space<hbm>>
          %dma_start3A_93 = tpu.memref_squeeze %dma_start3A_92 : memref<1x1000000xf32, #tpu.memory_space<hbm>> -> memref<1000000xf32, #tpu.memory_space<hbm>>
          %dma_start3A_94 = tpu.memref_slice %dma_start3A_93[%multiple_of3A_34] : memref<1000000xf32, #tpu.memory_space<hbm>> -> memref<31232xf32, #tpu.memory_space<hbm>>
          tpu.enqueue_dma source(%dma_start3A_94 : memref<31232xf32, #tpu.memory_space<hbm>>) target(%dma_start3A : memref<31232xf32, #tpu.memory_space<vmem_shared>>) target_semaphore(%run_scoped3A : memref<!tpu.dma_semaphore, #tpu.memory_space<semaphore_mem>>)
          %dma_wait3A_95 = tpu.memref_slice %arg6[%multiple_of3A_29] : memref<500352xf32, #tpu.memory_space<vmem_shared>> -> memref<31232xf32, #tpu.memory_space<vmem_shared>>
          %dma_wait3A_96 = arith.constant 0 : i32
          %dma_wait3A_97 = tpu.memref_slice %arg2[%add3A_26, %dma_wait3A_96] : memref<64x1000000xf32, #tpu.memory_space<hbm>> -> memref<1x1000000xf32, #tpu.memory_space<hbm>>
          %dma_wait3A_98 = tpu.memref_squeeze %dma_wait3A_97 : memref<1x1000000xf32, #tpu.memory_space<hbm>> -> memref<1000000xf32, #tpu.memory_space<hbm>>
          %dma_wait3A_99 = tpu.memref_slice %dma_wait3A_98[%multiple_of3A_34] : memref<1000000xf32, #tpu.memory_space<hbm>> -> memref<31232xf32, #tpu.memory_space<hbm>>
          tpu.wait_dma2 semaphore(%run_scoped3A : memref<!tpu.dma_semaphore, #tpu.memory_space<semaphore_mem>>) src(%dma_wait3A_99 : memref<31232xf32, #tpu.memory_space<hbm>>) dst(%dma_wait3A_95 : memref<31232xf32, #tpu.memory_space<vmem_shared>>)
          tpu.yield
        }) : () -> ()
        %barrier3A = arith.constant 0 : index
        tpu.barrier barrier_id(%barrier3A)
        %scan3A_35 = arith.constant 0 : i32
        %scan3A_36 = arith.constant 8 : i32
        %scan3A_37 = arith.addi %scan3A_35, %scan3A_36 : i32
        %scan3A_38 = arith.constant 1 : i32
        scf.for %scan3A_91 = %scan3A_35 to %scan3A_37 step %scan3A_38  : i32 {
          %mul3A_92 = arith.constant 8 : i32
          %mul3A_93 = arith.muli %scan3A_91, %mul3A_92 : i32
          %add3A_94 = arith.constant 0 : i32
          %add3A_95 = arith.addi %mul3A_93, %add3A_94 : i32
          %mul3A_96 = arith.constant 128 : i32
          %mul3A_97 = arith.muli %add3A_95, %mul3A_96 : i32
          %dma_start3A = tpu.memref_slice %arg9[%scan3A_20, %mul3A_97] : memref<8x8192xf32, #tpu.memory_space<vmem>> -> memref<1x128xf32, #tpu.memory_space<vmem>>
          %dma_start3A_98 = tpu.memref_squeeze %dma_start3A : memref<1x128xf32, #tpu.memory_space<vmem>> -> memref<128xf32, #tpu.memory_space<vmem>>
          %dma_start3A_99 = arith.constant 0 : i32
          %dma_start3A_100 = tpu.memref_slice %arg7[%add3A_95, %dma_start3A_99] : memref<64x128xi32, #tpu.memory_space<vmem>> -> memref<1x128xi32, #tpu.memory_space<vmem>>
          %dma_start3A_101 = tpu.memref_squeeze %dma_start3A_100 : memref<1x128xi32, #tpu.memory_space<vmem>> -> memref<128xi32, #tpu.memory_space<vmem>>
          %dma_start3A_102 = arith.constant 0 : i32
          %dma_start3A_103 = tpu.memref_slice %arg6[%dma_start3A_102] : memref<500352xf32, #tpu.memory_space<vmem_shared>> -> memref<500352xf32, #tpu.memory_space<vmem_shared>>
          %dma_start3A_104 = arith.constant 2147483647 : i32
          tpu.enqueue_indirect_dma source(%dma_start3A_103 : memref<500352xf32, #tpu.memory_space<vmem_shared>>) target(%dma_start3A_98 : memref<128xf32, #tpu.memory_space<vmem>>) offsets(%dma_start3A_101 : memref<128xi32, #tpu.memory_space<vmem>>) offset_filter(%dma_start3A_104) semaphore(%arg10 : memref<!tpu.dma_semaphore, #tpu.memory_space<semaphore_mem>>)
          %mul3A_105 = arith.constant 8 : i32
          %mul3A_106 = arith.muli %scan3A_91, %mul3A_105 : i32
          %add3A_107 = arith.constant 1 : i32
          %add3A_108 = arith.addi %mul3A_106, %add3A_107 : i32
          %mul3A_109 = arith.constant 128 : i32
          %mul3A_110 = arith.muli %add3A_108, %mul3A_109 : i32
          %dma_start3A_111 = tpu.memref_slice %arg9[%scan3A_20, %mul3A_110] : memref<8x8192xf32, #tpu.memory_space<vmem>> -> memref<1x128xf32, #tpu.memory_space<vmem>>
          %dma_start3A_112 = tpu.memref_squeeze %dma_start3A_111 : memref<1x128xf32, #tpu.memory_space<vmem>> -> memref<128xf32, #tpu.memory_space<vmem>>
          %dma_start3A_113 = arith.constant 0 : i32
          %dma_start3A_114 = tpu.memref_slice %arg7[%add3A_108, %dma_start3A_113] : memref<64x128xi32, #tpu.memory_space<vmem>> -> memref<1x128xi32, #tpu.memory_space<vmem>>
          %dma_start3A_115 = tpu.memref_squeeze %dma_start3A_114 : memref<1x128xi32, #tpu.memory_space<vmem>> -> memref<128xi32, #tpu.memory_space<vmem>>
          %dma_start3A_116 = arith.constant 0 : i32
          %dma_start3A_117 = tpu.memref_slice %arg6[%dma_start3A_116] : memref<500352xf32, #tpu.memory_space<vmem_shared>> -> memref<500352xf32, #tpu.memory_space<vmem_shared>>
          %dma_start3A_118 = arith.constant 2147483647 : i32
          tpu.enqueue_indirect_dma source(%dma_start3A_117 : memref<500352xf32, #tpu.memory_space<vmem_shared>>) target(%dma_start3A_112 : memref<128xf32, #tpu.memory_space<vmem>>) offsets(%dma_start3A_115 : memref<128xi32, #tpu.memory_space<vmem>>) offset_filter(%dma_start3A_118) semaphore(%arg10 : memref<!tpu.dma_semaphore, #tpu.memory_space<semaphore_mem>>)
          %mul3A_119 = arith.constant 8 : i32
          %mul3A_120 = arith.muli %scan3A_91, %mul3A_119 : i32
          %add3A_121 = arith.constant 2 : i32
          %add3A_122 = arith.addi %mul3A_120, %add3A_121 : i32
          %mul3A_123 = arith.constant 128 : i32
          %mul3A_124 = arith.muli %add3A_122, %mul3A_123 : i32
          %dma_start3A_125 = tpu.memref_slice %arg9[%scan3A_20, %mul3A_124] : memref<8x8192xf32, #tpu.memory_space<vmem>> -> memref<1x128xf32, #tpu.memory_space<vmem>>
          %dma_start3A_126 = tpu.memref_squeeze %dma_start3A_125 : memref<1x128xf32, #tpu.memory_space<vmem>> -> memref<128xf32, #tpu.memory_space<vmem>>
          %dma_start3A_127 = arith.constant 0 : i32
          %dma_start3A_128 = tpu.memref_slice %arg7[%add3A_122, %dma_start3A_127] : memref<64x128xi32, #tpu.memory_space<vmem>> -> memref<1x128xi32, #tpu.memory_space<vmem>>
          %dma_start3A_129 = tpu.memref_squeeze %dma_start3A_128 : memref<1x128xi32, #tpu.memory_space<vmem>> -> memref<128xi32, #tpu.memory_space<vmem>>
          %dma_start3A_130 = arith.constant 0 : i32
          %dma_start3A_131 = tpu.memref_slice %arg6[%dma_start3A_130] : memref<500352xf32, #tpu.memory_space<vmem_shared>> -> memref<500352xf32, #tpu.memory_space<vmem_shared>>
          %dma_start3A_132 = arith.constant 2147483647 : i32
          tpu.enqueue_indirect_dma source(%dma_start3A_131 : memref<500352xf32, #tpu.memory_space<vmem_shared>>) target(%dma_start3A_126 : memref<128xf32, #tpu.memory_space<vmem>>) offsets(%dma_start3A_129 : memref<128xi32, #tpu.memory_space<vmem>>) offset_filter(%dma_start3A_132) semaphore(%arg10 : memref<!tpu.dma_semaphore, #tpu.memory_space<semaphore_mem>>)
          %mul3A_133 = arith.constant 8 : i32
          %mul3A_134 = arith.muli %scan3A_91, %mul3A_133 : i32
          %add3A_135 = arith.constant 3 : i32
          %add3A_136 = arith.addi %mul3A_134, %add3A_135 : i32
          %mul3A_137 = arith.constant 128 : i32
          %mul3A_138 = arith.muli %add3A_136, %mul3A_137 : i32
          %dma_start3A_139 = tpu.memref_slice %arg9[%scan3A_20, %mul3A_138] : memref<8x8192xf32, #tpu.memory_space<vmem>> -> memref<1x128xf32, #tpu.memory_space<vmem>>
          %dma_start3A_140 = tpu.memref_squeeze %dma_start3A_139 : memref<1x128xf32, #tpu.memory_space<vmem>> -> memref<128xf32, #tpu.memory_space<vmem>>
          %dma_start3A_141 = arith.constant 0 : i32
          %dma_start3A_142 = tpu.memref_slice %arg7[%add3A_136, %dma_start3A_141] : memref<64x128xi32, #tpu.memory_space<vmem>> -> memref<1x128xi32, #tpu.memory_space<vmem>>
          %dma_start3A_143 = tpu.memref_squeeze %dma_start3A_142 : memref<1x128xi32, #tpu.memory_space<vmem>> -> memref<128xi32, #tpu.memory_space<vmem>>
          %dma_start3A_144 = arith.constant 0 : i32
          %dma_start3A_145 = tpu.memref_slice %arg6[%dma_start3A_144] : memref<500352xf32, #tpu.memory_space<vmem_shared>> -> memref<500352xf32, #tpu.memory_space<vmem_shared>>
          %dma_start3A_146 = arith.constant 2147483647 : i32
          tpu.enqueue_indirect_dma source(%dma_start3A_145 : memref<500352xf32, #tpu.memory_space<vmem_shared>>) target(%dma_start3A_140 : memref<128xf32, #tpu.memory_space<vmem>>) offsets(%dma_start3A_143 : memref<128xi32, #tpu.memory_space<vmem>>) offset_filter(%dma_start3A_146) semaphore(%arg10 : memref<!tpu.dma_semaphore, #tpu.memory_space<semaphore_mem>>)
          %mul3A_147 = arith.constant 8 : i32
          %mul3A_148 = arith.muli %scan3A_91, %mul3A_147 : i32
          %add3A_149 = arith.constant 4 : i32
          %add3A_150 = arith.addi %mul3A_148, %add3A_149 : i32
          %mul3A_151 = arith.constant 128 : i32
          %mul3A_152 = arith.muli %add3A_150, %mul3A_151 : i32
          %dma_start3A_153 = tpu.memref_slice %arg9[%scan3A_20, %mul3A_152] : memref<8x8192xf32, #tpu.memory_space<vmem>> -> memref<1x128xf32, #tpu.memory_space<vmem>>
          %dma_start3A_154 = tpu.memref_squeeze %dma_start3A_153 : memref<1x128xf32, #tpu.memory_space<vmem>> -> memref<128xf32, #tpu.memory_space<vmem>>
          %dma_start3A_155 = arith.constant 0 : i32
          %dma_start3A_156 = tpu.memref_slice %arg7[%add3A_150, %dma_start3A_155] : memref<64x128xi32, #tpu.memory_space<vmem>> -> memref<1x128xi32, #tpu.memory_space<vmem>>
          %dma_start3A_157 = tpu.memref_squeeze %dma_start3A_156 : memref<1x128xi32, #tpu.memory_space<vmem>> -> memref<128xi32, #tpu.memory_space<vmem>>
          %dma_start3A_158 = arith.constant 0 : i32
          %dma_start3A_159 = tpu.memref_slice %arg6[%dma_start3A_158] : memref<500352xf32, #tpu.memory_space<vmem_shared>> -> memref<500352xf32, #tpu.memory_space<vmem_shared>>
          %dma_start3A_160 = arith.constant 2147483647 : i32
          tpu.enqueue_indirect_dma source(%dma_start3A_159 : memref<500352xf32, #tpu.memory_space<vmem_shared>>) target(%dma_start3A_154 : memref<128xf32, #tpu.memory_space<vmem>>) offsets(%dma_start3A_157 : memref<128xi32, #tpu.memory_space<vmem>>) offset_filter(%dma_start3A_160) semaphore(%arg10 : memref<!tpu.dma_semaphore, #tpu.memory_space<semaphore_mem>>)
          %mul3A_161 = arith.constant 8 : i32
          %mul3A_162 = arith.muli %scan3A_91, %mul3A_161 : i32
          %add3A_163 = arith.constant 5 : i32
          %add3A_164 = arith.addi %mul3A_162, %add3A_163 : i32
          %mul3A_165 = arith.constant 128 : i32
          %mul3A_166 = arith.muli %add3A_164, %mul3A_165 : i32
          %dma_start3A_167 = tpu.memref_slice %arg9[%scan3A_20, %mul3A_166] : memref<8x8192xf32, #tpu.memory_space<vmem>> -> memref<1x128xf32, #tpu.memory_space<vmem>>
          %dma_start3A_168 = tpu.memref_squeeze %dma_start3A_167 : memref<1x128xf32, #tpu.memory_space<vmem>> -> memref<128xf32, #tpu.memory_space<vmem>>
          %dma_start3A_169 = arith.constant 0 : i32
          %dma_start3A_170 = tpu.memref_slice %arg7[%add3A_164, %dma_start3A_169] : memref<64x128xi32, #tpu.memory_space<vmem>> -> memref<1x128xi32, #tpu.memory_space<vmem>>
          %dma_start3A_171 = tpu.memref_squeeze %dma_start3A_170 : memref<1x128xi32, #tpu.memory_space<vmem>> -> memref<128xi32, #tpu.memory_space<vmem>>
          %dma_start3A_172 = arith.constant 0 : i32
          %dma_start3A_173 = tpu.memref_slice %arg6[%dma_start3A_172] : memref<500352xf32, #tpu.memory_space<vmem_shared>> -> memref<500352xf32, #tpu.memory_space<vmem_shared>>
          %dma_start3A_174 = arith.constant 2147483647 : i32
          tpu.enqueue_indirect_dma source(%dma_start3A_173 : memref<500352xf32, #tpu.memory_space<vmem_shared>>) target(%dma_start3A_168 : memref<128xf32, #tpu.memory_space<vmem>>) offsets(%dma_start3A_171 : memref<128xi32, #tpu.memory_space<vmem>>) offset_filter(%dma_start3A_174) semaphore(%arg10 : memref<!tpu.dma_semaphore, #tpu.memory_space<semaphore_mem>>)
          %mul3A_175 = arith.constant 8 : i32
          %mul3A_176 = arith.muli %scan3A_91, %mul3A_175 : i32
          %add3A_177 = arith.constant 6 : i32
          %add3A_178 = arith.addi %mul3A_176, %add3A_177 : i32
          %mul3A_179 = arith.constant 128 : i32
          %mul3A_180 = arith.muli %add3A_178, %mul3A_179 : i32
          %dma_start3A_181 = tpu.memref_slice %arg9[%scan3A_20, %mul3A_180] : memref<8x8192xf32, #tpu.memory_space<vmem>> -> memref<1x128xf32, #tpu.memory_space<vmem>>
          %dma_start3A_182 = tpu.memref_squeeze %dma_start3A_181 : memref<1x128xf32, #tpu.memory_space<vmem>> -> memref<128xf32, #tpu.memory_space<vmem>>
          %dma_start3A_183 = arith.constant 0 : i32
          %dma_start3A_184 = tpu.memref_slice %arg7[%add3A_178, %dma_start3A_183] : memref<64x128xi32, #tpu.memory_space<vmem>> -> memref<1x128xi32, #tpu.memory_space<vmem>>
          %dma_start3A_185 = tpu.memref_squeeze %dma_start3A_184 : memref<1x128xi32, #tpu.memory_space<vmem>> -> memref<128xi32, #tpu.memory_space<vmem>>
          %dma_start3A_186 = arith.constant 0 : i32
          %dma_start3A_187 = tpu.memref_slice %arg6[%dma_start3A_186] : memref<500352xf32, #tpu.memory_space<vmem_shared>> -> memref<500352xf32, #tpu.memory_space<vmem_shared>>
          %dma_start3A_188 = arith.constant 2147483647 : i32
          tpu.enqueue_indirect_dma source(%dma_start3A_187 : memref<500352xf32, #tpu.memory_space<vmem_shared>>) target(%dma_start3A_182 : memref<128xf32, #tpu.memory_space<vmem>>) offsets(%dma_start3A_185 : memref<128xi32, #tpu.memory_space<vmem>>) offset_filter(%dma_start3A_188) semaphore(%arg10 : memref<!tpu.dma_semaphore, #tpu.memory_space<semaphore_mem>>)
          %mul3A_189 = arith.constant 8 : i32
          %mul3A_190 = arith.muli %scan3A_91, %mul3A_189 : i32
          %add3A_191 = arith.constant 7 : i32
          %add3A_192 = arith.addi %mul3A_190, %add3A_191 : i32
          %mul3A_193 = arith.constant 128 : i32
          %mul3A_194 = arith.muli %add3A_192, %mul3A_193 : i32
          %dma_start3A_195 = tpu.memref_slice %arg9[%scan3A_20, %mul3A_194] : memref<8x8192xf32, #tpu.memory_space<vmem>> -> memref<1x128xf32, #tpu.memory_space<vmem>>
          %dma_start3A_196 = tpu.memref_squeeze %dma_start3A_195 : memref<1x128xf32, #tpu.memory_space<vmem>> -> memref<128xf32, #tpu.memory_space<vmem>>
          %dma_start3A_197 = arith.constant 0 : i32
          %dma_start3A_198 = tpu.memref_slice %arg7[%add3A_192, %dma_start3A_197] : memref<64x128xi32, #tpu.memory_space<vmem>> -> memref<1x128xi32, #tpu.memory_space<vmem>>
          %dma_start3A_199 = tpu.memref_squeeze %dma_start3A_198 : memref<1x128xi32, #tpu.memory_space<vmem>> -> memref<128xi32, #tpu.memory_space<vmem>>
          %dma_start3A_200 = arith.constant 0 : i32
          %dma_start3A_201 = tpu.memref_slice %arg6[%dma_start3A_200] : memref<500352xf32, #tpu.memory_space<vmem_shared>> -> memref<500352xf32, #tpu.memory_space<vmem_shared>>
          %dma_start3A_202 = arith.constant 2147483647 : i32
          tpu.enqueue_indirect_dma source(%dma_start3A_201 : memref<500352xf32, #tpu.memory_space<vmem_shared>>) target(%dma_start3A_196 : memref<128xf32, #tpu.memory_space<vmem>>) offsets(%dma_start3A_199 : memref<128xi32, #tpu.memory_space<vmem>>) offset_filter(%dma_start3A_202) semaphore(%arg10 : memref<!tpu.dma_semaphore, #tpu.memory_space<semaphore_mem>>)
        }
        %scan3A_39 = arith.constant 8 : i32
        %dma_wait3A = arith.constant 0 : i32
        %dma_wait3A_40 = arith.constant 0 : i32
        %dma_wait3A_41 = tpu.memref_slice %arg9[%scan3A_20, %dma_wait3A_40] : memref<8x8192xf32, #tpu.memory_space<vmem>> -> memref<1x8192xf32, #tpu.memory_space<vmem>>
        %dma_wait3A_42 = tpu.memref_squeeze %dma_wait3A_41 : memref<1x8192xf32, #tpu.memory_space<vmem>> -> memref<8192xf32, #tpu.memory_space<vmem>>
        %dma_wait3A_43 = arith.constant 0 : i32
        %dma_wait3A_44 = tpu.memref_slice %arg2[%dma_wait3A, %dma_wait3A_43] : memref<64x1000000xf32, #tpu.memory_space<hbm>> -> memref<1x1000000xf32, #tpu.memory_space<hbm>>
        %dma_wait3A_45 = tpu.memref_squeeze %dma_wait3A_44 : memref<1x1000000xf32, #tpu.memory_space<hbm>> -> memref<1000000xf32, #tpu.memory_space<hbm>>
        %dma_wait3A_46 = arith.constant 0 : i32
        %dma_wait3A_47 = tpu.memref_slice %dma_wait3A_45[%dma_wait3A_46] : memref<1000000xf32, #tpu.memory_space<hbm>> -> memref<8192xf32, #tpu.memory_space<hbm>>
        %dma_wait3A_48 = arith.constant 0 : i32
        %dma_wait3A_49 = tpu.memref_slice %arg9[%scan3A_20, %dma_wait3A_48] : memref<8x8192xf32, #tpu.memory_space<vmem>> -> memref<1x8192xf32, #tpu.memory_space<vmem>>
        %dma_wait3A_50 = tpu.memref_squeeze %dma_wait3A_49 : memref<1x8192xf32, #tpu.memory_space<vmem>> -> memref<8192xf32, #tpu.memory_space<vmem>>
        %dma_wait3A_51 = arith.constant 0 : i32
        %dma_wait3A_52 = tpu.memref_slice %arg2[%dma_wait3A, %dma_wait3A_51] : memref<64x1000000xf32, #tpu.memory_space<hbm>> -> memref<1x1000000xf32, #tpu.memory_space<hbm>>
        %dma_wait3A_53 = tpu.memref_squeeze %dma_wait3A_52 : memref<1x1000000xf32, #tpu.memory_space<hbm>> -> memref<1000000xf32, #tpu.memory_space<hbm>>
        %dma_wait3A_54 = arith.constant 0 : i32
        %dma_wait3A_55 = tpu.memref_slice %dma_wait3A_53[%dma_wait3A_54] : memref<1000000xf32, #tpu.memory_space<hbm>> -> memref<8192xf32, #tpu.memory_space<hbm>>
        tpu.wait_dma2 semaphore(%arg10 : memref<!tpu.dma_semaphore, #tpu.memory_space<semaphore_mem>>) src(%dma_wait3A_55 : memref<8192xf32, #tpu.memory_space<hbm>>) dst(%dma_wait3A_50 : memref<8192xf32, #tpu.memory_space<vmem>>)
        %barrier3A_56 = arith.constant 0 : index
        tpu.barrier barrier_id(%barrier3A_56)
        %mul3A_57 = arith.constant 31232 : i32
        %mul3A_58 = arith.muli %arg1, %mul3A_57 : i32
        %multiple_of3A_59 = tpu.assume_multiple %mul3A_58, 128 : i32
        %mul3A_60 = arith.constant 31232 : i32
        %mul3A_61 = arith.muli %arg1, %mul3A_60 : i32
        %add3A_62 = arith.constant 499712 : i32
        %add3A_63 = arith.addi %add3A_62, %mul3A_61 : i32
        %multiple_of3A_64 = tpu.assume_multiple %add3A_63, 128 : i32
        "tpu.region"() ({
          %run_scoped3A = tpu.sem_alloc : memref<!tpu.dma_semaphore, #tpu.memory_space<semaphore_mem>>
          %dma_start3A = tpu.memref_slice %arg6[%multiple_of3A_59] : memref<500352xf32, #tpu.memory_space<vmem_shared>> -> memref<31232xf32, #tpu.memory_space<vmem_shared>>
          %dma_start3A_91 = arith.constant 0 : i32
          %dma_start3A_92 = tpu.memref_slice %arg2[%add3A_26, %dma_start3A_91] : memref<64x1000000xf32, #tpu.memory_space<hbm>> -> memref<1x1000000xf32, #tpu.memory_space<hbm>>
          %dma_start3A_93 = tpu.memref_squeeze %dma_start3A_92 : memref<1x1000000xf32, #tpu.memory_space<hbm>> -> memref<1000000xf32, #tpu.memory_space<hbm>>
          %dma_start3A_94 = tpu.memref_slice %dma_start3A_93[%multiple_of3A_64] : memref<1000000xf32, #tpu.memory_space<hbm>> -> memref<31232xf32, #tpu.memory_space<hbm>>
          tpu.enqueue_dma source(%dma_start3A_94 : memref<31232xf32, #tpu.memory_space<hbm>>) target(%dma_start3A : memref<31232xf32, #tpu.memory_space<vmem_shared>>) target_semaphore(%run_scoped3A : memref<!tpu.dma_semaphore, #tpu.memory_space<semaphore_mem>>)
          %dma_wait3A_95 = tpu.memref_slice %arg6[%multiple_of3A_59] : memref<500352xf32, #tpu.memory_space<vmem_shared>> -> memref<31232xf32, #tpu.memory_space<vmem_shared>>
          %dma_wait3A_96 = arith.constant 0 : i32
          %dma_wait3A_97 = tpu.memref_slice %arg2[%add3A_26, %dma_wait3A_96] : memref<64x1000000xf32, #tpu.memory_space<hbm>> -> memref<1x1000000xf32, #tpu.memory_space<hbm>>
          %dma_wait3A_98 = tpu.memref_squeeze %dma_wait3A_97 : memref<1x1000000xf32, #tpu.memory_space<hbm>> -> memref<1000000xf32, #tpu.memory_space<hbm>>
          %dma_wait3A_99 = tpu.memref_slice %dma_wait3A_98[%multiple_of3A_64] : memref<1000000xf32, #tpu.memory_space<hbm>> -> memref<31232xf32, #tpu.memory_space<hbm>>
          tpu.wait_dma2 semaphore(%run_scoped3A : memref<!tpu.dma_semaphore, #tpu.memory_space<semaphore_mem>>) src(%dma_wait3A_99 : memref<31232xf32, #tpu.memory_space<hbm>>) dst(%dma_wait3A_95 : memref<31232xf32, #tpu.memory_space<vmem_shared>>)
          tpu.yield
        }) : () -> ()
        %eq3A = arith.constant 0 : i32
        %eq3A_65 = arith.cmpi eq, %arg1, %eq3A : i32
        %convert_element_type3A = arith.extui %eq3A_65 : i1 to i32
        %cond3A = arith.constant 0 : i32
        %cond3A_66 = arith.cmpi ne, %convert_element_type3A, %cond3A : i32
        scf.if %cond3A_66 {
          "tpu.region"() ({
            %run_scoped3A = tpu.sem_alloc : memref<!tpu.dma_semaphore, #tpu.memory_space<semaphore_mem>>
            %dma_start3A = arith.constant 499712 : i32
            %dma_start3A_91 = tpu.memref_slice %arg6[%dma_start3A] : memref<500352xf32, #tpu.memory_space<vmem_shared>> -> memref<640xf32, #tpu.memory_space<vmem_shared>>
            %dma_start3A_92 = arith.constant 0 : i32
            %dma_start3A_93 = tpu.memref_slice %arg3[%add3A_26, %dma_start3A_92] : memref<64x640xf32, #tpu.memory_space<hbm>> -> memref<1x640xf32, #tpu.memory_space<hbm>>
            %dma_start3A_94 = tpu.memref_squeeze %dma_start3A_93 : memref<1x640xf32, #tpu.memory_space<hbm>> -> memref<640xf32, #tpu.memory_space<hbm>>
            tpu.enqueue_dma source(%dma_start3A_94 : memref<640xf32, #tpu.memory_space<hbm>>) target(%dma_start3A_91 : memref<640xf32, #tpu.memory_space<vmem_shared>>) target_semaphore(%run_scoped3A : memref<!tpu.dma_semaphore, #tpu.memory_space<semaphore_mem>>)
            %dma_wait3A_95 = arith.constant 499712 : i32
            %dma_wait3A_96 = tpu.memref_slice %arg6[%dma_wait3A_95] : memref<500352xf32, #tpu.memory_space<vmem_shared>> -> memref<640xf32, #tpu.memory_space<vmem_shared>>
            %dma_wait3A_97 = arith.constant 0 : i32
            %dma_wait3A_98 = tpu.memref_slice %arg3[%add3A_26, %dma_wait3A_97] : memref<64x640xf32, #tpu.memory_space<hbm>> -> memref<1x640xf32, #tpu.memory_space<hbm>>
            %dma_wait3A_99 = tpu.memref_squeeze %dma_wait3A_98 : memref<1x640xf32, #tpu.memory_space<hbm>> -> memref<640xf32, #tpu.memory_space<hbm>>
            tpu.wait_dma2 semaphore(%run_scoped3A : memref<!tpu.dma_semaphore, #tpu.memory_space<semaphore_mem>>) src(%dma_wait3A_99 : memref<640xf32, #tpu.memory_space<hbm>>) dst(%dma_wait3A_96 : memref<640xf32, #tpu.memory_space<vmem_shared>>)
            tpu.yield
          }) : () -> ()
        } else {
        }
        %barrier3A_67 = arith.constant 0 : index
        tpu.barrier barrier_id(%barrier3A_67)
        %scan3A_68 = arith.constant 0 : i32
        %scan3A_69 = arith.constant 8 : i32
        %scan3A_70 = arith.addi %scan3A_68, %scan3A_69 : i32
        %scan3A_71 = arith.constant 1 : i32
        scf.for %scan3A_91 = %scan3A_68 to %scan3A_70 step %scan3A_71  : i32 {
          %mul3A_92 = arith.constant 8 : i32
          %mul3A_93 = arith.muli %scan3A_91, %mul3A_92 : i32
          %add3A_94 = arith.constant 0 : i32
          %add3A_95 = arith.addi %mul3A_93, %add3A_94 : i32
          %mul3A_96 = arith.constant 128 : i32
          %mul3A_97 = arith.muli %add3A_95, %mul3A_96 : i32
          %dma_start3A = tpu.memref_slice %arg9[%scan3A_20, %mul3A_97] : memref<8x8192xf32, #tpu.memory_space<vmem>> -> memref<1x128xf32, #tpu.memory_space<vmem>>
          %dma_start3A_98 = tpu.memref_squeeze %dma_start3A : memref<1x128xf32, #tpu.memory_space<vmem>> -> memref<128xf32, #tpu.memory_space<vmem>>
          %dma_start3A_99 = arith.constant 0 : i32
          %dma_start3A_100 = tpu.memref_slice %arg8[%add3A_95, %dma_start3A_99] : memref<64x128xi32, #tpu.memory_space<vmem>> -> memref<1x128xi32, #tpu.memory_space<vmem>>
          %dma_start3A_101 = tpu.memref_squeeze %dma_start3A_100 : memref<1x128xi32, #tpu.memory_space<vmem>> -> memref<128xi32, #tpu.memory_space<vmem>>
          %dma_start3A_102 = arith.constant 0 : i32
          %dma_start3A_103 = tpu.memref_slice %arg6[%dma_start3A_102] : memref<500352xf32, #tpu.memory_space<vmem_shared>> -> memref<500352xf32, #tpu.memory_space<vmem_shared>>
          %dma_start3A_104 = arith.constant 2147483647 : i32
          tpu.enqueue_indirect_dma source(%dma_start3A_103 : memref<500352xf32, #tpu.memory_space<vmem_shared>>) target(%dma_start3A_98 : memref<128xf32, #tpu.memory_space<vmem>>) offsets(%dma_start3A_101 : memref<128xi32, #tpu.memory_space<vmem>>) offset_filter(%dma_start3A_104) semaphore(%arg10 : memref<!tpu.dma_semaphore, #tpu.memory_space<semaphore_mem>>)
          %mul3A_105 = arith.constant 8 : i32
          %mul3A_106 = arith.muli %scan3A_91, %mul3A_105 : i32
          %add3A_107 = arith.constant 1 : i32
          %add3A_108 = arith.addi %mul3A_106, %add3A_107 : i32
          %mul3A_109 = arith.constant 128 : i32
          %mul3A_110 = arith.muli %add3A_108, %mul3A_109 : i32
          %dma_start3A_111 = tpu.memref_slice %arg9[%scan3A_20, %mul3A_110] : memref<8x8192xf32, #tpu.memory_space<vmem>> -> memref<1x128xf32, #tpu.memory_space<vmem>>
          %dma_start3A_112 = tpu.memref_squeeze %dma_start3A_111 : memref<1x128xf32, #tpu.memory_space<vmem>> -> memref<128xf32, #tpu.memory_space<vmem>>
          %dma_start3A_113 = arith.constant 0 : i32
          %dma_start3A_114 = tpu.memref_slice %arg8[%add3A_108, %dma_start3A_113] : memref<64x128xi32, #tpu.memory_space<vmem>> -> memref<1x128xi32, #tpu.memory_space<vmem>>
          %dma_start3A_115 = tpu.memref_squeeze %dma_start3A_114 : memref<1x128xi32, #tpu.memory_space<vmem>> -> memref<128xi32, #tpu.memory_space<vmem>>
          %dma_start3A_116 = arith.constant 0 : i32
          %dma_start3A_117 = tpu.memref_slice %arg6[%dma_start3A_116] : memref<500352xf32, #tpu.memory_space<vmem_shared>> -> memref<500352xf32, #tpu.memory_space<vmem_shared>>
          %dma_start3A_118 = arith.constant 2147483647 : i32
          tpu.enqueue_indirect_dma source(%dma_start3A_117 : memref<500352xf32, #tpu.memory_space<vmem_shared>>) target(%dma_start3A_112 : memref<128xf32, #tpu.memory_space<vmem>>) offsets(%dma_start3A_115 : memref<128xi32, #tpu.memory_space<vmem>>) offset_filter(%dma_start3A_118) semaphore(%arg10 : memref<!tpu.dma_semaphore, #tpu.memory_space<semaphore_mem>>)
          %mul3A_119 = arith.constant 8 : i32
          %mul3A_120 = arith.muli %scan3A_91, %mul3A_119 : i32
          %add3A_121 = arith.constant 2 : i32
          %add3A_122 = arith.addi %mul3A_120, %add3A_121 : i32
          %mul3A_123 = arith.constant 128 : i32
          %mul3A_124 = arith.muli %add3A_122, %mul3A_123 : i32
          %dma_start3A_125 = tpu.memref_slice %arg9[%scan3A_20, %mul3A_124] : memref<8x8192xf32, #tpu.memory_space<vmem>> -> memref<1x128xf32, #tpu.memory_space<vmem>>
          %dma_start3A_126 = tpu.memref_squeeze %dma_start3A_125 : memref<1x128xf32, #tpu.memory_space<vmem>> -> memref<128xf32, #tpu.memory_space<vmem>>
          %dma_start3A_127 = arith.constant 0 : i32
          %dma_start3A_128 = tpu.memref_slice %arg8[%add3A_122, %dma_start3A_127] : memref<64x128xi32, #tpu.memory_space<vmem>> -> memref<1x128xi32, #tpu.memory_space<vmem>>
          %dma_start3A_129 = tpu.memref_squeeze %dma_start3A_128 : memref<1x128xi32, #tpu.memory_space<vmem>> -> memref<128xi32, #tpu.memory_space<vmem>>
          %dma_start3A_130 = arith.constant 0 : i32
          %dma_start3A_131 = tpu.memref_slice %arg6[%dma_start3A_130] : memref<500352xf32, #tpu.memory_space<vmem_shared>> -> memref<500352xf32, #tpu.memory_space<vmem_shared>>
          %dma_start3A_132 = arith.constant 2147483647 : i32
          tpu.enqueue_indirect_dma source(%dma_start3A_131 : memref<500352xf32, #tpu.memory_space<vmem_shared>>) target(%dma_start3A_126 : memref<128xf32, #tpu.memory_space<vmem>>) offsets(%dma_start3A_129 : memref<128xi32, #tpu.memory_space<vmem>>) offset_filter(%dma_start3A_132) semaphore(%arg10 : memref<!tpu.dma_semaphore, #tpu.memory_space<semaphore_mem>>)
          %mul3A_133 = arith.constant 8 : i32
          %mul3A_134 = arith.muli %scan3A_91, %mul3A_133 : i32
          %add3A_135 = arith.constant 3 : i32
          %add3A_136 = arith.addi %mul3A_134, %add3A_135 : i32
          %mul3A_137 = arith.constant 128 : i32
          %mul3A_138 = arith.muli %add3A_136, %mul3A_137 : i32
          %dma_start3A_139 = tpu.memref_slice %arg9[%scan3A_20, %mul3A_138] : memref<8x8192xf32, #tpu.memory_space<vmem>> -> memref<1x128xf32, #tpu.memory_space<vmem>>
          %dma_start3A_140 = tpu.memref_squeeze %dma_start3A_139 : memref<1x128xf32, #tpu.memory_space<vmem>> -> memref<128xf32, #tpu.memory_space<vmem>>
          %dma_start3A_141 = arith.constant 0 : i32
          %dma_start3A_142 = tpu.memref_slice %arg8[%add3A_136, %dma_start3A_141] : memref<64x128xi32, #tpu.memory_space<vmem>> -> memref<1x128xi32, #tpu.memory_space<vmem>>
          %dma_start3A_143 = tpu.memref_squeeze %dma_start3A_142 : memref<1x128xi32, #tpu.memory_space<vmem>> -> memref<128xi32, #tpu.memory_space<vmem>>
          %dma_start3A_144 = arith.constant 0 : i32
          %dma_start3A_145 = tpu.memref_slice %arg6[%dma_start3A_144] : memref<500352xf32, #tpu.memory_space<vmem_shared>> -> memref<500352xf32, #tpu.memory_space<vmem_shared>>
          %dma_start3A_146 = arith.constant 2147483647 : i32
          tpu.enqueue_indirect_dma source(%dma_start3A_145 : memref<500352xf32, #tpu.memory_space<vmem_shared>>) target(%dma_start3A_140 : memref<128xf32, #tpu.memory_space<vmem>>) offsets(%dma_start3A_143 : memref<128xi32, #tpu.memory_space<vmem>>) offset_filter(%dma_start3A_146) semaphore(%arg10 : memref<!tpu.dma_semaphore, #tpu.memory_space<semaphore_mem>>)
          %mul3A_147 = arith.constant 8 : i32
          %mul3A_148 = arith.muli %scan3A_91, %mul3A_147 : i32
          %add3A_149 = arith.constant 4 : i32
          %add3A_150 = arith.addi %mul3A_148, %add3A_149 : i32
          %mul3A_151 = arith.constant 128 : i32
          %mul3A_152 = arith.muli %add3A_150, %mul3A_151 : i32
          %dma_start3A_153 = tpu.memref_slice %arg9[%scan3A_20, %mul3A_152] : memref<8x8192xf32, #tpu.memory_space<vmem>> -> memref<1x128xf32, #tpu.memory_space<vmem>>
          %dma_start3A_154 = tpu.memref_squeeze %dma_start3A_153 : memref<1x128xf32, #tpu.memory_space<vmem>> -> memref<128xf32, #tpu.memory_space<vmem>>
          %dma_start3A_155 = arith.constant 0 : i32
          %dma_start3A_156 = tpu.memref_slice %arg8[%add3A_150, %dma_start3A_155] : memref<64x128xi32, #tpu.memory_space<vmem>> -> memref<1x128xi32, #tpu.memory_space<vmem>>
          %dma_start3A_157 = tpu.memref_squeeze %dma_start3A_156 : memref<1x128xi32, #tpu.memory_space<vmem>> -> memref<128xi32, #tpu.memory_space<vmem>>
          %dma_start3A_158 = arith.constant 0 : i32
          %dma_start3A_159 = tpu.memref_slice %arg6[%dma_start3A_158] : memref<500352xf32, #tpu.memory_space<vmem_shared>> -> memref<500352xf32, #tpu.memory_space<vmem_shared>>
          %dma_start3A_160 = arith.constant 2147483647 : i32
          tpu.enqueue_indirect_dma source(%dma_start3A_159 : memref<500352xf32, #tpu.memory_space<vmem_shared>>) target(%dma_start3A_154 : memref<128xf32, #tpu.memory_space<vmem>>) offsets(%dma_start3A_157 : memref<128xi32, #tpu.memory_space<vmem>>) offset_filter(%dma_start3A_160) semaphore(%arg10 : memref<!tpu.dma_semaphore, #tpu.memory_space<semaphore_mem>>)
          %mul3A_161 = arith.constant 8 : i32
          %mul3A_162 = arith.muli %scan3A_91, %mul3A_161 : i32
          %add3A_163 = arith.constant 5 : i32
          %add3A_164 = arith.addi %mul3A_162, %add3A_163 : i32
          %mul3A_165 = arith.constant 128 : i32
          %mul3A_166 = arith.muli %add3A_164, %mul3A_165 : i32
          %dma_start3A_167 = tpu.memref_slice %arg9[%scan3A_20, %mul3A_166] : memref<8x8192xf32, #tpu.memory_space<vmem>> -> memref<1x128xf32, #tpu.memory_space<vmem>>
          %dma_start3A_168 = tpu.memref_squeeze %dma_start3A_167 : memref<1x128xf32, #tpu.memory_space<vmem>> -> memref<128xf32, #tpu.memory_space<vmem>>
          %dma_start3A_169 = arith.constant 0 : i32
          %dma_start3A_170 = tpu.memref_slice %arg8[%add3A_164, %dma_start3A_169] : memref<64x128xi32, #tpu.memory_space<vmem>> -> memref<1x128xi32, #tpu.memory_space<vmem>>
          %dma_start3A_171 = tpu.memref_squeeze %dma_start3A_170 : memref<1x128xi32, #tpu.memory_space<vmem>> -> memref<128xi32, #tpu.memory_space<vmem>>
          %dma_start3A_172 = arith.constant 0 : i32
          %dma_start3A_173 = tpu.memref_slice %arg6[%dma_start3A_172] : memref<500352xf32, #tpu.memory_space<vmem_shared>> -> memref<500352xf32, #tpu.memory_space<vmem_shared>>
          %dma_start3A_174 = arith.constant 2147483647 : i32
          tpu.enqueue_indirect_dma source(%dma_start3A_173 : memref<500352xf32, #tpu.memory_space<vmem_shared>>) target(%dma_start3A_168 : memref<128xf32, #tpu.memory_space<vmem>>) offsets(%dma_start3A_171 : memref<128xi32, #tpu.memory_space<vmem>>) offset_filter(%dma_start3A_174) semaphore(%arg10 : memref<!tpu.dma_semaphore, #tpu.memory_space<semaphore_mem>>)
          %mul3A_175 = arith.constant 8 : i32
          %mul3A_176 = arith.muli %scan3A_91, %mul3A_175 : i32
          %add3A_177 = arith.constant 6 : i32
          %add3A_178 = arith.addi %mul3A_176, %add3A_177 : i32
          %mul3A_179 = arith.constant 128 : i32
          %mul3A_180 = arith.muli %add3A_178, %mul3A_179 : i32
          %dma_start3A_181 = tpu.memref_slice %arg9[%scan3A_20, %mul3A_180] : memref<8x8192xf32, #tpu.memory_space<vmem>> -> memref<1x128xf32, #tpu.memory_space<vmem>>
          %dma_start3A_182 = tpu.memref_squeeze %dma_start3A_181 : memref<1x128xf32, #tpu.memory_space<vmem>> -> memref<128xf32, #tpu.memory_space<vmem>>
          %dma_start3A_183 = arith.constant 0 : i32
          %dma_start3A_184 = tpu.memref_slice %arg8[%add3A_178, %dma_start3A_183] : memref<64x128xi32, #tpu.memory_space<vmem>> -> memref<1x128xi32, #tpu.memory_space<vmem>>
          %dma_start3A_185 = tpu.memref_squeeze %dma_start3A_184 : memref<1x128xi32, #tpu.memory_space<vmem>> -> memref<128xi32, #tpu.memory_space<vmem>>
          %dma_start3A_186 = arith.constant 0 : i32
          %dma_start3A_187 = tpu.memref_slice %arg6[%dma_start3A_186] : memref<500352xf32, #tpu.memory_space<vmem_shared>> -> memref<500352xf32, #tpu.memory_space<vmem_shared>>
          %dma_start3A_188 = arith.constant 2147483647 : i32
          tpu.enqueue_indirect_dma source(%dma_start3A_187 : memref<500352xf32, #tpu.memory_space<vmem_shared>>) target(%dma_start3A_182 : memref<128xf32, #tpu.memory_space<vmem>>) offsets(%dma_start3A_185 : memref<128xi32, #tpu.memory_space<vmem>>) offset_filter(%dma_start3A_188) semaphore(%arg10 : memref<!tpu.dma_semaphore, #tpu.memory_space<semaphore_mem>>)
          %mul3A_189 = arith.constant 8 : i32
          %mul3A_190 = arith.muli %scan3A_91, %mul3A_189 : i32
          %add3A_191 = arith.constant 7 : i32
          %add3A_192 = arith.addi %mul3A_190, %add3A_191 : i32
          %mul3A_193 = arith.constant 128 : i32
          %mul3A_194 = arith.muli %add3A_192, %mul3A_193 : i32
          %dma_start3A_195 = tpu.memref_slice %arg9[%scan3A_20, %mul3A_194] : memref<8x8192xf32, #tpu.memory_space<vmem>> -> memref<1x128xf32, #tpu.memory_space<vmem>>
          %dma_start3A_196 = tpu.memref_squeeze %dma_start3A_195 : memref<1x128xf32, #tpu.memory_space<vmem>> -> memref<128xf32, #tpu.memory_space<vmem>>
          %dma_start3A_197 = arith.constant 0 : i32
          %dma_start3A_198 = tpu.memref_slice %arg8[%add3A_192, %dma_start3A_197] : memref<64x128xi32, #tpu.memory_space<vmem>> -> memref<1x128xi32, #tpu.memory_space<vmem>>
          %dma_start3A_199 = tpu.memref_squeeze %dma_start3A_198 : memref<1x128xi32, #tpu.memory_space<vmem>> -> memref<128xi32, #tpu.memory_space<vmem>>
          %dma_start3A_200 = arith.constant 0 : i32
          %dma_start3A_201 = tpu.memref_slice %arg6[%dma_start3A_200] : memref<500352xf32, #tpu.memory_space<vmem_shared>> -> memref<500352xf32, #tpu.memory_space<vmem_shared>>
          %dma_start3A_202 = arith.constant 2147483647 : i32
          tpu.enqueue_indirect_dma source(%dma_start3A_201 : memref<500352xf32, #tpu.memory_space<vmem_shared>>) target(%dma_start3A_196 : memref<128xf32, #tpu.memory_space<vmem>>) offsets(%dma_start3A_199 : memref<128xi32, #tpu.memory_space<vmem>>) offset_filter(%dma_start3A_202) semaphore(%arg10 : memref<!tpu.dma_semaphore, #tpu.memory_space<semaphore_mem>>)
        }
        %scan3A_72 = arith.constant 8 : i32
        %dma_wait3A_73 = arith.constant 0 : i32
        %dma_wait3A_74 = arith.constant 0 : i32
        %dma_wait3A_75 = tpu.memref_slice %arg9[%scan3A_20, %dma_wait3A_74] : memref<8x8192xf32, #tpu.memory_space<vmem>> -> memref<1x8192xf32, #tpu.memory_space<vmem>>
        %dma_wait3A_76 = tpu.memref_squeeze %dma_wait3A_75 : memref<1x8192xf32, #tpu.memory_space<vmem>> -> memref<8192xf32, #tpu.memory_space<vmem>>
        %dma_wait3A_77 = arith.constant 0 : i32
        %dma_wait3A_78 = tpu.memref_slice %arg2[%dma_wait3A_73, %dma_wait3A_77] : memref<64x1000000xf32, #tpu.memory_space<hbm>> -> memref<1x1000000xf32, #tpu.memory_space<hbm>>
        %dma_wait3A_79 = tpu.memref_squeeze %dma_wait3A_78 : memref<1x1000000xf32, #tpu.memory_space<hbm>> -> memref<1000000xf32, #tpu.memory_space<hbm>>
        %dma_wait3A_80 = arith.constant 0 : i32
        %dma_wait3A_81 = tpu.memref_slice %dma_wait3A_79[%dma_wait3A_80] : memref<1000000xf32, #tpu.memory_space<hbm>> -> memref<8192xf32, #tpu.memory_space<hbm>>
        %dma_wait3A_82 = arith.constant 0 : i32
        %dma_wait3A_83 = tpu.memref_slice %arg9[%scan3A_20, %dma_wait3A_82] : memref<8x8192xf32, #tpu.memory_space<vmem>> -> memref<1x8192xf32, #tpu.memory_space<vmem>>
        %dma_wait3A_84 = tpu.memref_squeeze %dma_wait3A_83 : memref<1x8192xf32, #tpu.memory_space<vmem>> -> memref<8192xf32, #tpu.memory_space<vmem>>
        %dma_wait3A_85 = arith.constant 0 : i32
        %dma_wait3A_86 = tpu.memref_slice %arg2[%dma_wait3A_73, %dma_wait3A_85] : memref<64x1000000xf32, #tpu.memory_space<hbm>> -> memref<1x1000000xf32, #tpu.memory_space<hbm>>
        %dma_wait3A_87 = tpu.memref_squeeze %dma_wait3A_86 : memref<1x1000000xf32, #tpu.memory_space<hbm>> -> memref<1000000xf32, #tpu.memory_space<hbm>>
        %dma_wait3A_88 = arith.constant 0 : i32
        %dma_wait3A_89 = tpu.memref_slice %dma_wait3A_87[%dma_wait3A_88] : memref<1000000xf32, #tpu.memory_space<hbm>> -> memref<8192xf32, #tpu.memory_space<hbm>>
        tpu.wait_dma2 semaphore(%arg10 : memref<!tpu.dma_semaphore, #tpu.memory_space<semaphore_mem>>) src(%dma_wait3A_89 : memref<8192xf32, #tpu.memory_space<hbm>>) dst(%dma_wait3A_84 : memref<8192xf32, #tpu.memory_space<vmem>>)
        %barrier3A_90 = arith.constant 0 : index
        tpu.barrier barrier_id(%barrier3A_90)
      }
      %scan3A_14 = arith.constant 8 : i32
      %mul3A = arith.constant 32 : i32
      %mul3A_15 = arith.muli %arg0, %mul3A : i32
      %mul3A_16 = arith.constant 8 : i32
      %mul3A_17 = arith.muli %scan3A_9, %mul3A_16 : i32
      %add3A = arith.addi %mul3A_15, %mul3A_17 : i32
      %multiple_of3A = tpu.assume_multiple %add3A, 8 : i32
      %mul3A_18 = arith.constant 8192 : i32
      %mul3A_19 = arith.muli %arg1, %mul3A_18 : i32
      "tpu.region"() ({
        %run_scoped3A = tpu.sem_alloc : memref<!tpu.dma_semaphore, #tpu.memory_space<semaphore_mem>>
        %dma_start3A = tpu.memref_slice %arg5[%multiple_of3A, %mul3A_19] : memref<64x131072xf32, #tpu.memory_space<hbm>> -> memref<8x8192xf32, #tpu.memory_space<hbm>>
        %dma_start3A_20 = tpu.memref_slice %arg5[%multiple_of3A, %mul3A_19] : memref<64x131072xf32, #tpu.memory_space<hbm>> -> memref<8x8192xf32, #tpu.memory_space<hbm>>
        tpu.enqueue_dma source(%arg9 : memref<8x8192xf32, #tpu.memory_space<vmem>>) target(%dma_start3A_20 : memref<8x8192xf32, #tpu.memory_space<hbm>>) target_semaphore(%run_scoped3A : memref<!tpu.dma_semaphore, #tpu.memory_space<semaphore_mem>>)
        %dma_wait3A = tpu.memref_slice %arg5[%multiple_of3A, %mul3A_19] : memref<64x131072xf32, #tpu.memory_space<hbm>> -> memref<8x8192xf32, #tpu.memory_space<hbm>>
        %dma_wait3A_21 = tpu.memref_slice %arg5[%multiple_of3A, %mul3A_19] : memref<64x131072xf32, #tpu.memory_space<hbm>> -> memref<8x8192xf32, #tpu.memory_space<hbm>>
        tpu.wait_dma2 semaphore(%run_scoped3A : memref<!tpu.dma_semaphore, #tpu.memory_space<semaphore_mem>>) src(%arg9 : memref<8x8192xf32, #tpu.memory_space<vmem>>) dst(%dma_wait3A_21 : memref<8x8192xf32, #tpu.memory_space<hbm>>)
        tpu.yield
      }) : () -> ()
    }
    %scan3A_8 = arith.constant 4 : i32
    return
  }
}

module attributes {stable_mosaic.version = 14 : i64} {
  func.func @_tc_dist_body(%arg0: i32, %arg1: memref<32x64xf32, #tpu.memory_space<vmem>>, %arg2: memref<64x8192xf32, #tpu.memory_space<vmem>>, %arg3: memref<1x1xf32, #tpu.memory_space<smem>>) attributes {dimension_semantics = [#tpu.dimension_semantics<arbitrary>], iteration_bounds = array<i64: 16>, scalar_prefetch = 0 : i64, scratch_operands = 0 : i64, tpu.core_type = #tpu.core_type<tc>, window_params = [{pipeline_mode = #tpu.pipeline_mode<synchronous>, transform_indices = @transform_0, window_bounds = array<i64: 32, 64>}, {transform_indices = @transform_1, window_bounds = array<i64: 64, 8192>}, {transform_indices = @transform_2, window_bounds = array<i64: 1, 1>}]} {
    %get3A = arith.constant 0 : index
    %get3A_0 = arith.constant 0 : index
    %get3A_1 = vector.load %arg1[%get3A, %get3A_0] : memref<32x64xf32, #tpu.memory_space<vmem>>, vector<32x64xf32>
    %get3A_2 = arith.constant 0 : index
    %get3A_3 = arith.constant 0 : index
    %get3A_4 = vector.load %arg2[%get3A_2, %get3A_3] : memref<64x8192xf32, #tpu.memory_space<vmem>>, vector<64x8192xf32>
    %mul3A = arith.mulf %get3A_1, %get3A_1 : vector<32x64xf32>
    %reduce_sum3A = arith.constant dense<0.000000e+00> : vector<32xf32>
    %reduce_sum3A_5 = vector.multi_reduction <add>, %mul3A, %reduce_sum3A [1] : vector<32x64xf32> to vector<32xf32>
    %broadcast_in_dim3A = arith.constant 1.000000e+00 : f32
    %broadcast_in_dim3A_6 = vector.broadcast %broadcast_in_dim3A : f32 to vector<1x64xf32>
    %mul3A_7 = arith.mulf %get3A_4, %get3A_4 : vector<64x8192xf32>
    %dot_general3A = arith.constant dense<0.000000e+00> : vector<1x8192xf32>
    %dot_general3A_8 = tpu.matmul %broadcast_in_dim3A_6, %mul3A_7, %dot_general3A {dimension_numbers = #tpu.dot_dimension_numbers<[1], [0], [0], [1], [0, 0, 1, 1], [], []>, transpose_lhs_hint = false} : vector<1x64xf32>, vector<64x8192xf32>, vector<1x8192xf32> -> vector<1x8192xf32>
    %dot_general3A_9 = arith.constant dense<0.000000e+00> : vector<32x8192xf32>
    %dot_general3A_10 = tpu.matmul %get3A_1, %get3A_4, %dot_general3A_9 {dimension_numbers = #tpu.dot_dimension_numbers<[1], [0], [0], [1], [0, 0, 1, 1], [], []>, transpose_lhs_hint = false} : vector<32x64xf32>, vector<64x8192xf32>, vector<32x8192xf32> -> vector<32x8192xf32>
    %broadcast_in_dim3A_11 = vector.shape_cast %reduce_sum3A_5 : vector<32xf32> to vector<32x1xf32>
    %add3A = vector.broadcast %dot_general3A_8 : vector<1x8192xf32> to vector<32x8192xf32>
    %add3A_12 = vector.broadcast %broadcast_in_dim3A_11 : vector<32x1xf32> to vector<32x8192xf32>
    %add3A_13 = arith.addf %add3A, %add3A_12 : vector<32x8192xf32>
    %mul3A_14 = arith.constant 2.000000e+00 : f32
    %mul3A_15 = vector.broadcast %mul3A_14 : f32 to vector<32x8192xf32>
    %mul3A_16 = arith.mulf %mul3A_15, %dot_general3A_10 : vector<32x8192xf32>
    %sub3A = arith.subf %add3A_13, %mul3A_16 : vector<32x8192xf32>
    %slice3A = vector.extract_strided_slice %sub3A {offsets = [0, 0], sizes = [32, 128], strides = [1, 1]} : vector<32x8192xf32> to vector<32x128xf32>
    %reduce_min3A = arith.constant dense<0x7F800000> : vector<32xf32>
    %reduce_min3A_17 = vector.multi_reduction <minimumf>, %slice3A, %reduce_min3A [1] : vector<32x128xf32> to vector<32xf32>
    %max3A = arith.constant 0.000000e+00 : f32
    %max3A_18 = vector.broadcast %max3A : f32 to vector<32xf32>
    %max3A_19 = arith.maximumf %reduce_min3A_17, %max3A_18 : vector<32xf32>
    %sqrt3A = math.sqrt %max3A_19 : vector<32xf32>
    %reduce_sum3A_20 = vector.shape_cast %sqrt3A : vector<32xf32> to vector<1x32xf32>
    %reduce_sum3A_21 = arith.constant dense<0.000000e+00> : vector<1xf32>
    %reduce_sum3A_22 = vector.multi_reduction <add>, %reduce_sum3A_20, %reduce_sum3A_21 [1] : vector<1x32xf32> to vector<1xf32>
    %reduce_sum3A_23 = vector.shape_cast %reduce_sum3A_22 : vector<1xf32> to vector<1x1xf32>
    %reduce_sum3A_24 = vector.extract %reduce_sum3A_23[0, 0] : f32 from vector<1x1xf32>
    %add3A_25 = arith.constant 0.000000e+00 : f32
    %add3A_26 = arith.addf %add3A_25, %reduce_sum3A_24 : f32
    %slice3A_27 = vector.extract_strided_slice %sub3A {offsets = [0, 128], sizes = [32, 128], strides = [1, 1]} : vector<32x8192xf32> to vector<32x128xf32>
    %reduce_min3A_28 = arith.constant dense<0x7F800000> : vector<32xf32>
    %reduce_min3A_29 = vector.multi_reduction <minimumf>, %slice3A_27, %reduce_min3A_28 [1] : vector<32x128xf32> to vector<32xf32>
    %max3A_30 = arith.constant 0.000000e+00 : f32
    %max3A_31 = vector.broadcast %max3A_30 : f32 to vector<32xf32>
    %max3A_32 = arith.maximumf %reduce_min3A_29, %max3A_31 : vector<32xf32>
    %sqrt3A_33 = math.sqrt %max3A_32 : vector<32xf32>
    %reduce_sum3A_34 = vector.shape_cast %sqrt3A_33 : vector<32xf32> to vector<1x32xf32>
    %reduce_sum3A_35 = arith.constant dense<0.000000e+00> : vector<1xf32>
    %reduce_sum3A_36 = vector.multi_reduction <add>, %reduce_sum3A_34, %reduce_sum3A_35 [1] : vector<1x32xf32> to vector<1xf32>
    %reduce_sum3A_37 = vector.shape_cast %reduce_sum3A_36 : vector<1xf32> to vector<1x1xf32>
    %reduce_sum3A_38 = vector.extract %reduce_sum3A_37[0, 0] : f32 from vector<1x1xf32>
    %add3A_39 = arith.addf %add3A_26, %reduce_sum3A_38 : f32
    %slice3A_40 = vector.extract_strided_slice %sub3A {offsets = [0, 256], sizes = [32, 128], strides = [1, 1]} : vector<32x8192xf32> to vector<32x128xf32>
    %reduce_min3A_41 = arith.constant dense<0x7F800000> : vector<32xf32>
    %reduce_min3A_42 = vector.multi_reduction <minimumf>, %slice3A_40, %reduce_min3A_41 [1] : vector<32x128xf32> to vector<32xf32>
    %max3A_43 = arith.constant 0.000000e+00 : f32
    %max3A_44 = vector.broadcast %max3A_43 : f32 to vector<32xf32>
    %max3A_45 = arith.maximumf %reduce_min3A_42, %max3A_44 : vector<32xf32>
    %sqrt3A_46 = math.sqrt %max3A_45 : vector<32xf32>
    %reduce_sum3A_47 = vector.shape_cast %sqrt3A_46 : vector<32xf32> to vector<1x32xf32>
    %reduce_sum3A_48 = arith.constant dense<0.000000e+00> : vector<1xf32>
    %reduce_sum3A_49 = vector.multi_reduction <add>, %reduce_sum3A_47, %reduce_sum3A_48 [1] : vector<1x32xf32> to vector<1xf32>
    %reduce_sum3A_50 = vector.shape_cast %reduce_sum3A_49 : vector<1xf32> to vector<1x1xf32>
    %reduce_sum3A_51 = vector.extract %reduce_sum3A_50[0, 0] : f32 from vector<1x1xf32>
    %add3A_52 = arith.addf %add3A_39, %reduce_sum3A_51 : f32
    %slice3A_53 = vector.extract_strided_slice %sub3A {offsets = [0, 384], sizes = [32, 128], strides = [1, 1]} : vector<32x8192xf32> to vector<32x128xf32>
    %reduce_min3A_54 = arith.constant dense<0x7F800000> : vector<32xf32>
    %reduce_min3A_55 = vector.multi_reduction <minimumf>, %slice3A_53, %reduce_min3A_54 [1] : vector<32x128xf32> to vector<32xf32>
    %max3A_56 = arith.constant 0.000000e+00 : f32
    %max3A_57 = vector.broadcast %max3A_56 : f32 to vector<32xf32>
    %max3A_58 = arith.maximumf %reduce_min3A_55, %max3A_57 : vector<32xf32>
    %sqrt3A_59 = math.sqrt %max3A_58 : vector<32xf32>
    %reduce_sum3A_60 = vector.shape_cast %sqrt3A_59 : vector<32xf32> to vector<1x32xf32>
    %reduce_sum3A_61 = arith.constant dense<0.000000e+00> : vector<1xf32>
    %reduce_sum3A_62 = vector.multi_reduction <add>, %reduce_sum3A_60, %reduce_sum3A_61 [1] : vector<1x32xf32> to vector<1xf32>
    %reduce_sum3A_63 = vector.shape_cast %reduce_sum3A_62 : vector<1xf32> to vector<1x1xf32>
    %reduce_sum3A_64 = vector.extract %reduce_sum3A_63[0, 0] : f32 from vector<1x1xf32>
    %add3A_65 = arith.addf %add3A_52, %reduce_sum3A_64 : f32
    %slice3A_66 = vector.extract_strided_slice %sub3A {offsets = [0, 512], sizes = [32, 128], strides = [1, 1]} : vector<32x8192xf32> to vector<32x128xf32>
    %reduce_min3A_67 = arith.constant dense<0x7F800000> : vector<32xf32>
    %reduce_min3A_68 = vector.multi_reduction <minimumf>, %slice3A_66, %reduce_min3A_67 [1] : vector<32x128xf32> to vector<32xf32>
    %max3A_69 = arith.constant 0.000000e+00 : f32
    %max3A_70 = vector.broadcast %max3A_69 : f32 to vector<32xf32>
    %max3A_71 = arith.maximumf %reduce_min3A_68, %max3A_70 : vector<32xf32>
    %sqrt3A_72 = math.sqrt %max3A_71 : vector<32xf32>
    %reduce_sum3A_73 = vector.shape_cast %sqrt3A_72 : vector<32xf32> to vector<1x32xf32>
    %reduce_sum3A_74 = arith.constant dense<0.000000e+00> : vector<1xf32>
    %reduce_sum3A_75 = vector.multi_reduction <add>, %reduce_sum3A_73, %reduce_sum3A_74 [1] : vector<1x32xf32> to vector<1xf32>
    %reduce_sum3A_76 = vector.shape_cast %reduce_sum3A_75 : vector<1xf32> to vector<1x1xf32>
    %reduce_sum3A_77 = vector.extract %reduce_sum3A_76[0, 0] : f32 from vector<1x1xf32>
    %add3A_78 = arith.addf %add3A_65, %reduce_sum3A_77 : f32
    %slice3A_79 = vector.extract_strided_slice %sub3A {offsets = [0, 640], sizes = [32, 128], strides = [1, 1]} : vector<32x8192xf32> to vector<32x128xf32>
    %reduce_min3A_80 = arith.constant dense<0x7F800000> : vector<32xf32>
    %reduce_min3A_81 = vector.multi_reduction <minimumf>, %slice3A_79, %reduce_min3A_80 [1] : vector<32x128xf32> to vector<32xf32>
    %max3A_82 = arith.constant 0.000000e+00 : f32
    %max3A_83 = vector.broadcast %max3A_82 : f32 to vector<32xf32>
    %max3A_84 = arith.maximumf %reduce_min3A_81, %max3A_83 : vector<32xf32>
    %sqrt3A_85 = math.sqrt %max3A_84 : vector<32xf32>
    %reduce_sum3A_86 = vector.shape_cast %sqrt3A_85 : vector<32xf32> to vector<1x32xf32>
    %reduce_sum3A_87 = arith.constant dense<0.000000e+00> : vector<1xf32>
    %reduce_sum3A_88 = vector.multi_reduction <add>, %reduce_sum3A_86, %reduce_sum3A_87 [1] : vector<1x32xf32> to vector<1xf32>
    %reduce_sum3A_89 = vector.shape_cast %reduce_sum3A_88 : vector<1xf32> to vector<1x1xf32>
    %reduce_sum3A_90 = vector.extract %reduce_sum3A_89[0, 0] : f32 from vector<1x1xf32>
    %add3A_91 = arith.addf %add3A_78, %reduce_sum3A_90 : f32
    %slice3A_92 = vector.extract_strided_slice %sub3A {offsets = [0, 768], sizes = [32, 128], strides = [1, 1]} : vector<32x8192xf32> to vector<32x128xf32>
    %reduce_min3A_93 = arith.constant dense<0x7F800000> : vector<32xf32>
    %reduce_min3A_94 = vector.multi_reduction <minimumf>, %slice3A_92, %reduce_min3A_93 [1] : vector<32x128xf32> to vector<32xf32>
    %max3A_95 = arith.constant 0.000000e+00 : f32
    %max3A_96 = vector.broadcast %max3A_95 : f32 to vector<32xf32>
    %max3A_97 = arith.maximumf %reduce_min3A_94, %max3A_96 : vector<32xf32>
    %sqrt3A_98 = math.sqrt %max3A_97 : vector<32xf32>
    %reduce_sum3A_99 = vector.shape_cast %sqrt3A_98 : vector<32xf32> to vector<1x32xf32>
    %reduce_sum3A_100 = arith.constant dense<0.000000e+00> : vector<1xf32>
    %reduce_sum3A_101 = vector.multi_reduction <add>, %reduce_sum3A_99, %reduce_sum3A_100 [1] : vector<1x32xf32> to vector<1xf32>
    %reduce_sum3A_102 = vector.shape_cast %reduce_sum3A_101 : vector<1xf32> to vector<1x1xf32>
    %reduce_sum3A_103 = vector.extract %reduce_sum3A_102[0, 0] : f32 from vector<1x1xf32>
    %add3A_104 = arith.addf %add3A_91, %reduce_sum3A_103 : f32
    %slice3A_105 = vector.extract_strided_slice %sub3A {offsets = [0, 896], sizes = [32, 128], strides = [1, 1]} : vector<32x8192xf32> to vector<32x128xf32>
    %reduce_min3A_106 = arith.constant dense<0x7F800000> : vector<32xf32>
    %reduce_min3A_107 = vector.multi_reduction <minimumf>, %slice3A_105, %reduce_min3A_106 [1] : vector<32x128xf32> to vector<32xf32>
    %max3A_108 = arith.constant 0.000000e+00 : f32
    %max3A_109 = vector.broadcast %max3A_108 : f32 to vector<32xf32>
    %max3A_110 = arith.maximumf %reduce_min3A_107, %max3A_109 : vector<32xf32>
    %sqrt3A_111 = math.sqrt %max3A_110 : vector<32xf32>
    %reduce_sum3A_112 = vector.shape_cast %sqrt3A_111 : vector<32xf32> to vector<1x32xf32>
    %reduce_sum3A_113 = arith.constant dense<0.000000e+00> : vector<1xf32>
    %reduce_sum3A_114 = vector.multi_reduction <add>, %reduce_sum3A_112, %reduce_sum3A_113 [1] : vector<1x32xf32> to vector<1xf32>
    %reduce_sum3A_115 = vector.shape_cast %reduce_sum3A_114 : vector<1xf32> to vector<1x1xf32>
    %reduce_sum3A_116 = vector.extract %reduce_sum3A_115[0, 0] : f32 from vector<1x1xf32>
    %add3A_117 = arith.addf %add3A_104, %reduce_sum3A_116 : f32
    %slice3A_118 = vector.extract_strided_slice %sub3A {offsets = [0, 1024], sizes = [32, 128], strides = [1, 1]} : vector<32x8192xf32> to vector<32x128xf32>
    %reduce_min3A_119 = arith.constant dense<0x7F800000> : vector<32xf32>
    %reduce_min3A_120 = vector.multi_reduction <minimumf>, %slice3A_118, %reduce_min3A_119 [1] : vector<32x128xf32> to vector<32xf32>
    %max3A_121 = arith.constant 0.000000e+00 : f32
    %max3A_122 = vector.broadcast %max3A_121 : f32 to vector<32xf32>
    %max3A_123 = arith.maximumf %reduce_min3A_120, %max3A_122 : vector<32xf32>
    %sqrt3A_124 = math.sqrt %max3A_123 : vector<32xf32>
    %reduce_sum3A_125 = vector.shape_cast %sqrt3A_124 : vector<32xf32> to vector<1x32xf32>
    %reduce_sum3A_126 = arith.constant dense<0.000000e+00> : vector<1xf32>
    %reduce_sum3A_127 = vector.multi_reduction <add>, %reduce_sum3A_125, %reduce_sum3A_126 [1] : vector<1x32xf32> to vector<1xf32>
    %reduce_sum3A_128 = vector.shape_cast %reduce_sum3A_127 : vector<1xf32> to vector<1x1xf32>
    %reduce_sum3A_129 = vector.extract %reduce_sum3A_128[0, 0] : f32 from vector<1x1xf32>
    %add3A_130 = arith.addf %add3A_117, %reduce_sum3A_129 : f32
    %slice3A_131 = vector.extract_strided_slice %sub3A {offsets = [0, 1152], sizes = [32, 128], strides = [1, 1]} : vector<32x8192xf32> to vector<32x128xf32>
    %reduce_min3A_132 = arith.constant dense<0x7F800000> : vector<32xf32>
    %reduce_min3A_133 = vector.multi_reduction <minimumf>, %slice3A_131, %reduce_min3A_132 [1] : vector<32x128xf32> to vector<32xf32>
    %max3A_134 = arith.constant 0.000000e+00 : f32
    %max3A_135 = vector.broadcast %max3A_134 : f32 to vector<32xf32>
    %max3A_136 = arith.maximumf %reduce_min3A_133, %max3A_135 : vector<32xf32>
    %sqrt3A_137 = math.sqrt %max3A_136 : vector<32xf32>
    %reduce_sum3A_138 = vector.shape_cast %sqrt3A_137 : vector<32xf32> to vector<1x32xf32>
    %reduce_sum3A_139 = arith.constant dense<0.000000e+00> : vector<1xf32>
    %reduce_sum3A_140 = vector.multi_reduction <add>, %reduce_sum3A_138, %reduce_sum3A_139 [1] : vector<1x32xf32> to vector<1xf32>
    %reduce_sum3A_141 = vector.shape_cast %reduce_sum3A_140 : vector<1xf32> to vector<1x1xf32>
    %reduce_sum3A_142 = vector.extract %reduce_sum3A_141[0, 0] : f32 from vector<1x1xf32>
    %add3A_143 = arith.addf %add3A_130, %reduce_sum3A_142 : f32
    %slice3A_144 = vector.extract_strided_slice %sub3A {offsets = [0, 1280], sizes = [32, 128], strides = [1, 1]} : vector<32x8192xf32> to vector<32x128xf32>
    %reduce_min3A_145 = arith.constant dense<0x7F800000> : vector<32xf32>
    %reduce_min3A_146 = vector.multi_reduction <minimumf>, %slice3A_144, %reduce_min3A_145 [1] : vector<32x128xf32> to vector<32xf32>
    %max3A_147 = arith.constant 0.000000e+00 : f32
    %max3A_148 = vector.broadcast %max3A_147 : f32 to vector<32xf32>
    %max3A_149 = arith.maximumf %reduce_min3A_146, %max3A_148 : vector<32xf32>
    %sqrt3A_150 = math.sqrt %max3A_149 : vector<32xf32>
    %reduce_sum3A_151 = vector.shape_cast %sqrt3A_150 : vector<32xf32> to vector<1x32xf32>
    %reduce_sum3A_152 = arith.constant dense<0.000000e+00> : vector<1xf32>
    %reduce_sum3A_153 = vector.multi_reduction <add>, %reduce_sum3A_151, %reduce_sum3A_152 [1] : vector<1x32xf32> to vector<1xf32>
    %reduce_sum3A_154 = vector.shape_cast %reduce_sum3A_153 : vector<1xf32> to vector<1x1xf32>
    %reduce_sum3A_155 = vector.extract %reduce_sum3A_154[0, 0] : f32 from vector<1x1xf32>
    %add3A_156 = arith.addf %add3A_143, %reduce_sum3A_155 : f32
    %slice3A_157 = vector.extract_strided_slice %sub3A {offsets = [0, 1408], sizes = [32, 128], strides = [1, 1]} : vector<32x8192xf32> to vector<32x128xf32>
    %reduce_min3A_158 = arith.constant dense<0x7F800000> : vector<32xf32>
    %reduce_min3A_159 = vector.multi_reduction <minimumf>, %slice3A_157, %reduce_min3A_158 [1] : vector<32x128xf32> to vector<32xf32>
    %max3A_160 = arith.constant 0.000000e+00 : f32
    %max3A_161 = vector.broadcast %max3A_160 : f32 to vector<32xf32>
    %max3A_162 = arith.maximumf %reduce_min3A_159, %max3A_161 : vector<32xf32>
    %sqrt3A_163 = math.sqrt %max3A_162 : vector<32xf32>
    %reduce_sum3A_164 = vector.shape_cast %sqrt3A_163 : vector<32xf32> to vector<1x32xf32>
    %reduce_sum3A_165 = arith.constant dense<0.000000e+00> : vector<1xf32>
    %reduce_sum3A_166 = vector.multi_reduction <add>, %reduce_sum3A_164, %reduce_sum3A_165 [1] : vector<1x32xf32> to vector<1xf32>
    %reduce_sum3A_167 = vector.shape_cast %reduce_sum3A_166 : vector<1xf32> to vector<1x1xf32>
    %reduce_sum3A_168 = vector.extract %reduce_sum3A_167[0, 0] : f32 from vector<1x1xf32>
    %add3A_169 = arith.addf %add3A_156, %reduce_sum3A_168 : f32
    %slice3A_170 = vector.extract_strided_slice %sub3A {offsets = [0, 1536], sizes = [32, 128], strides = [1, 1]} : vector<32x8192xf32> to vector<32x128xf32>
    %reduce_min3A_171 = arith.constant dense<0x7F800000> : vector<32xf32>
    %reduce_min3A_172 = vector.multi_reduction <minimumf>, %slice3A_170, %reduce_min3A_171 [1] : vector<32x128xf32> to vector<32xf32>
    %max3A_173 = arith.constant 0.000000e+00 : f32
    %max3A_174 = vector.broadcast %max3A_173 : f32 to vector<32xf32>
    %max3A_175 = arith.maximumf %reduce_min3A_172, %max3A_174 : vector<32xf32>
    %sqrt3A_176 = math.sqrt %max3A_175 : vector<32xf32>
    %reduce_sum3A_177 = vector.shape_cast %sqrt3A_176 : vector<32xf32> to vector<1x32xf32>
    %reduce_sum3A_178 = arith.constant dense<0.000000e+00> : vector<1xf32>
    %reduce_sum3A_179 = vector.multi_reduction <add>, %reduce_sum3A_177, %reduce_sum3A_178 [1] : vector<1x32xf32> to vector<1xf32>
    %reduce_sum3A_180 = vector.shape_cast %reduce_sum3A_179 : vector<1xf32> to vector<1x1xf32>
    %reduce_sum3A_181 = vector.extract %reduce_sum3A_180[0, 0] : f32 from vector<1x1xf32>
    %add3A_182 = arith.addf %add3A_169, %reduce_sum3A_181 : f32
    %slice3A_183 = vector.extract_strided_slice %sub3A {offsets = [0, 1664], sizes = [32, 128], strides = [1, 1]} : vector<32x8192xf32> to vector<32x128xf32>
    %reduce_min3A_184 = arith.constant dense<0x7F800000> : vector<32xf32>
    %reduce_min3A_185 = vector.multi_reduction <minimumf>, %slice3A_183, %reduce_min3A_184 [1] : vector<32x128xf32> to vector<32xf32>
    %max3A_186 = arith.constant 0.000000e+00 : f32
    %max3A_187 = vector.broadcast %max3A_186 : f32 to vector<32xf32>
    %max3A_188 = arith.maximumf %reduce_min3A_185, %max3A_187 : vector<32xf32>
    %sqrt3A_189 = math.sqrt %max3A_188 : vector<32xf32>
    %reduce_sum3A_190 = vector.shape_cast %sqrt3A_189 : vector<32xf32> to vector<1x32xf32>
    %reduce_sum3A_191 = arith.constant dense<0.000000e+00> : vector<1xf32>
    %reduce_sum3A_192 = vector.multi_reduction <add>, %reduce_sum3A_190, %reduce_sum3A_191 [1] : vector<1x32xf32> to vector<1xf32>
    %reduce_sum3A_193 = vector.shape_cast %reduce_sum3A_192 : vector<1xf32> to vector<1x1xf32>
    %reduce_sum3A_194 = vector.extract %reduce_sum3A_193[0, 0] : f32 from vector<1x1xf32>
    %add3A_195 = arith.addf %add3A_182, %reduce_sum3A_194 : f32
    %slice3A_196 = vector.extract_strided_slice %sub3A {offsets = [0, 1792], sizes = [32, 128], strides = [1, 1]} : vector<32x8192xf32> to vector<32x128xf32>
    %reduce_min3A_197 = arith.constant dense<0x7F800000> : vector<32xf32>
    %reduce_min3A_198 = vector.multi_reduction <minimumf>, %slice3A_196, %reduce_min3A_197 [1] : vector<32x128xf32> to vector<32xf32>
    %max3A_199 = arith.constant 0.000000e+00 : f32
    %max3A_200 = vector.broadcast %max3A_199 : f32 to vector<32xf32>
    %max3A_201 = arith.maximumf %reduce_min3A_198, %max3A_200 : vector<32xf32>
    %sqrt3A_202 = math.sqrt %max3A_201 : vector<32xf32>
    %reduce_sum3A_203 = vector.shape_cast %sqrt3A_202 : vector<32xf32> to vector<1x32xf32>
    %reduce_sum3A_204 = arith.constant dense<0.000000e+00> : vector<1xf32>
    %reduce_sum3A_205 = vector.multi_reduction <add>, %reduce_sum3A_203, %reduce_sum3A_204 [1] : vector<1x32xf32> to vector<1xf32>
    %reduce_sum3A_206 = vector.shape_cast %reduce_sum3A_205 : vector<1xf32> to vector<1x1xf32>
    %reduce_sum3A_207 = vector.extract %reduce_sum3A_206[0, 0] : f32 from vector<1x1xf32>
    %add3A_208 = arith.addf %add3A_195, %reduce_sum3A_207 : f32
    %slice3A_209 = vector.extract_strided_slice %sub3A {offsets = [0, 1920], sizes = [32, 128], strides = [1, 1]} : vector<32x8192xf32> to vector<32x128xf32>
    %reduce_min3A_210 = arith.constant dense<0x7F800000> : vector<32xf32>
    %reduce_min3A_211 = vector.multi_reduction <minimumf>, %slice3A_209, %reduce_min3A_210 [1] : vector<32x128xf32> to vector<32xf32>
    %max3A_212 = arith.constant 0.000000e+00 : f32
    %max3A_213 = vector.broadcast %max3A_212 : f32 to vector<32xf32>
    %max3A_214 = arith.maximumf %reduce_min3A_211, %max3A_213 : vector<32xf32>
    %sqrt3A_215 = math.sqrt %max3A_214 : vector<32xf32>
    %reduce_sum3A_216 = vector.shape_cast %sqrt3A_215 : vector<32xf32> to vector<1x32xf32>
    %reduce_sum3A_217 = arith.constant dense<0.000000e+00> : vector<1xf32>
    %reduce_sum3A_218 = vector.multi_reduction <add>, %reduce_sum3A_216, %reduce_sum3A_217 [1] : vector<1x32xf32> to vector<1xf32>
    %reduce_sum3A_219 = vector.shape_cast %reduce_sum3A_218 : vector<1xf32> to vector<1x1xf32>
    %reduce_sum3A_220 = vector.extract %reduce_sum3A_219[0, 0] : f32 from vector<1x1xf32>
    %add3A_221 = arith.addf %add3A_208, %reduce_sum3A_220 : f32
    %slice3A_222 = vector.extract_strided_slice %sub3A {offsets = [0, 2048], sizes = [32, 128], strides = [1, 1]} : vector<32x8192xf32> to vector<32x128xf32>
    %reduce_min3A_223 = arith.constant dense<0x7F800000> : vector<32xf32>
    %reduce_min3A_224 = vector.multi_reduction <minimumf>, %slice3A_222, %reduce_min3A_223 [1] : vector<32x128xf32> to vector<32xf32>
    %max3A_225 = arith.constant 0.000000e+00 : f32
    %max3A_226 = vector.broadcast %max3A_225 : f32 to vector<32xf32>
    %max3A_227 = arith.maximumf %reduce_min3A_224, %max3A_226 : vector<32xf32>
    %sqrt3A_228 = math.sqrt %max3A_227 : vector<32xf32>
    %reduce_sum3A_229 = vector.shape_cast %sqrt3A_228 : vector<32xf32> to vector<1x32xf32>
    %reduce_sum3A_230 = arith.constant dense<0.000000e+00> : vector<1xf32>
    %reduce_sum3A_231 = vector.multi_reduction <add>, %reduce_sum3A_229, %reduce_sum3A_230 [1] : vector<1x32xf32> to vector<1xf32>
    %reduce_sum3A_232 = vector.shape_cast %reduce_sum3A_231 : vector<1xf32> to vector<1x1xf32>
    %reduce_sum3A_233 = vector.extract %reduce_sum3A_232[0, 0] : f32 from vector<1x1xf32>
    %add3A_234 = arith.addf %add3A_221, %reduce_sum3A_233 : f32
    %slice3A_235 = vector.extract_strided_slice %sub3A {offsets = [0, 2176], sizes = [32, 128], strides = [1, 1]} : vector<32x8192xf32> to vector<32x128xf32>
    %reduce_min3A_236 = arith.constant dense<0x7F800000> : vector<32xf32>
    %reduce_min3A_237 = vector.multi_reduction <minimumf>, %slice3A_235, %reduce_min3A_236 [1] : vector<32x128xf32> to vector<32xf32>
    %max3A_238 = arith.constant 0.000000e+00 : f32
    %max3A_239 = vector.broadcast %max3A_238 : f32 to vector<32xf32>
    %max3A_240 = arith.maximumf %reduce_min3A_237, %max3A_239 : vector<32xf32>
    %sqrt3A_241 = math.sqrt %max3A_240 : vector<32xf32>
    %reduce_sum3A_242 = vector.shape_cast %sqrt3A_241 : vector<32xf32> to vector<1x32xf32>
    %reduce_sum3A_243 = arith.constant dense<0.000000e+00> : vector<1xf32>
    %reduce_sum3A_244 = vector.multi_reduction <add>, %reduce_sum3A_242, %reduce_sum3A_243 [1] : vector<1x32xf32> to vector<1xf32>
    %reduce_sum3A_245 = vector.shape_cast %reduce_sum3A_244 : vector<1xf32> to vector<1x1xf32>
    %reduce_sum3A_246 = vector.extract %reduce_sum3A_245[0, 0] : f32 from vector<1x1xf32>
    %add3A_247 = arith.addf %add3A_234, %reduce_sum3A_246 : f32
    %slice3A_248 = vector.extract_strided_slice %sub3A {offsets = [0, 2304], sizes = [32, 128], strides = [1, 1]} : vector<32x8192xf32> to vector<32x128xf32>
    %reduce_min3A_249 = arith.constant dense<0x7F800000> : vector<32xf32>
    %reduce_min3A_250 = vector.multi_reduction <minimumf>, %slice3A_248, %reduce_min3A_249 [1] : vector<32x128xf32> to vector<32xf32>
    %max3A_251 = arith.constant 0.000000e+00 : f32
    %max3A_252 = vector.broadcast %max3A_251 : f32 to vector<32xf32>
    %max3A_253 = arith.maximumf %reduce_min3A_250, %max3A_252 : vector<32xf32>
    %sqrt3A_254 = math.sqrt %max3A_253 : vector<32xf32>
    %reduce_sum3A_255 = vector.shape_cast %sqrt3A_254 : vector<32xf32> to vector<1x32xf32>
    %reduce_sum3A_256 = arith.constant dense<0.000000e+00> : vector<1xf32>
    %reduce_sum3A_257 = vector.multi_reduction <add>, %reduce_sum3A_255, %reduce_sum3A_256 [1] : vector<1x32xf32> to vector<1xf32>
    %reduce_sum3A_258 = vector.shape_cast %reduce_sum3A_257 : vector<1xf32> to vector<1x1xf32>
    %reduce_sum3A_259 = vector.extract %reduce_sum3A_258[0, 0] : f32 from vector<1x1xf32>
    %add3A_260 = arith.addf %add3A_247, %reduce_sum3A_259 : f32
    %slice3A_261 = vector.extract_strided_slice %sub3A {offsets = [0, 2432], sizes = [32, 128], strides = [1, 1]} : vector<32x8192xf32> to vector<32x128xf32>
    %reduce_min3A_262 = arith.constant dense<0x7F800000> : vector<32xf32>
    %reduce_min3A_263 = vector.multi_reduction <minimumf>, %slice3A_261, %reduce_min3A_262 [1] : vector<32x128xf32> to vector<32xf32>
    %max3A_264 = arith.constant 0.000000e+00 : f32
    %max3A_265 = vector.broadcast %max3A_264 : f32 to vector<32xf32>
    %max3A_266 = arith.maximumf %reduce_min3A_263, %max3A_265 : vector<32xf32>
    %sqrt3A_267 = math.sqrt %max3A_266 : vector<32xf32>
    %reduce_sum3A_268 = vector.shape_cast %sqrt3A_267 : vector<32xf32> to vector<1x32xf32>
    %reduce_sum3A_269 = arith.constant dense<0.000000e+00> : vector<1xf32>
    %reduce_sum3A_270 = vector.multi_reduction <add>, %reduce_sum3A_268, %reduce_sum3A_269 [1] : vector<1x32xf32> to vector<1xf32>
    %reduce_sum3A_271 = vector.shape_cast %reduce_sum3A_270 : vector<1xf32> to vector<1x1xf32>
    %reduce_sum3A_272 = vector.extract %reduce_sum3A_271[0, 0] : f32 from vector<1x1xf32>
    %add3A_273 = arith.addf %add3A_260, %reduce_sum3A_272 : f32
    %slice3A_274 = vector.extract_strided_slice %sub3A {offsets = [0, 2560], sizes = [32, 128], strides = [1, 1]} : vector<32x8192xf32> to vector<32x128xf32>
    %reduce_min3A_275 = arith.constant dense<0x7F800000> : vector<32xf32>
    %reduce_min3A_276 = vector.multi_reduction <minimumf>, %slice3A_274, %reduce_min3A_275 [1] : vector<32x128xf32> to vector<32xf32>
    %max3A_277 = arith.constant 0.000000e+00 : f32
    %max3A_278 = vector.broadcast %max3A_277 : f32 to vector<32xf32>
    %max3A_279 = arith.maximumf %reduce_min3A_276, %max3A_278 : vector<32xf32>
    %sqrt3A_280 = math.sqrt %max3A_279 : vector<32xf32>
    %reduce_sum3A_281 = vector.shape_cast %sqrt3A_280 : vector<32xf32> to vector<1x32xf32>
    %reduce_sum3A_282 = arith.constant dense<0.000000e+00> : vector<1xf32>
    %reduce_sum3A_283 = vector.multi_reduction <add>, %reduce_sum3A_281, %reduce_sum3A_282 [1] : vector<1x32xf32> to vector<1xf32>
    %reduce_sum3A_284 = vector.shape_cast %reduce_sum3A_283 : vector<1xf32> to vector<1x1xf32>
    %reduce_sum3A_285 = vector.extract %reduce_sum3A_284[0, 0] : f32 from vector<1x1xf32>
    %add3A_286 = arith.addf %add3A_273, %reduce_sum3A_285 : f32
    %slice3A_287 = vector.extract_strided_slice %sub3A {offsets = [0, 2688], sizes = [32, 128], strides = [1, 1]} : vector<32x8192xf32> to vector<32x128xf32>
    %reduce_min3A_288 = arith.constant dense<0x7F800000> : vector<32xf32>
    %reduce_min3A_289 = vector.multi_reduction <minimumf>, %slice3A_287, %reduce_min3A_288 [1] : vector<32x128xf32> to vector<32xf32>
    %max3A_290 = arith.constant 0.000000e+00 : f32
    %max3A_291 = vector.broadcast %max3A_290 : f32 to vector<32xf32>
    %max3A_292 = arith.maximumf %reduce_min3A_289, %max3A_291 : vector<32xf32>
    %sqrt3A_293 = math.sqrt %max3A_292 : vector<32xf32>
    %reduce_sum3A_294 = vector.shape_cast %sqrt3A_293 : vector<32xf32> to vector<1x32xf32>
    %reduce_sum3A_295 = arith.constant dense<0.000000e+00> : vector<1xf32>
    %reduce_sum3A_296 = vector.multi_reduction <add>, %reduce_sum3A_294, %reduce_sum3A_295 [1] : vector<1x32xf32> to vector<1xf32>
    %reduce_sum3A_297 = vector.shape_cast %reduce_sum3A_296 : vector<1xf32> to vector<1x1xf32>
    %reduce_sum3A_298 = vector.extract %reduce_sum3A_297[0, 0] : f32 from vector<1x1xf32>
    %add3A_299 = arith.addf %add3A_286, %reduce_sum3A_298 : f32
    %slice3A_300 = vector.extract_strided_slice %sub3A {offsets = [0, 2816], sizes = [32, 128], strides = [1, 1]} : vector<32x8192xf32> to vector<32x128xf32>
    %reduce_min3A_301 = arith.constant dense<0x7F800000> : vector<32xf32>
    %reduce_min3A_302 = vector.multi_reduction <minimumf>, %slice3A_300, %reduce_min3A_301 [1] : vector<32x128xf32> to vector<32xf32>
    %max3A_303 = arith.constant 0.000000e+00 : f32
    %max3A_304 = vector.broadcast %max3A_303 : f32 to vector<32xf32>
    %max3A_305 = arith.maximumf %reduce_min3A_302, %max3A_304 : vector<32xf32>
    %sqrt3A_306 = math.sqrt %max3A_305 : vector<32xf32>
    %reduce_sum3A_307 = vector.shape_cast %sqrt3A_306 : vector<32xf32> to vector<1x32xf32>
    %reduce_sum3A_308 = arith.constant dense<0.000000e+00> : vector<1xf32>
    %reduce_sum3A_309 = vector.multi_reduction <add>, %reduce_sum3A_307, %reduce_sum3A_308 [1] : vector<1x32xf32> to vector<1xf32>
    %reduce_sum3A_310 = vector.shape_cast %reduce_sum3A_309 : vector<1xf32> to vector<1x1xf32>
    %reduce_sum3A_311 = vector.extract %reduce_sum3A_310[0, 0] : f32 from vector<1x1xf32>
    %add3A_312 = arith.addf %add3A_299, %reduce_sum3A_311 : f32
    %slice3A_313 = vector.extract_strided_slice %sub3A {offsets = [0, 2944], sizes = [32, 128], strides = [1, 1]} : vector<32x8192xf32> to vector<32x128xf32>
    %reduce_min3A_314 = arith.constant dense<0x7F800000> : vector<32xf32>
    %reduce_min3A_315 = vector.multi_reduction <minimumf>, %slice3A_313, %reduce_min3A_314 [1] : vector<32x128xf32> to vector<32xf32>
    %max3A_316 = arith.constant 0.000000e+00 : f32
    %max3A_317 = vector.broadcast %max3A_316 : f32 to vector<32xf32>
    %max3A_318 = arith.maximumf %reduce_min3A_315, %max3A_317 : vector<32xf32>
    %sqrt3A_319 = math.sqrt %max3A_318 : vector<32xf32>
    %reduce_sum3A_320 = vector.shape_cast %sqrt3A_319 : vector<32xf32> to vector<1x32xf32>
    %reduce_sum3A_321 = arith.constant dense<0.000000e+00> : vector<1xf32>
    %reduce_sum3A_322 = vector.multi_reduction <add>, %reduce_sum3A_320, %reduce_sum3A_321 [1] : vector<1x32xf32> to vector<1xf32>
    %reduce_sum3A_323 = vector.shape_cast %reduce_sum3A_322 : vector<1xf32> to vector<1x1xf32>
    %reduce_sum3A_324 = vector.extract %reduce_sum3A_323[0, 0] : f32 from vector<1x1xf32>
    %add3A_325 = arith.addf %add3A_312, %reduce_sum3A_324 : f32
    %slice3A_326 = vector.extract_strided_slice %sub3A {offsets = [0, 3072], sizes = [32, 128], strides = [1, 1]} : vector<32x8192xf32> to vector<32x128xf32>
    %reduce_min3A_327 = arith.constant dense<0x7F800000> : vector<32xf32>
    %reduce_min3A_328 = vector.multi_reduction <minimumf>, %slice3A_326, %reduce_min3A_327 [1] : vector<32x128xf32> to vector<32xf32>
    %max3A_329 = arith.constant 0.000000e+00 : f32
    %max3A_330 = vector.broadcast %max3A_329 : f32 to vector<32xf32>
    %max3A_331 = arith.maximumf %reduce_min3A_328, %max3A_330 : vector<32xf32>
    %sqrt3A_332 = math.sqrt %max3A_331 : vector<32xf32>
    %reduce_sum3A_333 = vector.shape_cast %sqrt3A_332 : vector<32xf32> to vector<1x32xf32>
    %reduce_sum3A_334 = arith.constant dense<0.000000e+00> : vector<1xf32>
    %reduce_sum3A_335 = vector.multi_reduction <add>, %reduce_sum3A_333, %reduce_sum3A_334 [1] : vector<1x32xf32> to vector<1xf32>
    %reduce_sum3A_336 = vector.shape_cast %reduce_sum3A_335 : vector<1xf32> to vector<1x1xf32>
    %reduce_sum3A_337 = vector.extract %reduce_sum3A_336[0, 0] : f32 from vector<1x1xf32>
    %add3A_338 = arith.addf %add3A_325, %reduce_sum3A_337 : f32
    %slice3A_339 = vector.extract_strided_slice %sub3A {offsets = [0, 3200], sizes = [32, 128], strides = [1, 1]} : vector<32x8192xf32> to vector<32x128xf32>
    %reduce_min3A_340 = arith.constant dense<0x7F800000> : vector<32xf32>
    %reduce_min3A_341 = vector.multi_reduction <minimumf>, %slice3A_339, %reduce_min3A_340 [1] : vector<32x128xf32> to vector<32xf32>
    %max3A_342 = arith.constant 0.000000e+00 : f32
    %max3A_343 = vector.broadcast %max3A_342 : f32 to vector<32xf32>
    %max3A_344 = arith.maximumf %reduce_min3A_341, %max3A_343 : vector<32xf32>
    %sqrt3A_345 = math.sqrt %max3A_344 : vector<32xf32>
    %reduce_sum3A_346 = vector.shape_cast %sqrt3A_345 : vector<32xf32> to vector<1x32xf32>
    %reduce_sum3A_347 = arith.constant dense<0.000000e+00> : vector<1xf32>
    %reduce_sum3A_348 = vector.multi_reduction <add>, %reduce_sum3A_346, %reduce_sum3A_347 [1] : vector<1x32xf32> to vector<1xf32>
    %reduce_sum3A_349 = vector.shape_cast %reduce_sum3A_348 : vector<1xf32> to vector<1x1xf32>
    %reduce_sum3A_350 = vector.extract %reduce_sum3A_349[0, 0] : f32 from vector<1x1xf32>
    %add3A_351 = arith.addf %add3A_338, %reduce_sum3A_350 : f32
    %slice3A_352 = vector.extract_strided_slice %sub3A {offsets = [0, 3328], sizes = [32, 128], strides = [1, 1]} : vector<32x8192xf32> to vector<32x128xf32>
    %reduce_min3A_353 = arith.constant dense<0x7F800000> : vector<32xf32>
    %reduce_min3A_354 = vector.multi_reduction <minimumf>, %slice3A_352, %reduce_min3A_353 [1] : vector<32x128xf32> to vector<32xf32>
    %max3A_355 = arith.constant 0.000000e+00 : f32
    %max3A_356 = vector.broadcast %max3A_355 : f32 to vector<32xf32>
    %max3A_357 = arith.maximumf %reduce_min3A_354, %max3A_356 : vector<32xf32>
    %sqrt3A_358 = math.sqrt %max3A_357 : vector<32xf32>
    %reduce_sum3A_359 = vector.shape_cast %sqrt3A_358 : vector<32xf32> to vector<1x32xf32>
    %reduce_sum3A_360 = arith.constant dense<0.000000e+00> : vector<1xf32>
    %reduce_sum3A_361 = vector.multi_reduction <add>, %reduce_sum3A_359, %reduce_sum3A_360 [1] : vector<1x32xf32> to vector<1xf32>
    %reduce_sum3A_362 = vector.shape_cast %reduce_sum3A_361 : vector<1xf32> to vector<1x1xf32>
    %reduce_sum3A_363 = vector.extract %reduce_sum3A_362[0, 0] : f32 from vector<1x1xf32>
    %add3A_364 = arith.addf %add3A_351, %reduce_sum3A_363 : f32
    %slice3A_365 = vector.extract_strided_slice %sub3A {offsets = [0, 3456], sizes = [32, 128], strides = [1, 1]} : vector<32x8192xf32> to vector<32x128xf32>
    %reduce_min3A_366 = arith.constant dense<0x7F800000> : vector<32xf32>
    %reduce_min3A_367 = vector.multi_reduction <minimumf>, %slice3A_365, %reduce_min3A_366 [1] : vector<32x128xf32> to vector<32xf32>
    %max3A_368 = arith.constant 0.000000e+00 : f32
    %max3A_369 = vector.broadcast %max3A_368 : f32 to vector<32xf32>
    %max3A_370 = arith.maximumf %reduce_min3A_367, %max3A_369 : vector<32xf32>
    %sqrt3A_371 = math.sqrt %max3A_370 : vector<32xf32>
    %reduce_sum3A_372 = vector.shape_cast %sqrt3A_371 : vector<32xf32> to vector<1x32xf32>
    %reduce_sum3A_373 = arith.constant dense<0.000000e+00> : vector<1xf32>
    %reduce_sum3A_374 = vector.multi_reduction <add>, %reduce_sum3A_372, %reduce_sum3A_373 [1] : vector<1x32xf32> to vector<1xf32>
    %reduce_sum3A_375 = vector.shape_cast %reduce_sum3A_374 : vector<1xf32> to vector<1x1xf32>
    %reduce_sum3A_376 = vector.extract %reduce_sum3A_375[0, 0] : f32 from vector<1x1xf32>
    %add3A_377 = arith.addf %add3A_364, %reduce_sum3A_376 : f32
    %slice3A_378 = vector.extract_strided_slice %sub3A {offsets = [0, 3584], sizes = [32, 128], strides = [1, 1]} : vector<32x8192xf32> to vector<32x128xf32>
    %reduce_min3A_379 = arith.constant dense<0x7F800000> : vector<32xf32>
    %reduce_min3A_380 = vector.multi_reduction <minimumf>, %slice3A_378, %reduce_min3A_379 [1] : vector<32x128xf32> to vector<32xf32>
    %max3A_381 = arith.constant 0.000000e+00 : f32
    %max3A_382 = vector.broadcast %max3A_381 : f32 to vector<32xf32>
    %max3A_383 = arith.maximumf %reduce_min3A_380, %max3A_382 : vector<32xf32>
    %sqrt3A_384 = math.sqrt %max3A_383 : vector<32xf32>
    %reduce_sum3A_385 = vector.shape_cast %sqrt3A_384 : vector<32xf32> to vector<1x32xf32>
    %reduce_sum3A_386 = arith.constant dense<0.000000e+00> : vector<1xf32>
    %reduce_sum3A_387 = vector.multi_reduction <add>, %reduce_sum3A_385, %reduce_sum3A_386 [1] : vector<1x32xf32> to vector<1xf32>
    %reduce_sum3A_388 = vector.shape_cast %reduce_sum3A_387 : vector<1xf32> to vector<1x1xf32>
    %reduce_sum3A_389 = vector.extract %reduce_sum3A_388[0, 0] : f32 from vector<1x1xf32>
    %add3A_390 = arith.addf %add3A_377, %reduce_sum3A_389 : f32
    %slice3A_391 = vector.extract_strided_slice %sub3A {offsets = [0, 3712], sizes = [32, 128], strides = [1, 1]} : vector<32x8192xf32> to vector<32x128xf32>
    %reduce_min3A_392 = arith.constant dense<0x7F800000> : vector<32xf32>
    %reduce_min3A_393 = vector.multi_reduction <minimumf>, %slice3A_391, %reduce_min3A_392 [1] : vector<32x128xf32> to vector<32xf32>
    %max3A_394 = arith.constant 0.000000e+00 : f32
    %max3A_395 = vector.broadcast %max3A_394 : f32 to vector<32xf32>
    %max3A_396 = arith.maximumf %reduce_min3A_393, %max3A_395 : vector<32xf32>
    %sqrt3A_397 = math.sqrt %max3A_396 : vector<32xf32>
    %reduce_sum3A_398 = vector.shape_cast %sqrt3A_397 : vector<32xf32> to vector<1x32xf32>
    %reduce_sum3A_399 = arith.constant dense<0.000000e+00> : vector<1xf32>
    %reduce_sum3A_400 = vector.multi_reduction <add>, %reduce_sum3A_398, %reduce_sum3A_399 [1] : vector<1x32xf32> to vector<1xf32>
    %reduce_sum3A_401 = vector.shape_cast %reduce_sum3A_400 : vector<1xf32> to vector<1x1xf32>
    %reduce_sum3A_402 = vector.extract %reduce_sum3A_401[0, 0] : f32 from vector<1x1xf32>
    %add3A_403 = arith.addf %add3A_390, %reduce_sum3A_402 : f32
    %slice3A_404 = vector.extract_strided_slice %sub3A {offsets = [0, 3840], sizes = [32, 128], strides = [1, 1]} : vector<32x8192xf32> to vector<32x128xf32>
    %reduce_min3A_405 = arith.constant dense<0x7F800000> : vector<32xf32>
    %reduce_min3A_406 = vector.multi_reduction <minimumf>, %slice3A_404, %reduce_min3A_405 [1] : vector<32x128xf32> to vector<32xf32>
    %max3A_407 = arith.constant 0.000000e+00 : f32
    %max3A_408 = vector.broadcast %max3A_407 : f32 to vector<32xf32>
    %max3A_409 = arith.maximumf %reduce_min3A_406, %max3A_408 : vector<32xf32>
    %sqrt3A_410 = math.sqrt %max3A_409 : vector<32xf32>
    %reduce_sum3A_411 = vector.shape_cast %sqrt3A_410 : vector<32xf32> to vector<1x32xf32>
    %reduce_sum3A_412 = arith.constant dense<0.000000e+00> : vector<1xf32>
    %reduce_sum3A_413 = vector.multi_reduction <add>, %reduce_sum3A_411, %reduce_sum3A_412 [1] : vector<1x32xf32> to vector<1xf32>
    %reduce_sum3A_414 = vector.shape_cast %reduce_sum3A_413 : vector<1xf32> to vector<1x1xf32>
    %reduce_sum3A_415 = vector.extract %reduce_sum3A_414[0, 0] : f32 from vector<1x1xf32>
    %add3A_416 = arith.addf %add3A_403, %reduce_sum3A_415 : f32
    %slice3A_417 = vector.extract_strided_slice %sub3A {offsets = [0, 3968], sizes = [32, 128], strides = [1, 1]} : vector<32x8192xf32> to vector<32x128xf32>
    %reduce_min3A_418 = arith.constant dense<0x7F800000> : vector<32xf32>
    %reduce_min3A_419 = vector.multi_reduction <minimumf>, %slice3A_417, %reduce_min3A_418 [1] : vector<32x128xf32> to vector<32xf32>
    %max3A_420 = arith.constant 0.000000e+00 : f32
    %max3A_421 = vector.broadcast %max3A_420 : f32 to vector<32xf32>
    %max3A_422 = arith.maximumf %reduce_min3A_419, %max3A_421 : vector<32xf32>
    %sqrt3A_423 = math.sqrt %max3A_422 : vector<32xf32>
    %reduce_sum3A_424 = vector.shape_cast %sqrt3A_423 : vector<32xf32> to vector<1x32xf32>
    %reduce_sum3A_425 = arith.constant dense<0.000000e+00> : vector<1xf32>
    %reduce_sum3A_426 = vector.multi_reduction <add>, %reduce_sum3A_424, %reduce_sum3A_425 [1] : vector<1x32xf32> to vector<1xf32>
    %reduce_sum3A_427 = vector.shape_cast %reduce_sum3A_426 : vector<1xf32> to vector<1x1xf32>
    %reduce_sum3A_428 = vector.extract %reduce_sum3A_427[0, 0] : f32 from vector<1x1xf32>
    %add3A_429 = arith.addf %add3A_416, %reduce_sum3A_428 : f32
    %slice3A_430 = vector.extract_strided_slice %sub3A {offsets = [0, 4096], sizes = [32, 128], strides = [1, 1]} : vector<32x8192xf32> to vector<32x128xf32>
    %reduce_min3A_431 = arith.constant dense<0x7F800000> : vector<32xf32>
    %reduce_min3A_432 = vector.multi_reduction <minimumf>, %slice3A_430, %reduce_min3A_431 [1] : vector<32x128xf32> to vector<32xf32>
    %max3A_433 = arith.constant 0.000000e+00 : f32
    %max3A_434 = vector.broadcast %max3A_433 : f32 to vector<32xf32>
    %max3A_435 = arith.maximumf %reduce_min3A_432, %max3A_434 : vector<32xf32>
    %sqrt3A_436 = math.sqrt %max3A_435 : vector<32xf32>
    %reduce_sum3A_437 = vector.shape_cast %sqrt3A_436 : vector<32xf32> to vector<1x32xf32>
    %reduce_sum3A_438 = arith.constant dense<0.000000e+00> : vector<1xf32>
    %reduce_sum3A_439 = vector.multi_reduction <add>, %reduce_sum3A_437, %reduce_sum3A_438 [1] : vector<1x32xf32> to vector<1xf32>
    %reduce_sum3A_440 = vector.shape_cast %reduce_sum3A_439 : vector<1xf32> to vector<1x1xf32>
    %reduce_sum3A_441 = vector.extract %reduce_sum3A_440[0, 0] : f32 from vector<1x1xf32>
    %add3A_442 = arith.addf %add3A_429, %reduce_sum3A_441 : f32
    %slice3A_443 = vector.extract_strided_slice %sub3A {offsets = [0, 4224], sizes = [32, 128], strides = [1, 1]} : vector<32x8192xf32> to vector<32x128xf32>
    %reduce_min3A_444 = arith.constant dense<0x7F800000> : vector<32xf32>
    %reduce_min3A_445 = vector.multi_reduction <minimumf>, %slice3A_443, %reduce_min3A_444 [1] : vector<32x128xf32> to vector<32xf32>
    %max3A_446 = arith.constant 0.000000e+00 : f32
    %max3A_447 = vector.broadcast %max3A_446 : f32 to vector<32xf32>
    %max3A_448 = arith.maximumf %reduce_min3A_445, %max3A_447 : vector<32xf32>
    %sqrt3A_449 = math.sqrt %max3A_448 : vector<32xf32>
    %reduce_sum3A_450 = vector.shape_cast %sqrt3A_449 : vector<32xf32> to vector<1x32xf32>
    %reduce_sum3A_451 = arith.constant dense<0.000000e+00> : vector<1xf32>
    %reduce_sum3A_452 = vector.multi_reduction <add>, %reduce_sum3A_450, %reduce_sum3A_451 [1] : vector<1x32xf32> to vector<1xf32>
    %reduce_sum3A_453 = vector.shape_cast %reduce_sum3A_452 : vector<1xf32> to vector<1x1xf32>
    %reduce_sum3A_454 = vector.extract %reduce_sum3A_453[0, 0] : f32 from vector<1x1xf32>
    %add3A_455 = arith.addf %add3A_442, %reduce_sum3A_454 : f32
    %slice3A_456 = vector.extract_strided_slice %sub3A {offsets = [0, 4352], sizes = [32, 128], strides = [1, 1]} : vector<32x8192xf32> to vector<32x128xf32>
    %reduce_min3A_457 = arith.constant dense<0x7F800000> : vector<32xf32>
    %reduce_min3A_458 = vector.multi_reduction <minimumf>, %slice3A_456, %reduce_min3A_457 [1] : vector<32x128xf32> to vector<32xf32>
    %max3A_459 = arith.constant 0.000000e+00 : f32
    %max3A_460 = vector.broadcast %max3A_459 : f32 to vector<32xf32>
    %max3A_461 = arith.maximumf %reduce_min3A_458, %max3A_460 : vector<32xf32>
    %sqrt3A_462 = math.sqrt %max3A_461 : vector<32xf32>
    %reduce_sum3A_463 = vector.shape_cast %sqrt3A_462 : vector<32xf32> to vector<1x32xf32>
    %reduce_sum3A_464 = arith.constant dense<0.000000e+00> : vector<1xf32>
    %reduce_sum3A_465 = vector.multi_reduction <add>, %reduce_sum3A_463, %reduce_sum3A_464 [1] : vector<1x32xf32> to vector<1xf32>
    %reduce_sum3A_466 = vector.shape_cast %reduce_sum3A_465 : vector<1xf32> to vector<1x1xf32>
    %reduce_sum3A_467 = vector.extract %reduce_sum3A_466[0, 0] : f32 from vector<1x1xf32>
    %add3A_468 = arith.addf %add3A_455, %reduce_sum3A_467 : f32
    %slice3A_469 = vector.extract_strided_slice %sub3A {offsets = [0, 4480], sizes = [32, 128], strides = [1, 1]} : vector<32x8192xf32> to vector<32x128xf32>
    %reduce_min3A_470 = arith.constant dense<0x7F800000> : vector<32xf32>
    %reduce_min3A_471 = vector.multi_reduction <minimumf>, %slice3A_469, %reduce_min3A_470 [1] : vector<32x128xf32> to vector<32xf32>
    %max3A_472 = arith.constant 0.000000e+00 : f32
    %max3A_473 = vector.broadcast %max3A_472 : f32 to vector<32xf32>
    %max3A_474 = arith.maximumf %reduce_min3A_471, %max3A_473 : vector<32xf32>
    %sqrt3A_475 = math.sqrt %max3A_474 : vector<32xf32>
    %reduce_sum3A_476 = vector.shape_cast %sqrt3A_475 : vector<32xf32> to vector<1x32xf32>
    %reduce_sum3A_477 = arith.constant dense<0.000000e+00> : vector<1xf32>
    %reduce_sum3A_478 = vector.multi_reduction <add>, %reduce_sum3A_476, %reduce_sum3A_477 [1] : vector<1x32xf32> to vector<1xf32>
    %reduce_sum3A_479 = vector.shape_cast %reduce_sum3A_478 : vector<1xf32> to vector<1x1xf32>
    %reduce_sum3A_480 = vector.extract %reduce_sum3A_479[0, 0] : f32 from vector<1x1xf32>
    %add3A_481 = arith.addf %add3A_468, %reduce_sum3A_480 : f32
    %slice3A_482 = vector.extract_strided_slice %sub3A {offsets = [0, 4608], sizes = [32, 128], strides = [1, 1]} : vector<32x8192xf32> to vector<32x128xf32>
    %reduce_min3A_483 = arith.constant dense<0x7F800000> : vector<32xf32>
    %reduce_min3A_484 = vector.multi_reduction <minimumf>, %slice3A_482, %reduce_min3A_483 [1] : vector<32x128xf32> to vector<32xf32>
    %max3A_485 = arith.constant 0.000000e+00 : f32
    %max3A_486 = vector.broadcast %max3A_485 : f32 to vector<32xf32>
    %max3A_487 = arith.maximumf %reduce_min3A_484, %max3A_486 : vector<32xf32>
    %sqrt3A_488 = math.sqrt %max3A_487 : vector<32xf32>
    %reduce_sum3A_489 = vector.shape_cast %sqrt3A_488 : vector<32xf32> to vector<1x32xf32>
    %reduce_sum3A_490 = arith.constant dense<0.000000e+00> : vector<1xf32>
    %reduce_sum3A_491 = vector.multi_reduction <add>, %reduce_sum3A_489, %reduce_sum3A_490 [1] : vector<1x32xf32> to vector<1xf32>
    %reduce_sum3A_492 = vector.shape_cast %reduce_sum3A_491 : vector<1xf32> to vector<1x1xf32>
    %reduce_sum3A_493 = vector.extract %reduce_sum3A_492[0, 0] : f32 from vector<1x1xf32>
    %add3A_494 = arith.addf %add3A_481, %reduce_sum3A_493 : f32
    %slice3A_495 = vector.extract_strided_slice %sub3A {offsets = [0, 4736], sizes = [32, 128], strides = [1, 1]} : vector<32x8192xf32> to vector<32x128xf32>
    %reduce_min3A_496 = arith.constant dense<0x7F800000> : vector<32xf32>
    %reduce_min3A_497 = vector.multi_reduction <minimumf>, %slice3A_495, %reduce_min3A_496 [1] : vector<32x128xf32> to vector<32xf32>
    %max3A_498 = arith.constant 0.000000e+00 : f32
    %max3A_499 = vector.broadcast %max3A_498 : f32 to vector<32xf32>
    %max3A_500 = arith.maximumf %reduce_min3A_497, %max3A_499 : vector<32xf32>
    %sqrt3A_501 = math.sqrt %max3A_500 : vector<32xf32>
    %reduce_sum3A_502 = vector.shape_cast %sqrt3A_501 : vector<32xf32> to vector<1x32xf32>
    %reduce_sum3A_503 = arith.constant dense<0.000000e+00> : vector<1xf32>
    %reduce_sum3A_504 = vector.multi_reduction <add>, %reduce_sum3A_502, %reduce_sum3A_503 [1] : vector<1x32xf32> to vector<1xf32>
    %reduce_sum3A_505 = vector.shape_cast %reduce_sum3A_504 : vector<1xf32> to vector<1x1xf32>
    %reduce_sum3A_506 = vector.extract %reduce_sum3A_505[0, 0] : f32 from vector<1x1xf32>
    %add3A_507 = arith.addf %add3A_494, %reduce_sum3A_506 : f32
    %slice3A_508 = vector.extract_strided_slice %sub3A {offsets = [0, 4864], sizes = [32, 128], strides = [1, 1]} : vector<32x8192xf32> to vector<32x128xf32>
    %reduce_min3A_509 = arith.constant dense<0x7F800000> : vector<32xf32>
    %reduce_min3A_510 = vector.multi_reduction <minimumf>, %slice3A_508, %reduce_min3A_509 [1] : vector<32x128xf32> to vector<32xf32>
    %max3A_511 = arith.constant 0.000000e+00 : f32
    %max3A_512 = vector.broadcast %max3A_511 : f32 to vector<32xf32>
    %max3A_513 = arith.maximumf %reduce_min3A_510, %max3A_512 : vector<32xf32>
    %sqrt3A_514 = math.sqrt %max3A_513 : vector<32xf32>
    %reduce_sum3A_515 = vector.shape_cast %sqrt3A_514 : vector<32xf32> to vector<1x32xf32>
    %reduce_sum3A_516 = arith.constant dense<0.000000e+00> : vector<1xf32>
    %reduce_sum3A_517 = vector.multi_reduction <add>, %reduce_sum3A_515, %reduce_sum3A_516 [1] : vector<1x32xf32> to vector<1xf32>
    %reduce_sum3A_518 = vector.shape_cast %reduce_sum3A_517 : vector<1xf32> to vector<1x1xf32>
    %reduce_sum3A_519 = vector.extract %reduce_sum3A_518[0, 0] : f32 from vector<1x1xf32>
    %add3A_520 = arith.addf %add3A_507, %reduce_sum3A_519 : f32
    %slice3A_521 = vector.extract_strided_slice %sub3A {offsets = [0, 4992], sizes = [32, 128], strides = [1, 1]} : vector<32x8192xf32> to vector<32x128xf32>
    %reduce_min3A_522 = arith.constant dense<0x7F800000> : vector<32xf32>
    %reduce_min3A_523 = vector.multi_reduction <minimumf>, %slice3A_521, %reduce_min3A_522 [1] : vector<32x128xf32> to vector<32xf32>
    %max3A_524 = arith.constant 0.000000e+00 : f32
    %max3A_525 = vector.broadcast %max3A_524 : f32 to vector<32xf32>
    %max3A_526 = arith.maximumf %reduce_min3A_523, %max3A_525 : vector<32xf32>
    %sqrt3A_527 = math.sqrt %max3A_526 : vector<32xf32>
    %reduce_sum3A_528 = vector.shape_cast %sqrt3A_527 : vector<32xf32> to vector<1x32xf32>
    %reduce_sum3A_529 = arith.constant dense<0.000000e+00> : vector<1xf32>
    %reduce_sum3A_530 = vector.multi_reduction <add>, %reduce_sum3A_528, %reduce_sum3A_529 [1] : vector<1x32xf32> to vector<1xf32>
    %reduce_sum3A_531 = vector.shape_cast %reduce_sum3A_530 : vector<1xf32> to vector<1x1xf32>
    %reduce_sum3A_532 = vector.extract %reduce_sum3A_531[0, 0] : f32 from vector<1x1xf32>
    %add3A_533 = arith.addf %add3A_520, %reduce_sum3A_532 : f32
    %slice3A_534 = vector.extract_strided_slice %sub3A {offsets = [0, 5120], sizes = [32, 128], strides = [1, 1]} : vector<32x8192xf32> to vector<32x128xf32>
    %reduce_min3A_535 = arith.constant dense<0x7F800000> : vector<32xf32>
    %reduce_min3A_536 = vector.multi_reduction <minimumf>, %slice3A_534, %reduce_min3A_535 [1] : vector<32x128xf32> to vector<32xf32>
    %max3A_537 = arith.constant 0.000000e+00 : f32
    %max3A_538 = vector.broadcast %max3A_537 : f32 to vector<32xf32>
    %max3A_539 = arith.maximumf %reduce_min3A_536, %max3A_538 : vector<32xf32>
    %sqrt3A_540 = math.sqrt %max3A_539 : vector<32xf32>
    %reduce_sum3A_541 = vector.shape_cast %sqrt3A_540 : vector<32xf32> to vector<1x32xf32>
    %reduce_sum3A_542 = arith.constant dense<0.000000e+00> : vector<1xf32>
    %reduce_sum3A_543 = vector.multi_reduction <add>, %reduce_sum3A_541, %reduce_sum3A_542 [1] : vector<1x32xf32> to vector<1xf32>
    %reduce_sum3A_544 = vector.shape_cast %reduce_sum3A_543 : vector<1xf32> to vector<1x1xf32>
    %reduce_sum3A_545 = vector.extract %reduce_sum3A_544[0, 0] : f32 from vector<1x1xf32>
    %add3A_546 = arith.addf %add3A_533, %reduce_sum3A_545 : f32
    %slice3A_547 = vector.extract_strided_slice %sub3A {offsets = [0, 5248], sizes = [32, 128], strides = [1, 1]} : vector<32x8192xf32> to vector<32x128xf32>
    %reduce_min3A_548 = arith.constant dense<0x7F800000> : vector<32xf32>
    %reduce_min3A_549 = vector.multi_reduction <minimumf>, %slice3A_547, %reduce_min3A_548 [1] : vector<32x128xf32> to vector<32xf32>
    %max3A_550 = arith.constant 0.000000e+00 : f32
    %max3A_551 = vector.broadcast %max3A_550 : f32 to vector<32xf32>
    %max3A_552 = arith.maximumf %reduce_min3A_549, %max3A_551 : vector<32xf32>
    %sqrt3A_553 = math.sqrt %max3A_552 : vector<32xf32>
    %reduce_sum3A_554 = vector.shape_cast %sqrt3A_553 : vector<32xf32> to vector<1x32xf32>
    %reduce_sum3A_555 = arith.constant dense<0.000000e+00> : vector<1xf32>
    %reduce_sum3A_556 = vector.multi_reduction <add>, %reduce_sum3A_554, %reduce_sum3A_555 [1] : vector<1x32xf32> to vector<1xf32>
    %reduce_sum3A_557 = vector.shape_cast %reduce_sum3A_556 : vector<1xf32> to vector<1x1xf32>
    %reduce_sum3A_558 = vector.extract %reduce_sum3A_557[0, 0] : f32 from vector<1x1xf32>
    %add3A_559 = arith.addf %add3A_546, %reduce_sum3A_558 : f32
    %slice3A_560 = vector.extract_strided_slice %sub3A {offsets = [0, 5376], sizes = [32, 128], strides = [1, 1]} : vector<32x8192xf32> to vector<32x128xf32>
    %reduce_min3A_561 = arith.constant dense<0x7F800000> : vector<32xf32>
    %reduce_min3A_562 = vector.multi_reduction <minimumf>, %slice3A_560, %reduce_min3A_561 [1] : vector<32x128xf32> to vector<32xf32>
    %max3A_563 = arith.constant 0.000000e+00 : f32
    %max3A_564 = vector.broadcast %max3A_563 : f32 to vector<32xf32>
    %max3A_565 = arith.maximumf %reduce_min3A_562, %max3A_564 : vector<32xf32>
    %sqrt3A_566 = math.sqrt %max3A_565 : vector<32xf32>
    %reduce_sum3A_567 = vector.shape_cast %sqrt3A_566 : vector<32xf32> to vector<1x32xf32>
    %reduce_sum3A_568 = arith.constant dense<0.000000e+00> : vector<1xf32>
    %reduce_sum3A_569 = vector.multi_reduction <add>, %reduce_sum3A_567, %reduce_sum3A_568 [1] : vector<1x32xf32> to vector<1xf32>
    %reduce_sum3A_570 = vector.shape_cast %reduce_sum3A_569 : vector<1xf32> to vector<1x1xf32>
    %reduce_sum3A_571 = vector.extract %reduce_sum3A_570[0, 0] : f32 from vector<1x1xf32>
    %add3A_572 = arith.addf %add3A_559, %reduce_sum3A_571 : f32
    %slice3A_573 = vector.extract_strided_slice %sub3A {offsets = [0, 5504], sizes = [32, 128], strides = [1, 1]} : vector<32x8192xf32> to vector<32x128xf32>
    %reduce_min3A_574 = arith.constant dense<0x7F800000> : vector<32xf32>
    %reduce_min3A_575 = vector.multi_reduction <minimumf>, %slice3A_573, %reduce_min3A_574 [1] : vector<32x128xf32> to vector<32xf32>
    %max3A_576 = arith.constant 0.000000e+00 : f32
    %max3A_577 = vector.broadcast %max3A_576 : f32 to vector<32xf32>
    %max3A_578 = arith.maximumf %reduce_min3A_575, %max3A_577 : vector<32xf32>
    %sqrt3A_579 = math.sqrt %max3A_578 : vector<32xf32>
    %reduce_sum3A_580 = vector.shape_cast %sqrt3A_579 : vector<32xf32> to vector<1x32xf32>
    %reduce_sum3A_581 = arith.constant dense<0.000000e+00> : vector<1xf32>
    %reduce_sum3A_582 = vector.multi_reduction <add>, %reduce_sum3A_580, %reduce_sum3A_581 [1] : vector<1x32xf32> to vector<1xf32>
    %reduce_sum3A_583 = vector.shape_cast %reduce_sum3A_582 : vector<1xf32> to vector<1x1xf32>
    %reduce_sum3A_584 = vector.extract %reduce_sum3A_583[0, 0] : f32 from vector<1x1xf32>
    %add3A_585 = arith.addf %add3A_572, %reduce_sum3A_584 : f32
    %slice3A_586 = vector.extract_strided_slice %sub3A {offsets = [0, 5632], sizes = [32, 128], strides = [1, 1]} : vector<32x8192xf32> to vector<32x128xf32>
    %reduce_min3A_587 = arith.constant dense<0x7F800000> : vector<32xf32>
    %reduce_min3A_588 = vector.multi_reduction <minimumf>, %slice3A_586, %reduce_min3A_587 [1] : vector<32x128xf32> to vector<32xf32>
    %max3A_589 = arith.constant 0.000000e+00 : f32
    %max3A_590 = vector.broadcast %max3A_589 : f32 to vector<32xf32>
    %max3A_591 = arith.maximumf %reduce_min3A_588, %max3A_590 : vector<32xf32>
    %sqrt3A_592 = math.sqrt %max3A_591 : vector<32xf32>
    %reduce_sum3A_593 = vector.shape_cast %sqrt3A_592 : vector<32xf32> to vector<1x32xf32>
    %reduce_sum3A_594 = arith.constant dense<0.000000e+00> : vector<1xf32>
    %reduce_sum3A_595 = vector.multi_reduction <add>, %reduce_sum3A_593, %reduce_sum3A_594 [1] : vector<1x32xf32> to vector<1xf32>
    %reduce_sum3A_596 = vector.shape_cast %reduce_sum3A_595 : vector<1xf32> to vector<1x1xf32>
    %reduce_sum3A_597 = vector.extract %reduce_sum3A_596[0, 0] : f32 from vector<1x1xf32>
    %add3A_598 = arith.addf %add3A_585, %reduce_sum3A_597 : f32
    %slice3A_599 = vector.extract_strided_slice %sub3A {offsets = [0, 5760], sizes = [32, 128], strides = [1, 1]} : vector<32x8192xf32> to vector<32x128xf32>
    %reduce_min3A_600 = arith.constant dense<0x7F800000> : vector<32xf32>
    %reduce_min3A_601 = vector.multi_reduction <minimumf>, %slice3A_599, %reduce_min3A_600 [1] : vector<32x128xf32> to vector<32xf32>
    %max3A_602 = arith.constant 0.000000e+00 : f32
    %max3A_603 = vector.broadcast %max3A_602 : f32 to vector<32xf32>
    %max3A_604 = arith.maximumf %reduce_min3A_601, %max3A_603 : vector<32xf32>
    %sqrt3A_605 = math.sqrt %max3A_604 : vector<32xf32>
    %reduce_sum3A_606 = vector.shape_cast %sqrt3A_605 : vector<32xf32> to vector<1x32xf32>
    %reduce_sum3A_607 = arith.constant dense<0.000000e+00> : vector<1xf32>
    %reduce_sum3A_608 = vector.multi_reduction <add>, %reduce_sum3A_606, %reduce_sum3A_607 [1] : vector<1x32xf32> to vector<1xf32>
    %reduce_sum3A_609 = vector.shape_cast %reduce_sum3A_608 : vector<1xf32> to vector<1x1xf32>
    %reduce_sum3A_610 = vector.extract %reduce_sum3A_609[0, 0] : f32 from vector<1x1xf32>
    %add3A_611 = arith.addf %add3A_598, %reduce_sum3A_610 : f32
    %slice3A_612 = vector.extract_strided_slice %sub3A {offsets = [0, 5888], sizes = [32, 128], strides = [1, 1]} : vector<32x8192xf32> to vector<32x128xf32>
    %reduce_min3A_613 = arith.constant dense<0x7F800000> : vector<32xf32>
    %reduce_min3A_614 = vector.multi_reduction <minimumf>, %slice3A_612, %reduce_min3A_613 [1] : vector<32x128xf32> to vector<32xf32>
    %max3A_615 = arith.constant 0.000000e+00 : f32
    %max3A_616 = vector.broadcast %max3A_615 : f32 to vector<32xf32>
    %max3A_617 = arith.maximumf %reduce_min3A_614, %max3A_616 : vector<32xf32>
    %sqrt3A_618 = math.sqrt %max3A_617 : vector<32xf32>
    %reduce_sum3A_619 = vector.shape_cast %sqrt3A_618 : vector<32xf32> to vector<1x32xf32>
    %reduce_sum3A_620 = arith.constant dense<0.000000e+00> : vector<1xf32>
    %reduce_sum3A_621 = vector.multi_reduction <add>, %reduce_sum3A_619, %reduce_sum3A_620 [1] : vector<1x32xf32> to vector<1xf32>
    %reduce_sum3A_622 = vector.shape_cast %reduce_sum3A_621 : vector<1xf32> to vector<1x1xf32>
    %reduce_sum3A_623 = vector.extract %reduce_sum3A_622[0, 0] : f32 from vector<1x1xf32>
    %add3A_624 = arith.addf %add3A_611, %reduce_sum3A_623 : f32
    %slice3A_625 = vector.extract_strided_slice %sub3A {offsets = [0, 6016], sizes = [32, 128], strides = [1, 1]} : vector<32x8192xf32> to vector<32x128xf32>
    %reduce_min3A_626 = arith.constant dense<0x7F800000> : vector<32xf32>
    %reduce_min3A_627 = vector.multi_reduction <minimumf>, %slice3A_625, %reduce_min3A_626 [1] : vector<32x128xf32> to vector<32xf32>
    %max3A_628 = arith.constant 0.000000e+00 : f32
    %max3A_629 = vector.broadcast %max3A_628 : f32 to vector<32xf32>
    %max3A_630 = arith.maximumf %reduce_min3A_627, %max3A_629 : vector<32xf32>
    %sqrt3A_631 = math.sqrt %max3A_630 : vector<32xf32>
    %reduce_sum3A_632 = vector.shape_cast %sqrt3A_631 : vector<32xf32> to vector<1x32xf32>
    %reduce_sum3A_633 = arith.constant dense<0.000000e+00> : vector<1xf32>
    %reduce_sum3A_634 = vector.multi_reduction <add>, %reduce_sum3A_632, %reduce_sum3A_633 [1] : vector<1x32xf32> to vector<1xf32>
    %reduce_sum3A_635 = vector.shape_cast %reduce_sum3A_634 : vector<1xf32> to vector<1x1xf32>
    %reduce_sum3A_636 = vector.extract %reduce_sum3A_635[0, 0] : f32 from vector<1x1xf32>
    %add3A_637 = arith.addf %add3A_624, %reduce_sum3A_636 : f32
    %slice3A_638 = vector.extract_strided_slice %sub3A {offsets = [0, 6144], sizes = [32, 128], strides = [1, 1]} : vector<32x8192xf32> to vector<32x128xf32>
    %reduce_min3A_639 = arith.constant dense<0x7F800000> : vector<32xf32>
    %reduce_min3A_640 = vector.multi_reduction <minimumf>, %slice3A_638, %reduce_min3A_639 [1] : vector<32x128xf32> to vector<32xf32>
    %max3A_641 = arith.constant 0.000000e+00 : f32
    %max3A_642 = vector.broadcast %max3A_641 : f32 to vector<32xf32>
    %max3A_643 = arith.maximumf %reduce_min3A_640, %max3A_642 : vector<32xf32>
    %sqrt3A_644 = math.sqrt %max3A_643 : vector<32xf32>
    %reduce_sum3A_645 = vector.shape_cast %sqrt3A_644 : vector<32xf32> to vector<1x32xf32>
    %reduce_sum3A_646 = arith.constant dense<0.000000e+00> : vector<1xf32>
    %reduce_sum3A_647 = vector.multi_reduction <add>, %reduce_sum3A_645, %reduce_sum3A_646 [1] : vector<1x32xf32> to vector<1xf32>
    %reduce_sum3A_648 = vector.shape_cast %reduce_sum3A_647 : vector<1xf32> to vector<1x1xf32>
    %reduce_sum3A_649 = vector.extract %reduce_sum3A_648[0, 0] : f32 from vector<1x1xf32>
    %add3A_650 = arith.addf %add3A_637, %reduce_sum3A_649 : f32
    %slice3A_651 = vector.extract_strided_slice %sub3A {offsets = [0, 6272], sizes = [32, 128], strides = [1, 1]} : vector<32x8192xf32> to vector<32x128xf32>
    %reduce_min3A_652 = arith.constant dense<0x7F800000> : vector<32xf32>
    %reduce_min3A_653 = vector.multi_reduction <minimumf>, %slice3A_651, %reduce_min3A_652 [1] : vector<32x128xf32> to vector<32xf32>
    %max3A_654 = arith.constant 0.000000e+00 : f32
    %max3A_655 = vector.broadcast %max3A_654 : f32 to vector<32xf32>
    %max3A_656 = arith.maximumf %reduce_min3A_653, %max3A_655 : vector<32xf32>
    %sqrt3A_657 = math.sqrt %max3A_656 : vector<32xf32>
    %reduce_sum3A_658 = vector.shape_cast %sqrt3A_657 : vector<32xf32> to vector<1x32xf32>
    %reduce_sum3A_659 = arith.constant dense<0.000000e+00> : vector<1xf32>
    %reduce_sum3A_660 = vector.multi_reduction <add>, %reduce_sum3A_658, %reduce_sum3A_659 [1] : vector<1x32xf32> to vector<1xf32>
    %reduce_sum3A_661 = vector.shape_cast %reduce_sum3A_660 : vector<1xf32> to vector<1x1xf32>
    %reduce_sum3A_662 = vector.extract %reduce_sum3A_661[0, 0] : f32 from vector<1x1xf32>
    %add3A_663 = arith.addf %add3A_650, %reduce_sum3A_662 : f32
    %slice3A_664 = vector.extract_strided_slice %sub3A {offsets = [0, 6400], sizes = [32, 128], strides = [1, 1]} : vector<32x8192xf32> to vector<32x128xf32>
    %reduce_min3A_665 = arith.constant dense<0x7F800000> : vector<32xf32>
    %reduce_min3A_666 = vector.multi_reduction <minimumf>, %slice3A_664, %reduce_min3A_665 [1] : vector<32x128xf32> to vector<32xf32>
    %max3A_667 = arith.constant 0.000000e+00 : f32
    %max3A_668 = vector.broadcast %max3A_667 : f32 to vector<32xf32>
    %max3A_669 = arith.maximumf %reduce_min3A_666, %max3A_668 : vector<32xf32>
    %sqrt3A_670 = math.sqrt %max3A_669 : vector<32xf32>
    %reduce_sum3A_671 = vector.shape_cast %sqrt3A_670 : vector<32xf32> to vector<1x32xf32>
    %reduce_sum3A_672 = arith.constant dense<0.000000e+00> : vector<1xf32>
    %reduce_sum3A_673 = vector.multi_reduction <add>, %reduce_sum3A_671, %reduce_sum3A_672 [1] : vector<1x32xf32> to vector<1xf32>
    %reduce_sum3A_674 = vector.shape_cast %reduce_sum3A_673 : vector<1xf32> to vector<1x1xf32>
    %reduce_sum3A_675 = vector.extract %reduce_sum3A_674[0, 0] : f32 from vector<1x1xf32>
    %add3A_676 = arith.addf %add3A_663, %reduce_sum3A_675 : f32
    %slice3A_677 = vector.extract_strided_slice %sub3A {offsets = [0, 6528], sizes = [32, 128], strides = [1, 1]} : vector<32x8192xf32> to vector<32x128xf32>
    %reduce_min3A_678 = arith.constant dense<0x7F800000> : vector<32xf32>
    %reduce_min3A_679 = vector.multi_reduction <minimumf>, %slice3A_677, %reduce_min3A_678 [1] : vector<32x128xf32> to vector<32xf32>
    %max3A_680 = arith.constant 0.000000e+00 : f32
    %max3A_681 = vector.broadcast %max3A_680 : f32 to vector<32xf32>
    %max3A_682 = arith.maximumf %reduce_min3A_679, %max3A_681 : vector<32xf32>
    %sqrt3A_683 = math.sqrt %max3A_682 : vector<32xf32>
    %reduce_sum3A_684 = vector.shape_cast %sqrt3A_683 : vector<32xf32> to vector<1x32xf32>
    %reduce_sum3A_685 = arith.constant dense<0.000000e+00> : vector<1xf32>
    %reduce_sum3A_686 = vector.multi_reduction <add>, %reduce_sum3A_684, %reduce_sum3A_685 [1] : vector<1x32xf32> to vector<1xf32>
    %reduce_sum3A_687 = vector.shape_cast %reduce_sum3A_686 : vector<1xf32> to vector<1x1xf32>
    %reduce_sum3A_688 = vector.extract %reduce_sum3A_687[0, 0] : f32 from vector<1x1xf32>
    %add3A_689 = arith.addf %add3A_676, %reduce_sum3A_688 : f32
    %slice3A_690 = vector.extract_strided_slice %sub3A {offsets = [0, 6656], sizes = [32, 128], strides = [1, 1]} : vector<32x8192xf32> to vector<32x128xf32>
    %reduce_min3A_691 = arith.constant dense<0x7F800000> : vector<32xf32>
    %reduce_min3A_692 = vector.multi_reduction <minimumf>, %slice3A_690, %reduce_min3A_691 [1] : vector<32x128xf32> to vector<32xf32>
    %max3A_693 = arith.constant 0.000000e+00 : f32
    %max3A_694 = vector.broadcast %max3A_693 : f32 to vector<32xf32>
    %max3A_695 = arith.maximumf %reduce_min3A_692, %max3A_694 : vector<32xf32>
    %sqrt3A_696 = math.sqrt %max3A_695 : vector<32xf32>
    %reduce_sum3A_697 = vector.shape_cast %sqrt3A_696 : vector<32xf32> to vector<1x32xf32>
    %reduce_sum3A_698 = arith.constant dense<0.000000e+00> : vector<1xf32>
    %reduce_sum3A_699 = vector.multi_reduction <add>, %reduce_sum3A_697, %reduce_sum3A_698 [1] : vector<1x32xf32> to vector<1xf32>
    %reduce_sum3A_700 = vector.shape_cast %reduce_sum3A_699 : vector<1xf32> to vector<1x1xf32>
    %reduce_sum3A_701 = vector.extract %reduce_sum3A_700[0, 0] : f32 from vector<1x1xf32>
    %add3A_702 = arith.addf %add3A_689, %reduce_sum3A_701 : f32
    %slice3A_703 = vector.extract_strided_slice %sub3A {offsets = [0, 6784], sizes = [32, 128], strides = [1, 1]} : vector<32x8192xf32> to vector<32x128xf32>
    %reduce_min3A_704 = arith.constant dense<0x7F800000> : vector<32xf32>
    %reduce_min3A_705 = vector.multi_reduction <minimumf>, %slice3A_703, %reduce_min3A_704 [1] : vector<32x128xf32> to vector<32xf32>
    %max3A_706 = arith.constant 0.000000e+00 : f32
    %max3A_707 = vector.broadcast %max3A_706 : f32 to vector<32xf32>
    %max3A_708 = arith.maximumf %reduce_min3A_705, %max3A_707 : vector<32xf32>
    %sqrt3A_709 = math.sqrt %max3A_708 : vector<32xf32>
    %reduce_sum3A_710 = vector.shape_cast %sqrt3A_709 : vector<32xf32> to vector<1x32xf32>
    %reduce_sum3A_711 = arith.constant dense<0.000000e+00> : vector<1xf32>
    %reduce_sum3A_712 = vector.multi_reduction <add>, %reduce_sum3A_710, %reduce_sum3A_711 [1] : vector<1x32xf32> to vector<1xf32>
    %reduce_sum3A_713 = vector.shape_cast %reduce_sum3A_712 : vector<1xf32> to vector<1x1xf32>
    %reduce_sum3A_714 = vector.extract %reduce_sum3A_713[0, 0] : f32 from vector<1x1xf32>
    %add3A_715 = arith.addf %add3A_702, %reduce_sum3A_714 : f32
    %slice3A_716 = vector.extract_strided_slice %sub3A {offsets = [0, 6912], sizes = [32, 128], strides = [1, 1]} : vector<32x8192xf32> to vector<32x128xf32>
    %reduce_min3A_717 = arith.constant dense<0x7F800000> : vector<32xf32>
    %reduce_min3A_718 = vector.multi_reduction <minimumf>, %slice3A_716, %reduce_min3A_717 [1] : vector<32x128xf32> to vector<32xf32>
    %max3A_719 = arith.constant 0.000000e+00 : f32
    %max3A_720 = vector.broadcast %max3A_719 : f32 to vector<32xf32>
    %max3A_721 = arith.maximumf %reduce_min3A_718, %max3A_720 : vector<32xf32>
    %sqrt3A_722 = math.sqrt %max3A_721 : vector<32xf32>
    %reduce_sum3A_723 = vector.shape_cast %sqrt3A_722 : vector<32xf32> to vector<1x32xf32>
    %reduce_sum3A_724 = arith.constant dense<0.000000e+00> : vector<1xf32>
    %reduce_sum3A_725 = vector.multi_reduction <add>, %reduce_sum3A_723, %reduce_sum3A_724 [1] : vector<1x32xf32> to vector<1xf32>
    %reduce_sum3A_726 = vector.shape_cast %reduce_sum3A_725 : vector<1xf32> to vector<1x1xf32>
    %reduce_sum3A_727 = vector.extract %reduce_sum3A_726[0, 0] : f32 from vector<1x1xf32>
    %add3A_728 = arith.addf %add3A_715, %reduce_sum3A_727 : f32
    %slice3A_729 = vector.extract_strided_slice %sub3A {offsets = [0, 7040], sizes = [32, 128], strides = [1, 1]} : vector<32x8192xf32> to vector<32x128xf32>
    %reduce_min3A_730 = arith.constant dense<0x7F800000> : vector<32xf32>
    %reduce_min3A_731 = vector.multi_reduction <minimumf>, %slice3A_729, %reduce_min3A_730 [1] : vector<32x128xf32> to vector<32xf32>
    %max3A_732 = arith.constant 0.000000e+00 : f32
    %max3A_733 = vector.broadcast %max3A_732 : f32 to vector<32xf32>
    %max3A_734 = arith.maximumf %reduce_min3A_731, %max3A_733 : vector<32xf32>
    %sqrt3A_735 = math.sqrt %max3A_734 : vector<32xf32>
    %reduce_sum3A_736 = vector.shape_cast %sqrt3A_735 : vector<32xf32> to vector<1x32xf32>
    %reduce_sum3A_737 = arith.constant dense<0.000000e+00> : vector<1xf32>
    %reduce_sum3A_738 = vector.multi_reduction <add>, %reduce_sum3A_736, %reduce_sum3A_737 [1] : vector<1x32xf32> to vector<1xf32>
    %reduce_sum3A_739 = vector.shape_cast %reduce_sum3A_738 : vector<1xf32> to vector<1x1xf32>
    %reduce_sum3A_740 = vector.extract %reduce_sum3A_739[0, 0] : f32 from vector<1x1xf32>
    %add3A_741 = arith.addf %add3A_728, %reduce_sum3A_740 : f32
    %slice3A_742 = vector.extract_strided_slice %sub3A {offsets = [0, 7168], sizes = [32, 128], strides = [1, 1]} : vector<32x8192xf32> to vector<32x128xf32>
    %reduce_min3A_743 = arith.constant dense<0x7F800000> : vector<32xf32>
    %reduce_min3A_744 = vector.multi_reduction <minimumf>, %slice3A_742, %reduce_min3A_743 [1] : vector<32x128xf32> to vector<32xf32>
    %max3A_745 = arith.constant 0.000000e+00 : f32
    %max3A_746 = vector.broadcast %max3A_745 : f32 to vector<32xf32>
    %max3A_747 = arith.maximumf %reduce_min3A_744, %max3A_746 : vector<32xf32>
    %sqrt3A_748 = math.sqrt %max3A_747 : vector<32xf32>
    %reduce_sum3A_749 = vector.shape_cast %sqrt3A_748 : vector<32xf32> to vector<1x32xf32>
    %reduce_sum3A_750 = arith.constant dense<0.000000e+00> : vector<1xf32>
    %reduce_sum3A_751 = vector.multi_reduction <add>, %reduce_sum3A_749, %reduce_sum3A_750 [1] : vector<1x32xf32> to vector<1xf32>
    %reduce_sum3A_752 = vector.shape_cast %reduce_sum3A_751 : vector<1xf32> to vector<1x1xf32>
    %reduce_sum3A_753 = vector.extract %reduce_sum3A_752[0, 0] : f32 from vector<1x1xf32>
    %add3A_754 = arith.addf %add3A_741, %reduce_sum3A_753 : f32
    %slice3A_755 = vector.extract_strided_slice %sub3A {offsets = [0, 7296], sizes = [32, 128], strides = [1, 1]} : vector<32x8192xf32> to vector<32x128xf32>
    %reduce_min3A_756 = arith.constant dense<0x7F800000> : vector<32xf32>
    %reduce_min3A_757 = vector.multi_reduction <minimumf>, %slice3A_755, %reduce_min3A_756 [1] : vector<32x128xf32> to vector<32xf32>
    %max3A_758 = arith.constant 0.000000e+00 : f32
    %max3A_759 = vector.broadcast %max3A_758 : f32 to vector<32xf32>
    %max3A_760 = arith.maximumf %reduce_min3A_757, %max3A_759 : vector<32xf32>
    %sqrt3A_761 = math.sqrt %max3A_760 : vector<32xf32>
    %reduce_sum3A_762 = vector.shape_cast %sqrt3A_761 : vector<32xf32> to vector<1x32xf32>
    %reduce_sum3A_763 = arith.constant dense<0.000000e+00> : vector<1xf32>
    %reduce_sum3A_764 = vector.multi_reduction <add>, %reduce_sum3A_762, %reduce_sum3A_763 [1] : vector<1x32xf32> to vector<1xf32>
    %reduce_sum3A_765 = vector.shape_cast %reduce_sum3A_764 : vector<1xf32> to vector<1x1xf32>
    %reduce_sum3A_766 = vector.extract %reduce_sum3A_765[0, 0] : f32 from vector<1x1xf32>
    %add3A_767 = arith.addf %add3A_754, %reduce_sum3A_766 : f32
    %slice3A_768 = vector.extract_strided_slice %sub3A {offsets = [0, 7424], sizes = [32, 128], strides = [1, 1]} : vector<32x8192xf32> to vector<32x128xf32>
    %reduce_min3A_769 = arith.constant dense<0x7F800000> : vector<32xf32>
    %reduce_min3A_770 = vector.multi_reduction <minimumf>, %slice3A_768, %reduce_min3A_769 [1] : vector<32x128xf32> to vector<32xf32>
    %max3A_771 = arith.constant 0.000000e+00 : f32
    %max3A_772 = vector.broadcast %max3A_771 : f32 to vector<32xf32>
    %max3A_773 = arith.maximumf %reduce_min3A_770, %max3A_772 : vector<32xf32>
    %sqrt3A_774 = math.sqrt %max3A_773 : vector<32xf32>
    %reduce_sum3A_775 = vector.shape_cast %sqrt3A_774 : vector<32xf32> to vector<1x32xf32>
    %reduce_sum3A_776 = arith.constant dense<0.000000e+00> : vector<1xf32>
    %reduce_sum3A_777 = vector.multi_reduction <add>, %reduce_sum3A_775, %reduce_sum3A_776 [1] : vector<1x32xf32> to vector<1xf32>
    %reduce_sum3A_778 = vector.shape_cast %reduce_sum3A_777 : vector<1xf32> to vector<1x1xf32>
    %reduce_sum3A_779 = vector.extract %reduce_sum3A_778[0, 0] : f32 from vector<1x1xf32>
    %add3A_780 = arith.addf %add3A_767, %reduce_sum3A_779 : f32
    %slice3A_781 = vector.extract_strided_slice %sub3A {offsets = [0, 7552], sizes = [32, 128], strides = [1, 1]} : vector<32x8192xf32> to vector<32x128xf32>
    %reduce_min3A_782 = arith.constant dense<0x7F800000> : vector<32xf32>
    %reduce_min3A_783 = vector.multi_reduction <minimumf>, %slice3A_781, %reduce_min3A_782 [1] : vector<32x128xf32> to vector<32xf32>
    %max3A_784 = arith.constant 0.000000e+00 : f32
    %max3A_785 = vector.broadcast %max3A_784 : f32 to vector<32xf32>
    %max3A_786 = arith.maximumf %reduce_min3A_783, %max3A_785 : vector<32xf32>
    %sqrt3A_787 = math.sqrt %max3A_786 : vector<32xf32>
    %reduce_sum3A_788 = vector.shape_cast %sqrt3A_787 : vector<32xf32> to vector<1x32xf32>
    %reduce_sum3A_789 = arith.constant dense<0.000000e+00> : vector<1xf32>
    %reduce_sum3A_790 = vector.multi_reduction <add>, %reduce_sum3A_788, %reduce_sum3A_789 [1] : vector<1x32xf32> to vector<1xf32>
    %reduce_sum3A_791 = vector.shape_cast %reduce_sum3A_790 : vector<1xf32> to vector<1x1xf32>
    %reduce_sum3A_792 = vector.extract %reduce_sum3A_791[0, 0] : f32 from vector<1x1xf32>
    %add3A_793 = arith.addf %add3A_780, %reduce_sum3A_792 : f32
    %slice3A_794 = vector.extract_strided_slice %sub3A {offsets = [0, 7680], sizes = [32, 128], strides = [1, 1]} : vector<32x8192xf32> to vector<32x128xf32>
    %reduce_min3A_795 = arith.constant dense<0x7F800000> : vector<32xf32>
    %reduce_min3A_796 = vector.multi_reduction <minimumf>, %slice3A_794, %reduce_min3A_795 [1] : vector<32x128xf32> to vector<32xf32>
    %max3A_797 = arith.constant 0.000000e+00 : f32
    %max3A_798 = vector.broadcast %max3A_797 : f32 to vector<32xf32>
    %max3A_799 = arith.maximumf %reduce_min3A_796, %max3A_798 : vector<32xf32>
    %sqrt3A_800 = math.sqrt %max3A_799 : vector<32xf32>
    %reduce_sum3A_801 = vector.shape_cast %sqrt3A_800 : vector<32xf32> to vector<1x32xf32>
    %reduce_sum3A_802 = arith.constant dense<0.000000e+00> : vector<1xf32>
    %reduce_sum3A_803 = vector.multi_reduction <add>, %reduce_sum3A_801, %reduce_sum3A_802 [1] : vector<1x32xf32> to vector<1xf32>
    %reduce_sum3A_804 = vector.shape_cast %reduce_sum3A_803 : vector<1xf32> to vector<1x1xf32>
    %reduce_sum3A_805 = vector.extract %reduce_sum3A_804[0, 0] : f32 from vector<1x1xf32>
    %add3A_806 = arith.addf %add3A_793, %reduce_sum3A_805 : f32
    %slice3A_807 = vector.extract_strided_slice %sub3A {offsets = [0, 7808], sizes = [32, 128], strides = [1, 1]} : vector<32x8192xf32> to vector<32x128xf32>
    %reduce_min3A_808 = arith.constant dense<0x7F800000> : vector<32xf32>
    %reduce_min3A_809 = vector.multi_reduction <minimumf>, %slice3A_807, %reduce_min3A_808 [1] : vector<32x128xf32> to vector<32xf32>
    %max3A_810 = arith.constant 0.000000e+00 : f32
    %max3A_811 = vector.broadcast %max3A_810 : f32 to vector<32xf32>
    %max3A_812 = arith.maximumf %reduce_min3A_809, %max3A_811 : vector<32xf32>
    %sqrt3A_813 = math.sqrt %max3A_812 : vector<32xf32>
    %reduce_sum3A_814 = vector.shape_cast %sqrt3A_813 : vector<32xf32> to vector<1x32xf32>
    %reduce_sum3A_815 = arith.constant dense<0.000000e+00> : vector<1xf32>
    %reduce_sum3A_816 = vector.multi_reduction <add>, %reduce_sum3A_814, %reduce_sum3A_815 [1] : vector<1x32xf32> to vector<1xf32>
    %reduce_sum3A_817 = vector.shape_cast %reduce_sum3A_816 : vector<1xf32> to vector<1x1xf32>
    %reduce_sum3A_818 = vector.extract %reduce_sum3A_817[0, 0] : f32 from vector<1x1xf32>
    %add3A_819 = arith.addf %add3A_806, %reduce_sum3A_818 : f32
    %slice3A_820 = vector.extract_strided_slice %sub3A {offsets = [0, 7936], sizes = [32, 128], strides = [1, 1]} : vector<32x8192xf32> to vector<32x128xf32>
    %reduce_min3A_821 = arith.constant dense<0x7F800000> : vector<32xf32>
    %reduce_min3A_822 = vector.multi_reduction <minimumf>, %slice3A_820, %reduce_min3A_821 [1] : vector<32x128xf32> to vector<32xf32>
    %max3A_823 = arith.constant 0.000000e+00 : f32
    %max3A_824 = vector.broadcast %max3A_823 : f32 to vector<32xf32>
    %max3A_825 = arith.maximumf %reduce_min3A_822, %max3A_824 : vector<32xf32>
    %sqrt3A_826 = math.sqrt %max3A_825 : vector<32xf32>
    %reduce_sum3A_827 = vector.shape_cast %sqrt3A_826 : vector<32xf32> to vector<1x32xf32>
    %reduce_sum3A_828 = arith.constant dense<0.000000e+00> : vector<1xf32>
    %reduce_sum3A_829 = vector.multi_reduction <add>, %reduce_sum3A_827, %reduce_sum3A_828 [1] : vector<1x32xf32> to vector<1xf32>
    %reduce_sum3A_830 = vector.shape_cast %reduce_sum3A_829 : vector<1xf32> to vector<1x1xf32>
    %reduce_sum3A_831 = vector.extract %reduce_sum3A_830[0, 0] : f32 from vector<1x1xf32>
    %add3A_832 = arith.addf %add3A_819, %reduce_sum3A_831 : f32
    %slice3A_833 = vector.extract_strided_slice %sub3A {offsets = [0, 8064], sizes = [32, 128], strides = [1, 1]} : vector<32x8192xf32> to vector<32x128xf32>
    %reduce_min3A_834 = arith.constant dense<0x7F800000> : vector<32xf32>
    %reduce_min3A_835 = vector.multi_reduction <minimumf>, %slice3A_833, %reduce_min3A_834 [1] : vector<32x128xf32> to vector<32xf32>
    %max3A_836 = arith.constant 0.000000e+00 : f32
    %max3A_837 = vector.broadcast %max3A_836 : f32 to vector<32xf32>
    %max3A_838 = arith.maximumf %reduce_min3A_835, %max3A_837 : vector<32xf32>
    %sqrt3A_839 = math.sqrt %max3A_838 : vector<32xf32>
    %reduce_sum3A_840 = vector.shape_cast %sqrt3A_839 : vector<32xf32> to vector<1x32xf32>
    %reduce_sum3A_841 = arith.constant dense<0.000000e+00> : vector<1xf32>
    %reduce_sum3A_842 = vector.multi_reduction <add>, %reduce_sum3A_840, %reduce_sum3A_841 [1] : vector<1x32xf32> to vector<1xf32>
    %reduce_sum3A_843 = vector.shape_cast %reduce_sum3A_842 : vector<1xf32> to vector<1x1xf32>
    %reduce_sum3A_844 = vector.extract %reduce_sum3A_843[0, 0] : f32 from vector<1x1xf32>
    %add3A_845 = arith.addf %add3A_832, %reduce_sum3A_844 : f32
    %eq3A = arith.constant 0 : i32
    %eq3A_846 = arith.cmpi eq, %arg0, %eq3A : i32
    %convert_element_type3A = arith.extui %eq3A_846 : i1 to i32
    %cond3A = arith.constant 0 : i32
    %cond3A_847 = arith.cmpi ne, %convert_element_type3A, %cond3A : i32
    scf.if %cond3A_847 {
      %swap3A_854 = arith.constant 0.000000e+00 : f32
      %swap3A_855 = arith.constant 0 : index
      %swap3A_856 = arith.constant 0 : index
      %swap3A_857 = memref.load %arg3[%swap3A_855, %swap3A_856] : memref<1x1xf32, #tpu.memory_space<smem>>
      memref.store %swap3A_854, %arg3[%swap3A_855, %swap3A_856] : memref<1x1xf32, #tpu.memory_space<smem>>
    } else {
    }
    %get3A_848 = arith.constant 0 : index
    %get3A_849 = arith.constant 0 : index
    %get3A_850 = memref.load %arg3[%get3A_848, %get3A_849] : memref<1x1xf32, #tpu.memory_space<smem>>
    %add3A_851 = arith.addf %get3A_850, %add3A_845 : f32
    %swap3A = arith.constant 0 : index
    %swap3A_852 = arith.constant 0 : index
    %swap3A_853 = memref.load %arg3[%swap3A, %swap3A_852] : memref<1x1xf32, #tpu.memory_space<smem>>
    memref.store %add3A_851, %arg3[%swap3A, %swap3A_852] : memref<1x1xf32, #tpu.memory_space<smem>>
    return
  }
  func.func @transform_0(%arg0: i32) -> (i32, i32) {
    %c0_i32 = arith.constant 0 : i32
    %c0_i32_0 = arith.constant 0 : i32
    %c0_i32_1 = arith.constant 0 : i32
    return %c0_i32, %c0_i32_0 : i32, i32
  }
  func.func @transform_1(%arg0: i32) -> (i32, i32) {
    %c0_i32 = arith.constant 0 : i32
    %c0_i32_0 = arith.constant 0 : i32
    return %c0_i32, %arg0 : i32, i32
  }
  func.func @transform_2(%arg0: i32) -> (i32, i32) {
    %c0_i32 = arith.constant 0 : i32
    %c0_i32_0 = arith.constant 0 : i32
    %c0_i32_1 = arith.constant 0 : i32
    return %c0_i32, %c0_i32_0 : i32, i32
  }
}

</mosaic_0001>

<sc_bundles>
// kernel: kernel.4.cloned.1.call-start
scs
__scs_entry_jumppad:
0x0: {  	(pc) =	sbr.rel $0x88, $3  }
0x1: {  	(tag) =	ssettag $0x0;
	lr =	simm.s32 $0x1  }
0x2: {  	[smem:$0x3F9E] =	sst lr;
	_ =	strace $0xD0000000  }
0x3: {  	_ = 	snop  }
0x4: {  	_ = 	snop  }
0x5: {  	_ = 	snop  }
0x6: {  	_ = 	snop  }
0x7: {  	_ = 	snop  }
__scs_overlays_trampoline_lowered:
0x8: {  	[smem:$0x3FAD] =	sst s0  }
0x9: {  	[smem:$0x3FAE] =	sst s1  }
0xa: {  	[smem:$0x3FAF] =	sst s2  }
0xb: {  	[smem:$0x3FB0] =	sst s3  }
0xc: {  	[smem:$0x3FB1] =	sst s4  }
0xd: {  	[smem:$0x3FB2] =	sst s5  }
0xe: {  	[smem:$0x3FB3] =	sst s6  }
0xf: {  	[smem:$0x3FB4] =	sst s7  }
0x10: {  	[smem:$0x3FB5] =	sst s8  }
0x11: {  	[smem:$0x3FB6] =	sst s9;
	s0 =	simm.s32 @!p0 $0x0  }
0x12: {  	s1 =	sld [smem:$0x3F9C];
	s0 =	simm.s32 @p0 $0x1  }
0x13: {  	[smem:$0x3FB7] =	sst s0;
	s0 =	simm.s32 @!p1 $0x0  }
0x14: {  	s2 =	sld [smem:$0x3F9B];
	s0 =	simm.s32 @p1 $0x1  }
0x15: {  	[smem:$0x3FB8] =	sst s0;
	s0 =	simm.s32 @!p2 $0x0  }
0x16: {  	s3 =	sld [smem:$0x3FDB];
	s0 =	simm.s32 @p2 $0x1  }
0x17: {  	s4 =	simm.s32 $0x1BF5;
	[smem:$0x3FBA] =	sst s0  }
0x18: {  	s0 =	sld [smem:$0x3F9D];
	_ =	swait.ge [sflag:s4], $0x0  }
0x19: {  	s7 =	sld [smem:$0x3F9E]  }
0x1a: {  	s8 =	sadd.s32 $0xFFFFE003, lr  }
0x1b: {  	s9 =	sadd.s32 $0xFFFFFEF7, lr;
	s5 =	simm.s32 $0xFFFFFFFF;
	p2 =	slt.u32 s8, $0xFFFFF086  }
0x1c: {  	p1 =	slt.u32 s9, $0xF7A;
	s5 =	simm.s32 @!p2 $0x0  }
0x1d: {  	s5 =	simm.s32 @p1 $0x1;
	p0 =	seq.s32 s7, s2  }
0x1e: {  	s7 =	smul.u32 @!p0 $0xF7A, s2;
	p2 =	seq.s32 @!p0 s5, $0x0  }
0x1f: {  	s9 =	smul.u32 $0xF7A, s1;
	s8 =	simm.s32 @!p0 $0x1BF5;
	p2 =	por !p2, p0  }
0x20: {  	[sflag:s8] =	ssyncset.s32 @!p0 $0xFFFFF086;
	s6 =	sadd.s32 @!p0 s3, s7;
	s7 =	simm.s32 @!p0 $0x108  }
0x21: {  	s3 =	sadd.s32 s3, s9;
	s6 =	sadd.s32 @!p0 $0x88, s6;
	s7 =	simm.s32 @p2 $0x1082  }
0x22: {  	[simem:s7], [sflag:s8] =	dma.local @!p0 [hbm:s6], $0xF7A  }
0x23: {  	s9 =	sor.u32 $0xD0000000, s2;
	s6 =	simm.s32 $0x108;
	_ =	swait.ge @!p0 [sflag:s8], $0x0  }
0x24: {  	s3 =	sadd.s32 $0x88, s3;
	s6 =	simm.s32 @!p1 $0x1082;
	[sflag:s4] =	ssyncset.s32 $0xFFFFF086  }
0x25: {  	[simem:s6], [sflag:s4] =	dma.local [hbm:s3], $0xF7A  }
0x26: {  	[smem:$0x3F9E] =	sst s1;
	(tag) =	ssettag s2;
	_ =	strace s9  }
0x27: {  	s1 =	sld [smem:$0x3FAE]  }
0x28: {  	s2 =	sld [smem:$0x3FAF]  }
0x29: {  	s4 =	sld [smem:$0x3FB1]  }
0x2a: {  	p0 =	seq.s32 s5, $0x0;
	s5 =	sld [smem:$0x3FB2]  }
0x2b: {  	s6 =	sld [smem:$0x3FB3]  }
0x2c: {  	s7 =	sld [smem:$0x3FB4]  }
0x2d: {  	s3 =	simm.s32 $0x108;
	s8 =	sld [smem:$0x3FB5]  }
0x2e: {  	s3 =	simm.s32 @!p0 $0x1082;
	s9 =	sld [smem:$0x3FB6]  }
0x2f: {  	lr =	sadd.s32 s0, s3;
	s0 =	sld [smem:$0x3FAD]  }
0x30: {  	s3 =	sld [smem:$0x3FB0]  }
0x31: {  	[smem:$0x3FB9] =	sst s10  }
0x32: {  	s10 =	sld [smem:$0x3FB7];
	_ =	sdelay $0x3  }
0x33: {  	p0 =	seq.s32 s10, $0x1;
	s10 =	sld [smem:$0x3FB9];
	_ =	sdelay $0x3  }
0x34: {  	[smem:$0x3FB9] =	sst s10  }
0x35: {  	s10 =	sld [smem:$0x3FB8];
	_ =	sdelay $0x3  }
0x36: {  	p1 =	seq.s32 s10, $0x1;
	s10 =	sld [smem:$0x3FB9];
	_ =	sdelay $0x3  }
0x37: {  	[smem:$0x3FB9] =	sst s10  }
0x38: {  	s10 =	sld [smem:$0x3FBA]  }
0x39: {  	_ = 	snop;
	(pc) =	sbr.ind lr, $3  }
0x3a: {  	_ = 	snop  }
0x3b: {  	_ = 	snop  }
0x3c: {  	p2 =	seq.s32 s10, $0x1;
	s10 =	sld [smem:$0x3FB9]  }
0x3d: {  	_ =	shalt  }
0x3e: {  	_ =	shalt  }
0x3f: {  	_ =	shalt  }
0x40: {  	_ =	shalt  }
0x41: {  	_ =	shalt  }
0x42: {  	_ =	shalt  }
0x43: {  	_ =	shalt  }
0x44: {  	_ =	shalt  }
0x45: {  	_ =	shalt  }
0x46: {  	_ =	shalt  }
0x47: {  	_ =	shalt  }
0x48: {  	_ =	shalt  }
0x49: {  	_ =	shalt  }
0x4a: {  	_ =	shalt  }
0x4b: {  	_ =	shalt  }
0x4c: {  	_ =	shalt  }
0x4d: {  	_ =	shalt  }
0x4e: {  	_ =	shalt  }
0x4f: {  	_ =	shalt  }
0x50: {  	_ =	shalt  }
0x51: {  	_ =	shalt  }
0x52: {  	_ =	shalt  }
0x53: {  	_ =	shalt  }
0x54: {  	_ =	shalt  }
0x55: {  	_ =	shalt  }
0x56: {  	_ =	shalt  }
0x57: {  	_ =	shalt  }
0x58: {  	_ =	shalt  }
0x59: {  	_ =	shalt  }
0x5a: {  	_ =	shalt  }
0x5b: {  	_ =	shalt  }
0x5c: {  	_ =	shalt  }
0x5d: {  	_ =	shalt  }
0x5e: {  	_ =	shalt  }
0x5f: {  	_ =	shalt  }
0x60: {  	_ =	shalt  }
0x61: {  	_ =	shalt  }
0x62: {  	_ =	shalt  }
0x63: {  	_ =	shalt  }
0x64: {  	_ =	shalt  }
0x65: {  	_ =	shalt  }
0x66: {  	_ =	shalt  }
0x67: {  	_ =	shalt  }
0x68: {  	_ =	shalt  }
0x69: {  	_ =	shalt  }
0x6a: {  	_ =	shalt  }
0x6b: {  	_ =	shalt  }
0x6c: {  	_ =	shalt  }
0x6d: {  	_ =	shalt  }
0x6e: {  	_ =	shalt  }
0x6f: {  	_ =	shalt  }
0x70: {  	_ =	shalt  }
0x71: {  	_ =	shalt  }
0x72: {  	_ =	shalt  }
0x73: {  	_ =	shalt  }
0x74: {  	_ =	shalt  }
0x75: {  	_ =	shalt  }
0x76: {  	_ =	shalt  }
0x77: {  	_ =	shalt  }
0x78: {  	_ =	shalt  }
0x79: {  	_ =	shalt  }
0x7a: {  	_ =	shalt  }
0x7b: {  	_ =	shalt  }
0x7c: {  	_ =	shalt  }
0x7d: {  	_ =	shalt  }
0x7e: {  	_ =	shalt  }
0x7f: {  	_ =	shalt  }
0x80: {  	_ =	shalt  }
0x81: {  	_ =	shalt  }
0x82: {  	_ =	shalt  }
0x83: {  	_ =	shalt  }
0x84: {  	_ =	shalt  }
0x85: {  	_ =	shalt  }
0x86: {  	_ =	shalt  }
0x87: {  	_ =	shalt  }
.Lfunc_end0:
.L_simem_size_0:
called_computation_lowered:
.L_overlay_start_0:
0x88: {  	s2 =	sld [smem:$0x3FD9]  }
0x89: {  	s3 =	sld [smem:$0x3FFE];
	_ =	sdelay $0x1  }
0x8a: {  	s1 =	srdreg.scid  }
0x8b: {  	s0 =	sand.u32 $0x1, s1  }
0x8c: {  	s17 =	sshll.u32 s0, $0xA;
	s2 =	sadd.s32 s3, s2  }
0x8d: {  	s2 =	sadd.s32 s2, s17  }
0x8e: {  	[smem:$0x3FC5] =	sst s2  }
0x8f: {  	_ = 	snop  }
0x90: {  	s2 =	sld [smem:$0x3FC8]  }
0x91: {  	s18 =	sld [smem:$0x3FC7];
	(tm) =	ssettm $0x1  }
0x92: {  	s4 =	sld [smem:$0x3FFB];
	_ =	sdelay $0x3  }
0x93: {  	_ =	strace s4  }
0x94: {  	s4 =	sld [smem:$0x3FFC];
	_ =	sdelay $0x3  }
0x95: {  	_ =	strace s4  }
0x96: {  	s4 =	sld [smem:$0x3FFD];
	_ =	sdelay $0x3  }
0x97: {  	_ =	strace s4  }
0x98: {  	_ =	strace $0x8FFFFFFF  }
0x99: {  	s19 =	sld [smem:$0x3FDB];
	_ =	sdelay $0x1  }
0x9a: {  	s5 =	simm.s32 $_scs_section_size  }
0x9b: {  	s6 =	simm.s32 $_size__tile_overlayer_lowered;
	s7 =	simm.s32 $_tile_overlayer_lowered  }
0x9c: {  	s22 =	simm.s32 $0x1BFF;
	s21 =	sshll.u32 s7, $0x1;
	s4 =	sadd.s32 s5, s19  }
0x9d: {  	s8 =	simm.s32 $0x0;
	s20 =	sshll.u32 s6, $0x1;
	s6 =	sadd.s32 s21, s4  }
0x9e: {  	[timem:s8], [sflag:s22] =	dma.local [hbm:s6], s20  }
0x9f: {  	_ =	swait.ge [sflag:s22], s20  }
0xa0: {  	s5 =	ssub.s32 $0x0, s20;
	[sflag:s22] =	ssyncset.done $0x0  }
0xa1: {  	[sflag:s22] =	ssyncadd.s32 s5;
	_ =	sdelay $0x1  }
0xa2: {  	s23 =	simm.s32 $0x1B8B  }
0xa3: {  	_ =	swait.ge [sflag:s23], $0x1  }
0xa4: {  	[sflag:s23] =	ssyncset.done $0x0  }
0xa5: {  	s25 =	simm.s32 $0x1B8E;
	s24 =	sld [smem:$0x3FFE];
	[sflag:s23] =	ssyncadd.s32 $0xFFFFFFFF  }
0xa6: {  	s26 =	simm.s32 $execute0_lowered;
	[smem:$0x3FD2] =	sst s25  }
0xa7: {  	s6 =	sshll.u32 s26, $0x1;
	_ =	strace $0x80000046;
	[dreg:$0x1] =	wrdreg $0xFFFFFFFF  }
0xa8: {  	s28 =	simm.s32 $_size_execute0_lowered;
	s4 =	sadd.s32 s4, s6;
	[dreg:$0x0] =	wrdreg $0x0  }
0xa9: {  	s6 =	sshll.u32 s28, $0x1;
	[dreg:$0x2] =	wrdreg s4  }
0xaa: {  	[dreg:$0x3] =	wrdreg s6  }
0xab: {  	[dreg:$0x4] =	wrdreg $0xC0  }
0xac: {  	_ =	task [dreg:s8], $0x5FFFF  }
0xad: {  	[dreg:$0x1] =	wrdreg $0xFFFFFFFF  }
0xae: {  	[dreg:$0x0] =	wrdreg $0x60  }
0xaf: {  	[dreg:$0x2] =	wrdreg s18  }
0xb0: {  	[dreg:$0x3] =	wrdreg s24  }
0xb1: {  	[dreg:$0x4] =	wrdreg s2  }
0xb2: {  	[dreg:$0x5] =	wrdreg $0x0  }
0xb3: {  	[dreg:$0x6] =	wrdreg $0x9  }
0xb4: {  	_ =	task.clear_ibuf [dreg:s8], $0x7FFFF;
	_ =	strace $0x90000046  }
0xb5: {  	s29 =	simm.s32 $0x9;
	_ =	strace $0x80000048  }
0xb6: {  	_ =	swait.ge [sflag:s29], $0x1  }
0xb7: {  	[sflag:s29] =	ssyncadd.s32 $0xFFFFFFFF  }
0xb8: {  	_ =	strace $0x90000048  }
0xb9: {  	_ =	sfence  }
0xba: {  	s30 =	sld [smem:$0x0];
	_ =	sdelay $0x2  }
0xbb: {  	s31 =	sshll.u32 s1, $0xD;
	s1 =	sshrl.u32 s1, $0x2  }
0xbc: {  	s3 =	sand.u32 $0x4000, s31;
	s1 =	sadd.s32 s1, s30  }
0xbd: {  	s0 =	sor.u32 s3, s0;
	s1 =	sshll.u32 s1, $0x11  }
0xbe: {  	s0 =	sor.u32 s1, s0  }
0xbf: {  	s0 =	sadd.s32 $0x8F2B, s0  }
0xc0: {  	[sflag:s0] =	ssyncadd.remote.s32 $0x1  }
0xc1: {  	_ =	sfence.sel $0xFFFF  }
0xc2: {  	[dreg:$0x0] =	wrdreg $0xFFFFFFFF;
	(pc) =	sbr.abs _section_cstart, $3  }
0xc3: {  	[dreg:$0x1] =	wrdreg $0xFFFFFFFF  }
0xc4: {  	_ =	task.clear_ibuf [dreg:s8], $0x2FFFF;
	_ =	strace $0x9FFFFFFF  }
0xc5: {  	(tm) =	ssettm $0x7FFFFFFF  }
tec
execute0_lowered:
.L_overlay_start_1:
0x0: {  	(tag) =	ssettag $0x1  }
0x1: {  	s2 =	rddreg [dreg:$0x0]  }
0x2: {  	s4 =	rddreg [dreg:$0x1]  }
0x3: {  	s3 =	rddreg [dreg:$0x2]  }
0x4: {  	s1 =	rddreg [dreg:$0x3];
	s6 =	simm.s32 $0x0  }
0x5: {  	s20 =	simm.s32 $0x7AA8;
	[smem:$0x7FF] =	sst s6  }
0x6: {  	s21 =	simm.s32 $0x7B28;
	_ =	strace $0x80000047;
	[dreg:$0x7] =	wrdreg s20  }
0x7: {  	s22 =	simm.s32 $0x7BA8;
	[dreg:$0x8] =	wrdreg s21  }
0x8: {  	s23 =	simm.s32 $0x7C28;
	[dreg:$0x9] =	wrdreg s22  }
0x9: {  	s24 =	simm.s32 $0x7CA8;
	[dreg:$0xa] =	wrdreg s23  }
0xa: {  	s25 =	simm.s32 $0x7D28;
	[dreg:$0xb] =	wrdreg s24  }
0xb: {  	s26 =	simm.s32 $0x7DA8;
	[dreg:$0xc] =	wrdreg s25  }
0xc: {  	s28 =	simm.s32 $0x7E28;
	[dreg:$0xd] =	wrdreg s26  }
0xd: {  	s6 =	simm.s32 $0x7EA8;
	[dreg:$0xe] =	wrdreg s28  }
0xe: {  	s7 =	simm.s32 $0x7F28;
	[dreg:$0xf] =	wrdreg s6  }
0xf: {  	s8 =	simm.s32 $0x7FA8;
	[dreg:$0x10] =	wrdreg s7  }
0x10: {  	s9 =	simm.s32 $0x8028;
	[dreg:$0x11] =	wrdreg s8  }
0x11: {  	s10 =	simm.s32 $0x80A8;
	[dreg:$0x12] =	wrdreg s9  }
0x12: {  	s11 =	simm.s32 $0x8128;
	[dreg:$0x13] =	wrdreg s10  }
0x13: {  	s12 =	simm.s32 $0x81A8;
	[dreg:$0x14] =	wrdreg s11  }
0x14: {  	s13 =	simm.s32 $0x8228;
	[dreg:$0x15] =	wrdreg s12  }
0x15: {  	s14 =	simm.s32 $0x82A8;
	[dreg:$0x16] =	wrdreg s13  }
0x16: {  	s15 =	simm.s32 $0x8328;
	[dreg:$0x17] =	wrdreg s14  }
0x17: {  	s16 =	simm.s32 $0x83A8;
	[dreg:$0x18] =	wrdreg s15  }
0x18: {  	s0 =	stileid.u32;
	s17 =	simm.s32 $0x8428;
	[dreg:$0x19] =	wrdreg s16  }
0x19: {  	s18 =	simm.s32 $0x84A8;
	s19 =	smul.u32 $0x7A00, s0;
	[dreg:$0x1a] =	wrdreg s17  }
0x1a: {  	[dreg:$0x1b] =	wrdreg s18  }
0x1b: {  	s20 =	simm.s32 $0x85A8;
	[dreg:$0x5] =	wrdreg s19  }
0x1c: {  	s21 =	simm.s32 $0x8628;
	[dreg:$0x1d] =	wrdreg s20  }
0x1d: {  	s22 =	simm.s32 $0x86A8;
	[dreg:$0x1e] =	wrdreg s21  }
0x1e: {  	s23 =	simm.s32 $0x8728;
	[dreg:$0x1f] =	wrdreg s22  }
0x1f: {  	s24 =	simm.s32 $0x87A8;
	[smem:$0x792] =	sst s23  }
0x20: {  	s25 =	simm.s32 $0x8828;
	[smem:$0x793] =	sst s24  }
0x21: {  	s26 =	simm.s32 $0x88A8;
	[smem:$0x794] =	sst s25  }
0x22: {  	s28 =	simm.s32 $0x8928;
	[smem:$0x795] =	sst s26  }
0x23: {  	s6 =	simm.s32 $0x89A8;
	[smem:$0x796] =	sst s28  }
0x24: {  	s7 =	simm.s32 $0x8A28;
	[smem:$0x797] =	sst s6  }
0x25: {  	s8 =	simm.s32 $0x8AA8;
	[smem:$0x798] =	sst s7  }
0x26: {  	s9 =	simm.s32 $0x8B28;
	[smem:$0x799] =	sst s8  }
0x27: {  	s10 =	simm.s32 $0x8BA8;
	[smem:$0x79A] =	sst s9  }
0x28: {  	s11 =	simm.s32 $0x8C28;
	[smem:$0x79B] =	sst s10  }
0x29: {  	s12 =	simm.s32 $0x8CA8;
	[smem:$0x79C] =	sst s11  }
0x2a: {  	s13 =	simm.s32 $0x8D28;
	[smem:$0x79D] =	sst s12  }
0x2b: {  	s14 =	simm.s32 $0x8DA8;
	[smem:$0x79E] =	sst s13  }
0x2c: {  	s15 =	simm.s32 $0x8E28;
	[smem:$0x79F] =	sst s14  }
0x2d: {  	s16 =	simm.s32 $0x8EA8;
	[smem:$0x7A0] =	sst s15  }
0x2e: {  	s17 =	simm.s32 $0x8F28;
	[smem:$0x7A1] =	sst s16  }
0x2f: {  	s18 =	simm.s32 $0x8FA8;
	[smem:$0x7A2] =	sst s17  }
0x30: {  	s19 =	simm.s32 $0x8528;
	[smem:$0x7A3] =	sst s18  }
0x31: {  	s20 =	simm.s32 $0x90A8;
	[dreg:$0x1c] =	wrdreg s19  }
0x32: {  	s21 =	simm.s32 $0x9128;
	[smem:$0x7A5] =	sst s20  }
0x33: {  	s22 =	simm.s32 $0x91A8;
	[smem:$0x7A6] =	sst s21  }
0x34: {  	s23 =	simm.s32 $0x9228;
	[smem:$0x7A7] =	sst s22  }
0x35: {  	s24 =	simm.s32 $0x92A8;
	[smem:$0x7A8] =	sst s23  }
0x36: {  	s25 =	simm.s32 $0x9328;
	[smem:$0x7A9] =	sst s24  }
0x37: {  	s26 =	simm.s32 $0x93A8;
	[smem:$0x7AA] =	sst s25  }
0x38: {  	s28 =	simm.s32 $0x9428;
	[smem:$0x7AB] =	sst s26  }
0x39: {  	s6 =	simm.s32 $0x94A8;
	[smem:$0x7AC] =	sst s28  }
0x3a: {  	s7 =	simm.s32 $0x9528;
	[smem:$0x7AD] =	sst s6  }
0x3b: {  	s8 =	simm.s32 $0x95A8;
	[smem:$0x7AE] =	sst s7  }
0x3c: {  	s9 =	simm.s32 $0x9628;
	[smem:$0x7AF] =	sst s8  }
0x3d: {  	s10 =	simm.s32 $0x96A8;
	[smem:$0x7B0] =	sst s9  }
0x3e: {  	s11 =	simm.s32 $0x9728;
	[smem:$0x7B1] =	sst s10  }
0x3f: {  	s12 =	simm.s32 $0x97A8;
	[smem:$0x7B2] =	sst s11  }
0x40: {  	s13 =	simm.s32 $0x9828;
	[smem:$0x7B3] =	sst s12  }
0x41: {  	s14 =	simm.s32 $0x98A8;
	[smem:$0x7B4] =	sst s13  }
0x42: {  	s15 =	simm.s32 $0x9928;
	[smem:$0x7B5] =	sst s14  }
0x43: {  	s5 =	smul.u32 $0x3D000, s0;
	s16 =	simm.s32 $0x99A8;
	[smem:$0x7B6] =	sst s15  }
0x44: {  	s17 =	simm.s32 $0x9A28;
	[smem:$0x7B7] =	sst s16  }
0x45: {  	s5 =	sshrl.u32 s5, $0x3;
	s18 =	simm.s32 $0x9AA8;
	[smem:$0x7B9] =	sst s17  }
0x46: {  	s5 =	sadd.s32 $0x7A000, s5;
	[smem:$0x7BA] =	sst s18  }
0x47: {  	s19 =	simm.s32 $0x9028;
	[dreg:$0x6] =	wrdreg s5  }
0x48: {  	s20 =	simm.s32 $0x9BA8;
	[smem:$0x7A4] =	sst s19  }
0x49: {  	s21 =	simm.s32 $0x9C28;
	[smem:$0x7BC] =	sst s20  }
0x4a: {  	s22 =	simm.s32 $0x9CA8;
	[smem:$0x7BD] =	sst s21  }
0x4b: {  	s23 =	simm.s32 $0x9D28;
	[smem:$0x7BE] =	sst s22  }
0x4c: {  	s24 =	simm.s32 $0x9DA8;
	[smem:$0x7BF] =	sst s23  }
0x4d: {  	s25 =	simm.s32 $0x9E28;
	[smem:$0x7C0] =	sst s24  }
0x4e: {  	s26 =	simm.s32 $0x9EA8;
	[smem:$0x7C1] =	sst s25  }
0x4f: {  	s28 =	simm.s32 $0x9F28;
	[smem:$0x7C2] =	sst s26  }
0x50: {  	s7 =	simm.s32 $0xA028;
	[smem:$0x7C3] =	sst s28  }
0x51: {  	s8 =	simm.s32 $0xA0A8;
	[smem:$0x7C5] =	sst s7  }
0x52: {  	s9 =	simm.s32 $0xA128;
	[smem:$0x7C6] =	sst s8  }
0x53: {  	s10 =	simm.s32 $0xA1A8;
	[smem:$0x7C7] =	sst s9  }
0x54: {  	s11 =	simm.s32 $0xA228;
	[smem:$0x7C8] =	sst s10  }
0x55: {  	s12 =	simm.s32 $0xA2A8;
	[smem:$0x7C9] =	sst s11  }
0x56: {  	s13 =	simm.s32 $0xA328;
	[smem:$0x7CA] =	sst s12  }
0x57: {  	s14 =	simm.s32 $0xA3A8;
	[smem:$0x7CB] =	sst s13  }
0x58: {  	s15 =	simm.s32 $0xA428;
	[smem:$0x7CC] =	sst s14  }
0x59: {  	s16 =	simm.s32 $0xA4A8;
	[smem:$0x7CD] =	sst s15  }
0x5a: {  	p0 =	sne.s32 s0, $0x0;
	s17 =	simm.s32 $0xA528;
	[smem:$0x7CE] =	sst s16  }
0x5b: {  	s6 =	sadd.s32 $0x7A000, s1;
	s18 =	simm.s32 $0xA5A8;
	[smem:$0x7CF] =	sst s17  }
0x5c: {  	s5 =	sshrl.u32 @!p0 s6, $0x3;
	[smem:$0x7D0] =	sst s18  }
0x5d: {  	s19 =	simm.s32 $0x9B28;
	[smem:$0x7B8] =	sst s5  }
0x5e: {  	s6 =	simm.s32 $0x9FA8;
	[smem:$0x7BB] =	sst s19  }
0x5f: {  	s20 =	simm.s32 $0xA6A8;
	[smem:$0x7C4] =	sst s6  }
0x60: {  	s21 =	simm.s32 $0xA728;
	[smem:$0x7D2] =	sst s20  }
0x61: {  	s22 =	simm.s32 $0xA7A8;
	[smem:$0x7D3] =	sst s21  }
0x62: {  	s23 =	simm.s32 $0xA828;
	[smem:$0x7D4] =	sst s22  }
0x63: {  	s24 =	simm.s32 $0xA8A8;
	[smem:$0x7D5] =	sst s23  }
0x64: {  	s25 =	simm.s32 $0xA928;
	[smem:$0x7D6] =	sst s24  }
0x65: {  	s26 =	simm.s32 $0xA9A8;
	[smem:$0x7D7] =	sst s25  }
0x66: {  	s28 =	simm.s32 $0xAA28;
	[smem:$0x7D8] =	sst s26  }
0x67: {  	s8 =	simm.s32 $0xAB28;
	[smem:$0x7D9] =	sst s28  }
0x68: {  	s9 =	simm.s32 $0xABA8;
	[smem:$0x7DB] =	sst s8  }
0x69: {  	s10 =	simm.s32 $0xAC28;
	[smem:$0x7DC] =	sst s9  }
0x6a: {  	s11 =	simm.s32 $0xACA8;
	[smem:$0x7DD] =	sst s10  }
0x6b: {  	s12 =	simm.s32 $0xAD28;
	[smem:$0x7DE] =	sst s11  }
0x6c: {  	s13 =	simm.s32 $0xADA8;
	[smem:$0x7DF] =	sst s12  }
0x6d: {  	s14 =	simm.s32 $0xAE28;
	[smem:$0x7E0] =	sst s13  }
0x6e: {  	s16 =	simm.s32 $0xAEA8;
	[smem:$0x7E1] =	sst s14  }
0x6f: {  	s17 =	simm.s32 $0xAF28;
	[smem:$0x7E2] =	sst s16  }
0x70: {  	s18 =	simm.s32 $0xAFA8;
	[smem:$0x7E3] =	sst s17  }
0x71: {  	s19 =	simm.s32 $0xA628;
	[smem:$0x7E4] =	sst s18  }
0x72: {  	s6 =	simm.s32 $0xAAA8;
	[smem:$0x7D1] =	sst s19  }
0x73: {  	s20 =	simm.s32 $0xB028;
	[smem:$0x7DA] =	sst s6  }
0x74: {  	s21 =	simm.s32 $0xB0A8;
	[smem:$0x7E5] =	sst s20  }
0x75: {  	s22 =	simm.s32 $0xB128;
	[smem:$0x7E7] =	sst s21  }
0x76: {  	s24 =	simm.s32 $0xB1A8;
	[smem:$0x7E8] =	sst s22  }
0x77: {  	s25 =	simm.s32 $0xB228;
	[smem:$0x7E9] =	sst s24  }
0x78: {  	s29 =	simm.s32 $0x10;
	s28 =	simm.s32 $0xB2A8;
	[smem:$0x7EA] =	sst s25  }
0x79: {  	s7 =	srdreg.scid;
	s11 =	simm.s32 $0xB3A8;
	[smem:$0x7EB] =	sst s28  }
0x7a: {  	s10 =	smul.u32 $0x1E800, s0;
	s13 =	simm.s32 $0xB428;
	[smem:$0x7EF] =	sst s11  }
0x7b: {  	s26 =	sshll.u32 s0, $0xD;
	s17 =	simm.s32 $0xB528;
	[smem:$0x7F0] =	sst s13  }
0x7c: {  	s18 =	simm.s32 $0xB5A8;
	s6 =	sand.u32 $0x1, s7;
	[smem:$0x7F4] =	sst s17  }
0x7d: {  	s19 =	sshll.u32 s0, $0xA;
	[smem:$0x7F5] =	sst s18;
	s20 =	simm.s32 $0xB6A8  }
0x7e: {  	s21 =	simm.s32 $0x2;
	s22 =	simm.s32 $0xB728;
	[smem:$0x7F7] =	sst s20  }
0x7f: {  	s0 =	sshll.u32 s0, $0x6;
	s24 =	simm.s32 $0xB828;
	[smem:$0x7F8] =	sst s22  }
0x80: {  	s25 =	simm.s32 $0xB8A8;
	s28 =	simm.s32 $0xB9A8;
	[smem:$0x7FA] =	sst s24  }
0x81: {  	s7 =	smul.u32 $0xA00, s6;
	s8 =	sshll.u32 s6, $0x13;
	[smem:$0x7FB] =	sst s25  }
0x82: {  	s15 =	ssub.s32 $0x2, s6;
	s3 =	sadd.s32 s3, s19;
	[smem:$0x7FD] =	sst s28  }
0x83: {  	s23 =	sshrl.u32 s10, $0x2;
	s10 =	simm.s32 $0xB328;
	[smem:$0x7E6] =	sst s3  }
0x84: {  	s14 =	smul.u32 $0x3D0A00, s6;
	s19 =	simm.s32 $0xB628;
	[smem:$0x7ED] =	sst s10  }
0x85: {  	s9 =	sshrl.u32 s15, $0x1;
	s5 =	sadd.s32 s23, s1;
	[smem:$0x7F6] =	sst s19  }
0x86: {  	s23 =	simm.s32 $0xB7A8;
	s7 =	sadd.s32 s7, s4;
	s4 =	sadd.s32 s8, s4  }
0x87: {  	s8 =	ssub.s32 s15, s9;
	s15 =	simm.s32 $0xB4A8;
	[smem:$0x7F9] =	sst s23  }
0x88: {  	s30 =	sor.u32 $0x1C02, s0;
	s2 =	sadd.s32 s14, s2;
	[smem:$0x7F2] =	sst s15  }
0x89: {  	s31 =	sshrl.u32 s5, $0x3;
	s12 =	smax.u32 s8, $0x1;
	[smem:$0x7F3] =	sst s2  }
0x8a: {  	s5 =	simm.s32 $0x1;
	s16 =	sadd.s32 $0x600, s7;
	[smem:$0x7EE] =	sst s12  }
0x8b: {  	s4 =	sadd.s32 s26, s4;
	s26 =	simm.s32 $0xB928;
	[smem:$0x7F1] =	sst s16  }
0x8c: {  	s14 =	simm.s32 $0x80;
	s4 =	sadd.s32 $0x1A00, s4;
	[smem:$0x7FC] =	sst s26  }
0x8d: {  	s2 =	simm.s32 $0x0;
	[smem:$0x7EC] =	sst s4;
	s4 =	simm.s32 $0x7A28  }
.LBB2_1:
0x8e: {  	s28 =	sld [smem:$0x7E6];
	_ =	sdelay $0x1  }
0x8f: {  	[smem:$0x791] =	sst s2;
	s0 =	simm.s32 $0x0  }
0x90: {  	[tilespmem:s4], [sflag:$0x2] =	stream.linear.gather [hbm4b:s28+s0], $0x2000, $0x38;
	[tilespmem:$0x1BA28] =	vst v63  }
0x91: {  	_ =	swait.ge [sflag:s21], $0x2000  }
0x92: {  	[sflag:s21] =	ssyncset.done $0x0  }
0x93: {  	s0 =	simm.s32 $0x0;
	[sflag:s21] =	ssyncadd.s32 $0xFFFFE000  }
0x94: {  	v0 =	vld [tilespmem:s0+$0x7A28];
	_ =	sdelay $0x4  }
0x95: {  	vm0 =	vlt.s32 v0, $0x7A000  }
0x96: {  	vm1 =	vgt.s32 v0, $0x79FFF;
	v1 =	vadd.s32 $0xFFF86000, v0;
	v2 =	vnsel vm0, $0x7FFFFFFF, v0  }
0x97: {  	s3 =	simm.s32 $0x10;
	s2 =	simm.s32 $0x80;
	v0 =	vnsel vm1, $0x7FFFFFFF, v1;
	[tilespmem:s0+$0x7A28] =	vst v2  }
.LBB2_2:
0x98: {  	p1 =	sne.s32 s2, $0x7FC0;
	v1 =	vld [tilespmem:s3+$0x7A28];
	[tilespmem:s0+$0x9A28] =	vst v0;
	s0 =	smov.u32 s3;
	_ =	sdelay $0x2  }
.Ltmp0:
0x99: {  	(pc) =	sbr.rel @p1 .LBB2_2-.Ltmp0, $4  }
0x9a: {  	_ = 	snop  }
0x9b: {  	vm0 =	vgt.s32 v1, $0x79FFF;
	v0 =	vadd.s32 $0xFFF86000, v1;
	vm1 =	vlt.s32 v1, $0x7A000  }
0x9c: {  	v0 =	vnsel vm0, $0x7FFFFFFF, v0;
	v1 =	vnsel vm1, $0x7FFFFFFF, v1  }
0x9d: {  	s3 =	sshra.s32 s2, $0x2;
	s2 =	sadd.s32 $0x40, s2;
	[tilespmem:s0+$0x7A28] =	vst v1  }
0x9e: {  	v1 =	vld [tilespmem:s3+$0x7A28];
	_ =	sdelay $0x4  }
0x9f: {  	vm0 =	vlt.s32 v1, $0x7A000  }
0xa0: {  	[tilespmem:s0+$0x9A28] =	vst v0;
	vm1 =	vgt.s32 v1, $0x79FFF;
	v63 =	vadd.s32 $0xFFF86000, v1;
	v1 =	vnsel vm0, $0x7FFFFFFF, v1  }
0xa1: {  	s20 =	sld [smem:$0x7F3];
	v0 =	vnsel vm1, $0x7FFFFFFF, v63;
	[tilespmem:s3+$0x7A28] =	vst v1  }
0xa2: {  	s6 =	simm.s32 $0x0;
	s28 =	sld [smem:$0x7F1];
	[tilespmem:s3+$0x9A28] =	vst v0  }
.LBB2_4:
0xa3: {  	[smem:$0x78E] =	sst s6  }
0xa4: {  	[smem:$0x78F] =	sst s20  }
0xa5: {  	s22 =	simm.s32 $0x0;
	[smem:$0x790] =	sst s28  }
.LBB2_5:
0xa6: {  	s0 =	rddreg [dreg:$0x5]  }
0xa7: {  	s0 =	sadd.s32 s0, s20  }
0xa8: {  	[spmem:s31@s29], [sflag:s30] =	dma.strided [hbm:s0@s14], $0xF40, s5, $0x10   }
0xa9: {  	_ =	swait.ge [sflag:s21], $0xF40  }
0xaa: {  	[sflag:s21] =	ssyncset.done $0x0  }
0xab: {  	[sflag:s21] =	ssyncadd.s32 $0xFFFFF0C0  }
0xac: {  	s10 =	sshra.s32 s22, $0x2;
	[bflag:$0x0] =	sbarrier.arrive $0xFFFF  }
0xad: {  	s25 =	sadd.s32 $0xBA28, s10;
	(ifvalue) =	ssetifvalue $0x7FFFFFFF  }
0xae: {  	[smem:$0x762] =	sst s25;
	(ifvalue) =	ssetifvalue $0x7FFFFFFF  }
0xaf: {  	[tilespmem:s25], [sflag:$0x1] =	stream.indirect.gather [spmem:s1], $0x1, s4, s14, $0x40b8;
	[tilespmem:$0x1BA28] =	vst v63  }
0xb0: {  	(ifvalue) =	ssetifvalue $0x7FFFFFFF  }
0xb1: {  	s2 =	sadd.s32 $0xBE28, s10;
	(ifvalue) =	ssetifvalue $0x7FFFFFFF;
	s26 =	rddreg [dreg:$0x7]  }
0xb2: {  	[tilespmem:s2], [sflag:$0x1] =	stream.indirect.gather [spmem:s1], $0x1, s26, s14, $0x40b8;
	[tilespmem:$0x1BA28] =	vst v63  }
0xb3: {  	[smem:$0x763] =	sst s2;
	(ifvalue) =	ssetifvalue $0x7FFFFFFF  }
0xb4: {  	s3 =	sadd.s32 $0xC228, s10;
	(ifvalue) =	ssetifvalue $0x7FFFFFFF;
	s2 =	rddreg [dreg:$0x8]  }
0xb5: {  	[tilespmem:s3], [sflag:$0x1] =	stream.indirect.gather [spmem:s1], $0x1, s2, s14, $0x40b8;
	[tilespmem:$0x1BA28] =	vst v63  }
0xb6: {  	[smem:$0x764] =	sst s3;
	(ifvalue) =	ssetifvalue $0x7FFFFFFF  }
0xb7: {  	s5 =	sadd.s32 $0xC628, s10;
	(ifvalue) =	ssetifvalue $0x7FFFFFFF;
	s4 =	rddreg [dreg:$0x9]  }
0xb8: {  	[tilespmem:s5], [sflag:$0x1] =	stream.indirect.gather [spmem:s1], $0x1, s4, s14, $0x40b8;
	[tilespmem:$0x1BA28] =	vst v63  }
0xb9: {  	[smem:$0x765] =	sst s5;
	(ifvalue) =	ssetifvalue $0x7FFFFFFF  }
0xba: {  	s7 =	sadd.s32 $0xCA28, s10;
	(ifvalue) =	ssetifvalue $0x7FFFFFFF;
	s6 =	rddreg [dreg:$0xa]  }
0xbb: {  	[tilespmem:s7], [sflag:$0x1] =	stream.indirect.gather [spmem:s1], $0x1, s6, s14, $0x40b8;
	[tilespmem:$0x1BA28] =	vst v63  }
0xbc: {  	[smem:$0x766] =	sst s7;
	(ifvalue) =	ssetifvalue $0x7FFFFFFF  }
0xbd: {  	s9 =	sadd.s32 $0xCE28, s10;
	(ifvalue) =	ssetifvalue $0x7FFFFFFF;
	s8 =	rddreg [dreg:$0xb]  }
0xbe: {  	[tilespmem:s9], [sflag:$0x1] =	stream.indirect.gather [spmem:s1], $0x1, s8, s14, $0x40b8;
	[tilespmem:$0x1BA28] =	vst v63  }
0xbf: {  	[smem:$0x767] =	sst s9;
	(ifvalue) =	ssetifvalue $0x7FFFFFFF  }
0xc0: {  	s12 =	sadd.s32 $0xD228, s10;
	(ifvalue) =	ssetifvalue $0x7FFFFFFF;
	s11 =	rddreg [dreg:$0xc]  }
0xc1: {  	[tilespmem:s12], [sflag:$0x1] =	stream.indirect.gather [spmem:s1], $0x1, s11, s14, $0x40b8;
	[tilespmem:$0x1BA28] =	vst v63  }
0xc2: {  	[smem:$0x768] =	sst s12;
	(ifvalue) =	ssetifvalue $0x7FFFFFFF  }
0xc3: {  	s15 =	sadd.s32 $0xD628, s10;
	(ifvalue) =	ssetifvalue $0x7FFFFFFF;
	s13 =	rddreg [dreg:$0xd]  }
0xc4: {  	[tilespmem:s15], [sflag:$0x1] =	stream.indirect.gather [spmem:s1], $0x1, s13, s14, $0x40b8;
	[tilespmem:$0x1BA28] =	vst v63  }
0xc5: {  	[smem:$0x769] =	sst s15;
	(ifvalue) =	ssetifvalue $0x7FFFFFFF  }
0xc6: {  	s17 =	sadd.s32 $0xDA28, s10;
	(ifvalue) =	ssetifvalue $0x7FFFFFFF;
	s16 =	rddreg [dreg:$0xe]  }
0xc7: {  	[tilespmem:s17], [sflag:$0x1] =	stream.indirect.gather [spmem:s1], $0x1, s16, s14, $0x40b8;
	[tilespmem:$0x1BA28] =	vst v63  }
0xc8: {  	[smem:$0x76A] =	sst s17;
	(ifvalue) =	ssetifvalue $0x7FFFFFFF  }
0xc9: {  	s19 =	sadd.s32 $0xDE28, s10;
	(ifvalue) =	ssetifvalue $0x7FFFFFFF;
	s18 =	rddreg [dreg:$0xf]  }
0xca: {  	[tilespmem:s19], [sflag:$0x1] =	stream.indirect.gather [spmem:s1], $0x1, s18, s14, $0x40b8;
	[tilespmem:$0x1BA28] =	vst v63  }
0xcb: {  	[smem:$0x76B] =	sst s19;
	(ifvalue) =	ssetifvalue $0x7FFFFFFF  }
0xcc: {  	s24 =	sadd.s32 $0xE228, s10;
	(ifvalue) =	ssetifvalue $0x7FFFFFFF;
	s23 =	rddreg [dreg:$0x10]  }
0xcd: {  	[tilespmem:s24], [sflag:$0x1] =	stream.indirect.gather [spmem:s1], $0x1, s23, s14, $0x40b8;
	[tilespmem:$0x1BA28] =	vst v63  }
0xce: {  	[smem:$0x76C] =	sst s24;
	(ifvalue) =	ssetifvalue $0x7FFFFFFF  }
0xcf: {  	s26 =	sadd.s32 $0xE628, s10;
	(ifvalue) =	ssetifvalue $0x7FFFFFFF;
	s25 =	rddreg [dreg:$0x11]  }
0xd0: {  	[tilespmem:s26], [sflag:$0x1] =	stream.indirect.gather [spmem:s1], $0x1, s25, s14, $0x40b8;
	[tilespmem:$0x1BA28] =	vst v63  }
0xd1: {  	[smem:$0x76D] =	sst s26;
	(ifvalue) =	ssetifvalue $0x7FFFFFFF  }
0xd2: {  	s3 =	sadd.s32 $0xEA28, s10;
	(ifvalue) =	ssetifvalue $0x7FFFFFFF;
	s2 =	rddreg [dreg:$0x12]  }
0xd3: {  	[tilespmem:s3], [sflag:$0x1] =	stream.indirect.gather [spmem:s1], $0x1, s2, s14, $0x40b8;
	[tilespmem:$0x1BA28] =	vst v63  }
0xd4: {  	[smem:$0x76E] =	sst s3;
	(ifvalue) =	ssetifvalue $0x7FFFFFFF  }
0xd5: {  	s5 =	sadd.s32 $0xEE28, s10;
	(ifvalue) =	ssetifvalue $0x7FFFFFFF;
	s4 =	rddreg [dreg:$0x13]  }
0xd6: {  	[tilespmem:s5], [sflag:$0x1] =	stream.indirect.gather [spmem:s1], $0x1, s4, s14, $0x40b8;
	[tilespmem:$0x1BA28] =	vst v63  }
0xd7: {  	[smem:$0x76F] =	sst s5;
	(ifvalue) =	ssetifvalue $0x7FFFFFFF  }
0xd8: {  	s7 =	sadd.s32 $0xF228, s10;
	(ifvalue) =	ssetifvalue $0x7FFFFFFF;
	s6 =	rddreg [dreg:$0x14]  }
0xd9: {  	[tilespmem:s7], [sflag:$0x1] =	stream.indirect.gather [spmem:s1], $0x1, s6, s14, $0x40b8;
	[tilespmem:$0x1BA28] =	vst v63  }
0xda: {  	[smem:$0x770] =	sst s7;
	(ifvalue) =	ssetifvalue $0x7FFFFFFF  }
0xdb: {  	s9 =	sadd.s32 $0xF628, s10;
	(ifvalue) =	ssetifvalue $0x7FFFFFFF;
	s8 =	rddreg [dreg:$0x15]  }
0xdc: {  	[tilespmem:s9], [sflag:$0x1] =	stream.indirect.gather [spmem:s1], $0x1, s8, s14, $0x40b8;
	[tilespmem:$0x1BA28] =	vst v63  }
0xdd: {  	[smem:$0x771] =	sst s9;
	(ifvalue) =	ssetifvalue $0x7FFFFFFF  }
0xde: {  	s12 =	sadd.s32 $0xFA28, s10;
	(ifvalue) =	ssetifvalue $0x7FFFFFFF;
	s11 =	rddreg [dreg:$0x16]  }
0xdf: {  	[tilespmem:s12], [sflag:$0x1] =	stream.indirect.gather [spmem:s1], $0x1, s11, s14, $0x40b8;
	[tilespmem:$0x1BA28] =	vst v63  }
0xe0: {  	[smem:$0x772] =	sst s12;
	(ifvalue) =	ssetifvalue $0x7FFFFFFF  }
0xe1: {  	s15 =	sadd.s32 $0xFE28, s10;
	(ifvalue) =	ssetifvalue $0x7FFFFFFF;
	s13 =	rddreg [dreg:$0x17]  }
0xe2: {  	[tilespmem:s15], [sflag:$0x1] =	stream.indirect.gather [spmem:s1], $0x1, s13, s14, $0x40b8;
	[tilespmem:$0x1BA28] =	vst v63  }
0xe3: {  	[smem:$0x773] =	sst s15;
	(ifvalue) =	ssetifvalue $0x7FFFFFFF  }
0xe4: {  	s17 =	sadd.s32 $0x10228, s10;
	(ifvalue) =	ssetifvalue $0x7FFFFFFF;
	s16 =	rddreg [dreg:$0x18]  }
0xe5: {  	[tilespmem:s17], [sflag:$0x1] =	stream.indirect.gather [spmem:s1], $0x1, s16, s14, $0x40b8;
	[tilespmem:$0x1BA28] =	vst v63  }
0xe6: {  	[smem:$0x774] =	sst s17;
	(ifvalue) =	ssetifvalue $0x7FFFFFFF  }
0xe7: {  	s19 =	sadd.s32 $0x10628, s10;
	(ifvalue) =	ssetifvalue $0x7FFFFFFF;
	s18 =	rddreg [dreg:$0x19]  }
0xe8: {  	[tilespmem:s19], [sflag:$0x1] =	stream.indirect.gather [spmem:s1], $0x1, s18, s14, $0x40b8;
	[tilespmem:$0x1BA28] =	vst v63  }
0xe9: {  	[smem:$0x775] =	sst s19;
	(ifvalue) =	ssetifvalue $0x7FFFFFFF  }
0xea: {  	s24 =	sadd.s32 $0x10A28, s10;
	(ifvalue) =	ssetifvalue $0x7FFFFFFF;
	s23 =	rddreg [dreg:$0x1a]  }
0xeb: {  	[tilespmem:s24], [sflag:$0x1] =	stream.indirect.gather [spmem:s1], $0x1, s23, s14, $0x40b8;
	[tilespmem:$0x1BA28] =	vst v63  }
0xec: {  	[smem:$0x776] =	sst s24;
	(ifvalue) =	ssetifvalue $0x7FFFFFFF  }
0xed: {  	s26 =	sadd.s32 $0x10E28, s10;
	(ifvalue) =	ssetifvalue $0x7FFFFFFF;
	s25 =	rddreg [dreg:$0x1b]  }
0xee: {  	[tilespmem:s26], [sflag:$0x1] =	stream.indirect.gather [spmem:s1], $0x1, s25, s14, $0x40b8;
	[tilespmem:$0x1BA28] =	vst v63  }
0xef: {  	[smem:$0x777] =	sst s26;
	(ifvalue) =	ssetifvalue $0x7FFFFFFF  }
0xf0: {  	s3 =	sadd.s32 $0x11228, s10;
	(ifvalue) =	ssetifvalue $0x7FFFFFFF;
	s2 =	rddreg [dreg:$0x1c]  }
0xf1: {  	[tilespmem:s3], [sflag:$0x1] =	stream.indirect.gather [spmem:s1], $0x1, s2, s14, $0x40b8;
	[tilespmem:$0x1BA28] =	vst v63  }
0xf2: {  	[smem:$0x778] =	sst s3;
	(ifvalue) =	ssetifvalue $0x7FFFFFFF  }
0xf3: {  	s5 =	sadd.s32 $0x11628, s10;
	(ifvalue) =	ssetifvalue $0x7FFFFFFF;
	s4 =	rddreg [dreg:$0x1d]  }
0xf4: {  	[tilespmem:s5], [sflag:$0x1] =	stream.indirect.gather [spmem:s1], $0x1, s4, s14, $0x40b8;
	[tilespmem:$0x1BA28] =	vst v63  }
0xf5: {  	[smem:$0x779] =	sst s5;
	(ifvalue) =	ssetifvalue $0x7FFFFFFF  }
0xf6: {  	s7 =	sadd.s32 $0x11A28, s10;
	(ifvalue) =	ssetifvalue $0x7FFFFFFF;
	s6 =	rddreg [dreg:$0x1e]  }
0xf7: {  	[tilespmem:s7], [sflag:$0x1] =	stream.indirect.gather [spmem:s1], $0x1, s6, s14, $0x40b8;
	[tilespmem:$0x1BA28] =	vst v63  }
0xf8: {  	[smem:$0x77A] =	sst s7;
	(ifvalue) =	ssetifvalue $0x7FFFFFFF  }
0xf9: {  	s9 =	sadd.s32 $0x11E28, s10;
	(ifvalue) =	ssetifvalue $0x7FFFFFFF;
	s8 =	rddreg [dreg:$0x1f]  }
0xfa: {  	[tilespmem:s9], [sflag:$0x1] =	stream.indirect.gather [spmem:s1], $0x1, s8, s14, $0x40b8;
	[tilespmem:$0x1BA28] =	vst v63  }
0xfb: {  	[smem:$0x77B] =	sst s9;
	(ifvalue) =	ssetifvalue $0x7FFFFFFF  }
0xfc: {  	(ifvalue) =	ssetifvalue $0x7FFFFFFF;
	s11 =	sld [smem:$0x792]  }
0xfd: {  	_ = 	snop  }
0xfe: {  	s12 =	sadd.s32 $0x12228, s10  }
0xff: {  	[tilespmem:s12], [sflag:$0x1] =	stream.indirect.gather [spmem:s1], $0x1, s11, s14, $0x40b8;
	[tilespmem:$0x1BA28] =	vst v63  }
0x100: {  	[smem:$0x77C] =	sst s12;
	(ifvalue) =	ssetifvalue $0x7FFFFFFF  }
0x101: {  	(ifvalue) =	ssetifvalue $0x7FFFFFFF;
	s13 =	sld [smem:$0x793]  }
0x102: {  	_ = 	snop  }
0x103: {  	s15 =	sadd.s32 $0x12628, s10  }
0x104: {  	[tilespmem:s15], [sflag:$0x1] =	stream.indirect.gather [spmem:s1], $0x1, s13, s14, $0x40b8;
	[tilespmem:$0x1BA28] =	vst v63  }
0x105: {  	[smem:$0x77D] =	sst s15;
	(ifvalue) =	ssetifvalue $0x7FFFFFFF  }
0x106: {  	(ifvalue) =	ssetifvalue $0x7FFFFFFF;
	s16 =	sld [smem:$0x794]  }
0x107: {  	_ = 	snop  }
0x108: {  	s17 =	sadd.s32 $0x12A28, s10  }
0x109: {  	[tilespmem:s17], [sflag:$0x1] =	stream.indirect.gather [spmem:s1], $0x1, s16, s14, $0x40b8;
	[tilespmem:$0x1BA28] =	vst v63  }
0x10a: {  	[smem:$0x77E] =	sst s17;
	(ifvalue) =	ssetifvalue $0x7FFFFFFF  }
0x10b: {  	(ifvalue) =	ssetifvalue $0x7FFFFFFF;
	s18 =	sld [smem:$0x795]  }
0x10c: {  	_ = 	snop  }
0x10d: {  	s19 =	sadd.s32 $0x12E28, s10  }
0x10e: {  	[tilespmem:s19], [sflag:$0x1] =	stream.indirect.gather [spmem:s1], $0x1, s18, s14, $0x40b8;
	[tilespmem:$0x1BA28] =	vst v63  }
0x10f: {  	[smem:$0x77F] =	sst s19;
	(ifvalue) =	ssetifvalue $0x7FFFFFFF  }
0x110: {  	(ifvalue) =	ssetifvalue $0x7FFFFFFF;
	s23 =	sld [smem:$0x796]  }
0x111: {  	_ = 	snop  }
0x112: {  	s24 =	sadd.s32 $0x13228, s10  }
0x113: {  	[tilespmem:s24], [sflag:$0x1] =	stream.indirect.gather [spmem:s1], $0x1, s23, s14, $0x40b8;
	[tilespmem:$0x1BA28] =	vst v63  }
0x114: {  	[smem:$0x780] =	sst s24;
	(ifvalue) =	ssetifvalue $0x7FFFFFFF  }
0x115: {  	(ifvalue) =	ssetifvalue $0x7FFFFFFF;
	s25 =	sld [smem:$0x797]  }
0x116: {  	_ = 	snop  }
0x117: {  	s26 =	sadd.s32 $0x13628, s10  }
0x118: {  	[tilespmem:s26], [sflag:$0x1] =	stream.indirect.gather [spmem:s1], $0x1, s25, s14, $0x40b8;
	[tilespmem:$0x1BA28] =	vst v63  }
0x119: {  	[smem:$0x781] =	sst s26;
	(ifvalue) =	ssetifvalue $0x7FFFFFFF  }
0x11a: {  	(ifvalue) =	ssetifvalue $0x7FFFFFFF;
	s2 =	sld [smem:$0x798]  }
0x11b: {  	_ = 	snop  }
0x11c: {  	s3 =	sadd.s32 $0x13A28, s10  }
0x11d: {  	[tilespmem:s3], [sflag:$0x1] =	stream.indirect.gather [spmem:s1], $0x1, s2, s14, $0x40b8;
	[tilespmem:$0x1BA28] =	vst v63  }
0x11e: {  	[smem:$0x782] =	sst s3;
	(ifvalue) =	ssetifvalue $0x7FFFFFFF  }
0x11f: {  	(ifvalue) =	ssetifvalue $0x7FFFFFFF;
	s4 =	sld [smem:$0x799]  }
0x120: {  	_ = 	snop  }
0x121: {  	s5 =	sadd.s32 $0x13E28, s10  }
0x122: {  	[tilespmem:s5], [sflag:$0x1] =	stream.indirect.gather [spmem:s1], $0x1, s4, s14, $0x40b8;
	[tilespmem:$0x1BA28] =	vst v63  }
0x123: {  	[smem:$0x783] =	sst s5;
	(ifvalue) =	ssetifvalue $0x7FFFFFFF  }
0x124: {  	(ifvalue) =	ssetifvalue $0x7FFFFFFF;
	s6 =	sld [smem:$0x79A]  }
0x125: {  	_ = 	snop  }
0x126: {  	s7 =	sadd.s32 $0x14228, s10  }
0x127: {  	[tilespmem:s7], [sflag:$0x1] =	stream.indirect.gather [spmem:s1], $0x1, s6, s14, $0x40b8;
	[tilespmem:$0x1BA28] =	vst v63  }
0x128: {  	[smem:$0x784] =	sst s7;
	(ifvalue) =	ssetifvalue $0x7FFFFFFF  }
0x129: {  	(ifvalue) =	ssetifvalue $0x7FFFFFFF;
	s8 =	sld [smem:$0x79B]  }
0x12a: {  	_ = 	snop  }
0x12b: {  	s9 =	sadd.s32 $0x14628, s10  }
0x12c: {  	[tilespmem:s9], [sflag:$0x1] =	stream.indirect.gather [spmem:s1], $0x1, s8, s14, $0x40b8;
	[tilespmem:$0x1BA28] =	vst v63  }
0x12d: {  	[smem:$0x785] =	sst s9;
	(ifvalue) =	ssetifvalue $0x7FFFFFFF  }
0x12e: {  	(ifvalue) =	ssetifvalue $0x7FFFFFFF;
	s11 =	sld [smem:$0x79C]  }
0x12f: {  	_ = 	snop  }
0x130: {  	s12 =	sadd.s32 $0x14A28, s10  }
0x131: {  	[tilespmem:s12], [sflag:$0x1] =	stream.indirect.gather [spmem:s1], $0x1, s11, s14, $0x40b8;
	[tilespmem:$0x1BA28] =	vst v63  }
0x132: {  	[smem:$0x786] =	sst s12;
	(ifvalue) =	ssetifvalue $0x7FFFFFFF  }
0x133: {  	(ifvalue) =	ssetifvalue $0x7FFFFFFF;
	s13 =	sld [smem:$0x79D]  }
0x134: {  	_ = 	snop  }
0x135: {  	s15 =	sadd.s32 $0x14E28, s10  }
0x136: {  	[tilespmem:s15], [sflag:$0x1] =	stream.indirect.gather [spmem:s1], $0x1, s13, s14, $0x40b8;
	[tilespmem:$0x1BA28] =	vst v63  }
0x137: {  	[smem:$0x787] =	sst s15;
	(ifvalue) =	ssetifvalue $0x7FFFFFFF  }
0x138: {  	(ifvalue) =	ssetifvalue $0x7FFFFFFF;
	s16 =	sld [smem:$0x79E]  }
0x139: {  	_ = 	snop  }
0x13a: {  	s17 =	sadd.s32 $0x15228, s10  }
0x13b: {  	[tilespmem:s17], [sflag:$0x1] =	stream.indirect.gather [spmem:s1], $0x1, s16, s14, $0x40b8;
	[tilespmem:$0x1BA28] =	vst v63  }
0x13c: {  	[smem:$0x788] =	sst s17;
	(ifvalue) =	ssetifvalue $0x7FFFFFFF  }
0x13d: {  	(ifvalue) =	ssetifvalue $0x7FFFFFFF;
	s18 =	sld [smem:$0x79F]  }
0x13e: {  	_ = 	snop  }
0x13f: {  	s19 =	sadd.s32 $0x15628, s10  }
0x140: {  	[tilespmem:s19], [sflag:$0x1] =	stream.indirect.gather [spmem:s1], $0x1, s18, s14, $0x40b8;
	[tilespmem:$0x1BA28] =	vst v63  }
0x141: {  	[smem:$0x789] =	sst s19;
	(ifvalue) =	ssetifvalue $0x7FFFFFFF  }
0x142: {  	(ifvalue) =	ssetifvalue $0x7FFFFFFF;
	s23 =	sld [smem:$0x7A0]  }
0x143: {  	_ = 	snop  }
0x144: {  	s24 =	sadd.s32 $0x15A28, s10  }
0x145: {  	[tilespmem:s24], [sflag:$0x1] =	stream.indirect.gather [spmem:s1], $0x1, s23, s14, $0x40b8;
	[tilespmem:$0x1BA28] =	vst v63  }
0x146: {  	[smem:$0x78A] =	sst s24;
	(ifvalue) =	ssetifvalue $0x7FFFFFFF  }
0x147: {  	(ifvalue) =	ssetifvalue $0x7FFFFFFF;
	s25 =	sld [smem:$0x7A1]  }
0x148: {  	_ = 	snop  }
0x149: {  	s26 =	sadd.s32 $0x15E28, s10  }
0x14a: {  	[tilespmem:s26], [sflag:$0x1] =	stream.indirect.gather [spmem:s1], $0x1, s25, s14, $0x40b8;
	[tilespmem:$0x1BA28] =	vst v63  }
0x14b: {  	[smem:$0x78B] =	sst s26;
	(ifvalue) =	ssetifvalue $0x7FFFFFFF  }
0x14c: {  	(ifvalue) =	ssetifvalue $0x7FFFFFFF;
	s2 =	sld [smem:$0x7A2]  }
0x14d: {  	_ = 	snop  }
0x14e: {  	s3 =	sadd.s32 $0x16228, s10  }
0x14f: {  	[tilespmem:s3], [sflag:$0x1] =	stream.indirect.gather [spmem:s1], $0x1, s2, s14, $0x40b8;
	[tilespmem:$0x1BA28] =	vst v63  }
0x150: {  	[smem:$0x78C] =	sst s3;
	(ifvalue) =	ssetifvalue $0x7FFFFFFF  }
0x151: {  	(ifvalue) =	ssetifvalue $0x7FFFFFFF;
	s4 =	sld [smem:$0x7A3]  }
0x152: {  	_ = 	snop  }
0x153: {  	s5 =	sadd.s32 $0x16628, s10  }
0x154: {  	[tilespmem:s5], [sflag:$0x1] =	stream.indirect.gather [spmem:s1], $0x1, s4, s14, $0x40b8;
	[tilespmem:$0x1BA28] =	vst v63  }
0x155: {  	[smem:$0x78D] =	sst s5;
	(ifvalue) =	ssetifvalue $0x7FFFFFFF  }
0x156: {  	(ifvalue) =	ssetifvalue $0x7FFFFFFF;
	s6 =	sld [smem:$0x7A4]  }
0x157: {  	_ = 	snop  }
0x158: {  	s26 =	sadd.s32 $0x16A28, s10  }
0x159: {  	[tilespmem:s26], [sflag:$0x1] =	stream.indirect.gather [spmem:s1], $0x1, s6, s14, $0x40b8;
	[tilespmem:$0x1BA28] =	vst v63  }
0x15a: {  	(ifvalue) =	ssetifvalue $0x7FFFFFFF  }
0x15b: {  	(ifvalue) =	ssetifvalue $0x7FFFFFFF;
	s7 =	sld [smem:$0x7A5]  }
0x15c: {  	_ = 	snop  }
0x15d: {  	s25 =	sadd.s32 $0x16E28, s10  }
0x15e: {  	[tilespmem:s25], [sflag:$0x1] =	stream.indirect.gather [spmem:s1], $0x1, s7, s14, $0x40b8;
	[tilespmem:$0x1BA28] =	vst v63  }
0x15f: {  	(ifvalue) =	ssetifvalue $0x7FFFFFFF  }
0x160: {  	(ifvalue) =	ssetifvalue $0x7FFFFFFF;
	s8 =	sld [smem:$0x7A6]  }
0x161: {  	_ = 	snop  }
0x162: {  	s24 =	sadd.s32 $0x17228, s10  }
0x163: {  	[tilespmem:s24], [sflag:$0x1] =	stream.indirect.gather [spmem:s1], $0x1, s8, s14, $0x40b8;
	[tilespmem:$0x1BA28] =	vst v63  }
0x164: {  	(ifvalue) =	ssetifvalue $0x7FFFFFFF  }
0x165: {  	(ifvalue) =	ssetifvalue $0x7FFFFFFF;
	s9 =	sld [smem:$0x7A7]  }
0x166: {  	_ = 	snop  }
0x167: {  	s23 =	sadd.s32 $0x17628, s10  }
0x168: {  	[tilespmem:s23], [sflag:$0x1] =	stream.indirect.gather [spmem:s1], $0x1, s9, s14, $0x40b8;
	[tilespmem:$0x1BA28] =	vst v63  }
0x169: {  	(ifvalue) =	ssetifvalue $0x7FFFFFFF  }
0x16a: {  	(ifvalue) =	ssetifvalue $0x7FFFFFFF;
	s11 =	sld [smem:$0x7A8]  }
0x16b: {  	_ = 	snop  }
0x16c: {  	s19 =	sadd.s32 $0x17A28, s10  }
0x16d: {  	[tilespmem:s19], [sflag:$0x1] =	stream.indirect.gather [spmem:s1], $0x1, s11, s14, $0x40b8;
	[tilespmem:$0x1BA28] =	vst v63  }
0x16e: {  	(ifvalue) =	ssetifvalue $0x7FFFFFFF  }
0x16f: {  	(ifvalue) =	ssetifvalue $0x7FFFFFFF;
	s12 =	sld [smem:$0x7A9]  }
0x170: {  	_ = 	snop  }
0x171: {  	s18 =	sadd.s32 $0x17E28, s10  }
0x172: {  	[tilespmem:s18], [sflag:$0x1] =	stream.indirect.gather [spmem:s1], $0x1, s12, s14, $0x40b8;
	[tilespmem:$0x1BA28] =	vst v63  }
0x173: {  	(ifvalue) =	ssetifvalue $0x7FFFFFFF  }
0x174: {  	(ifvalue) =	ssetifvalue $0x7FFFFFFF;
	s13 =	sld [smem:$0x7AA]  }
0x175: {  	_ = 	snop  }
0x176: {  	s17 =	sadd.s32 $0x18228, s10  }
0x177: {  	[tilespmem:s17], [sflag:$0x1] =	stream.indirect.gather [spmem:s1], $0x1, s13, s14, $0x40b8;
	[tilespmem:$0x1BA28] =	vst v63  }
0x178: {  	(ifvalue) =	ssetifvalue $0x7FFFFFFF  }
0x179: {  	(ifvalue) =	ssetifvalue $0x7FFFFFFF;
	s15 =	sld [smem:$0x7AB]  }
0x17a: {  	_ = 	snop  }
0x17b: {  	s16 =	sadd.s32 $0x18628, s10  }
0x17c: {  	[tilespmem:s16], [sflag:$0x1] =	stream.indirect.gather [spmem:s1], $0x1, s15, s14, $0x40b8;
	[tilespmem:$0x1BA28] =	vst v63  }
0x17d: {  	(ifvalue) =	ssetifvalue $0x7FFFFFFF  }
0x17e: {  	(ifvalue) =	ssetifvalue $0x7FFFFFFF;
	s2 =	sld [smem:$0x7AC]  }
0x17f: {  	_ = 	snop  }
0x180: {  	s15 =	sadd.s32 $0x18A28, s10  }
0x181: {  	[tilespmem:s15], [sflag:$0x1] =	stream.indirect.gather [spmem:s1], $0x1, s2, s14, $0x40b8;
	[tilespmem:$0x1BA28] =	vst v63  }
0x182: {  	(ifvalue) =	ssetifvalue $0x7FFFFFFF  }
0x183: {  	(ifvalue) =	ssetifvalue $0x7FFFFFFF;
	s3 =	sld [smem:$0x7AD]  }
0x184: {  	_ = 	snop  }
0x185: {  	s13 =	sadd.s32 $0x18E28, s10  }
0x186: {  	[tilespmem:s13], [sflag:$0x1] =	stream.indirect.gather [spmem:s1], $0x1, s3, s14, $0x40b8;
	[tilespmem:$0x1BA28] =	vst v63  }
0x187: {  	(ifvalue) =	ssetifvalue $0x7FFFFFFF  }
0x188: {  	(ifvalue) =	ssetifvalue $0x7FFFFFFF;
	s4 =	sld [smem:$0x7AE]  }
0x189: {  	_ = 	snop  }
0x18a: {  	s12 =	sadd.s32 $0x19228, s10  }
0x18b: {  	[tilespmem:s12], [sflag:$0x1] =	stream.indirect.gather [spmem:s1], $0x1, s4, s14, $0x40b8;
	[tilespmem:$0x1BA28] =	vst v63  }
0x18c: {  	(ifvalue) =	ssetifvalue $0x7FFFFFFF  }
0x18d: {  	(ifvalue) =	ssetifvalue $0x7FFFFFFF;
	s5 =	sld [smem:$0x7AF]  }
0x18e: {  	_ = 	snop  }
0x18f: {  	s11 =	sadd.s32 $0x19628, s10  }
0x190: {  	[tilespmem:s11], [sflag:$0x1] =	stream.indirect.gather [spmem:s1], $0x1, s5, s14, $0x40b8;
	[tilespmem:$0x1BA28] =	vst v63  }
0x191: {  	(ifvalue) =	ssetifvalue $0x7FFFFFFF  }
0x192: {  	(ifvalue) =	ssetifvalue $0x7FFFFFFF;
	s6 =	sld [smem:$0x7B0]  }
0x193: {  	_ = 	snop  }
0x194: {  	s9 =	sadd.s32 $0x19A28, s10  }
0x195: {  	[tilespmem:s9], [sflag:$0x1] =	stream.indirect.gather [spmem:s1], $0x1, s6, s14, $0x40b8;
	[tilespmem:$0x1BA28] =	vst v63  }
0x196: {  	(ifvalue) =	ssetifvalue $0x7FFFFFFF  }
0x197: {  	(ifvalue) =	ssetifvalue $0x7FFFFFFF;
	s7 =	sld [smem:$0x7B1]  }
0x198: {  	_ = 	snop  }
0x199: {  	s8 =	sadd.s32 $0x19E28, s10  }
0x19a: {  	[tilespmem:s8], [sflag:$0x1] =	stream.indirect.gather [spmem:s1], $0x1, s7, s14, $0x40b8;
	[tilespmem:$0x1BA28] =	vst v63  }
0x19b: {  	(ifvalue) =	ssetifvalue $0x7FFFFFFF  }
0x19c: {  	(ifvalue) =	ssetifvalue $0x7FFFFFFF;
	s2 =	sld [smem:$0x7B2]  }
0x19d: {  	_ = 	snop  }
0x19e: {  	s7 =	sadd.s32 $0x1A228, s10  }
0x19f: {  	[tilespmem:s7], [sflag:$0x1] =	stream.indirect.gather [spmem:s1], $0x1, s2, s14, $0x40b8;
	[tilespmem:$0x1BA28] =	vst v63  }
0x1a0: {  	(ifvalue) =	ssetifvalue $0x7FFFFFFF  }
0x1a1: {  	(ifvalue) =	ssetifvalue $0x7FFFFFFF;
	s3 =	sld [smem:$0x7B3]  }
0x1a2: {  	_ = 	snop  }
0x1a3: {  	s6 =	sadd.s32 $0x1A628, s10  }
0x1a4: {  	[tilespmem:s6], [sflag:$0x1] =	stream.indirect.gather [spmem:s1], $0x1, s3, s14, $0x40b8;
	[tilespmem:$0x1BA28] =	vst v63  }
0x1a5: {  	(ifvalue) =	ssetifvalue $0x7FFFFFFF  }
0x1a6: {  	(ifvalue) =	ssetifvalue $0x7FFFFFFF;
	s4 =	sld [smem:$0x7B4]  }
0x1a7: {  	_ = 	snop  }
0x1a8: {  	s5 =	sadd.s32 $0x1AA28, s10  }
0x1a9: {  	[tilespmem:s5], [sflag:$0x1] =	stream.indirect.gather [spmem:s1], $0x1, s4, s14, $0x40b8;
	[tilespmem:$0x1BA28] =	vst v63  }
0x1aa: {  	(ifvalue) =	ssetifvalue $0x7FFFFFFF  }
0x1ab: {  	(ifvalue) =	ssetifvalue $0x7FFFFFFF;
	s3 =	sld [smem:$0x7B5]  }
0x1ac: {  	_ = 	snop  }
0x1ad: {  	s4 =	sadd.s32 $0x1AE28, s10  }
0x1ae: {  	[tilespmem:s4], [sflag:$0x1] =	stream.indirect.gather [spmem:s1], $0x1, s3, s14, $0x40b8;
	[tilespmem:$0x1BA28] =	vst v63  }
0x1af: {  	(ifvalue) =	ssetifvalue $0x7FFFFFFF  }
0x1b0: {  	(ifvalue) =	ssetifvalue $0x7FFFFFFF;
	s0 =	sld [smem:$0x7B6]  }
0x1b1: {  	_ = 	snop  }
0x1b2: {  	s3 =	sadd.s32 $0x1B228, s10  }
0x1b3: {  	[tilespmem:s3], [sflag:$0x1] =	stream.indirect.gather [spmem:s1], $0x1, s0, s14, $0x40b8;
	[tilespmem:$0x1BA28] =	vst v63  }
0x1b4: {  	(ifvalue) =	ssetifvalue $0x7FFFFFFF  }
0x1b5: {  	(ifvalue) =	ssetifvalue $0x7FFFFFFF;
	s0 =	sld [smem:$0x7B7]  }
0x1b6: {  	_ = 	snop  }
0x1b7: {  	s2 =	simm.s32 $0x1;
	s10 =	sadd.s32 $0x1B628, s10  }
0x1b8: {  	[tilespmem:s10], [sflag:$0x1] =	stream.indirect.gather [spmem:s1], $0x1, s0, s14, $0x40b8;
	[tilespmem:$0x1BA28] =	vst v63  }
0x1b9: {  	_ =	swait.ge [sflag:s2], $0x2000  }
0x1ba: {  	[sflag:s2] =	ssyncset.done $0x0  }
0x1bb: {  	[sflag:s2] =	ssyncadd.s32 $0xFFFFE000  }
0x1bc: {  	[bflag:$0x0] =	sbarrier.arrive $0xFFFF  }
0x1bd: {  	s0 =	rddreg [dreg:$0x6]  }
0x1be: {  	s0 =	sadd.s32 s0, s20  }
0x1bf: {  	[spmem:s31@s29], [sflag:s30] =	dma.strided [hbm:s0@s14], $0xF40, s2, $0x10   }
0x1c0: {  	_ =	swait.ge [sflag:s21], $0xF40  }
0x1c1: {  	s2 =	simm.s32 @!p0 $0x1;
	s0 =	sld [smem:$0x7B8]  }
0x1c2: {  	s29 =	smov.u32 s31;
	s31 =	smov.u32 s30;
	[sflag:s21] =	ssyncset.done $0x0  }
0x1c3: {  	s30 =	simm.s32 @!p0 $0x80;
	[sflag:s21] =	ssyncadd.s32 $0xFFFFF0C0;
	s21 =	simm.s32 @!p0 $0x10  }
0x1c4: {  	[spmem:s0@s21], [sflag:s31] =	dma.strided @!p0 [hbm:s28@s30], $0x50, s2, $0x10   }
0x1c5: {  	s0 =	simm.s32 @!p0 $0x2  }
0x1c6: {  	_ =	swait.ge @!p0 [sflag:s0], $0x50  }
0x1c7: {  	[sflag:s0] =	ssyncset.done @!p0 $0x0  }
0x1c8: {  	[sflag:s0] =	ssyncadd.s32 @!p0 $0xFFFFFFB0  }
0x1c9: {  	[bflag:$0x0] =	sbarrier.arrive $0xFFFF  }
0x1ca: {  	(ifvalue) =	ssetifvalue $0x7FFFFFFF  }
0x1cb: {  	(ifvalue) =	ssetifvalue $0x7FFFFFFF;
	s0 =	sld [smem:$0x7B9]  }
0x1cc: {  	s2 =	sld [smem:$0x762];
	_ =	sdelay $0x2  }
0x1cd: {  	[tilespmem:s2], [sflag:$0x1] =	stream.indirect.gather [spmem:s1], $0x1, s0, s14, $0x40b8;
	[tilespmem:$0x1BA28] =	vst v63  }
0x1ce: {  	(ifvalue) =	ssetifvalue $0x7FFFFFFF  }
0x1cf: {  	(ifvalue) =	ssetifvalue $0x7FFFFFFF;
	s0 =	sld [smem:$0x7BA]  }
0x1d0: {  	s2 =	sld [smem:$0x763];
	_ =	sdelay $0x2  }
0x1d1: {  	[tilespmem:s2], [sflag:$0x1] =	stream.indirect.gather [spmem:s1], $0x1, s0, s14, $0x40b8;
	[tilespmem:$0x1BA28] =	vst v63  }
0x1d2: {  	(ifvalue) =	ssetifvalue $0x7FFFFFFF  }
0x1d3: {  	(ifvalue) =	ssetifvalue $0x7FFFFFFF;
	s0 =	sld [smem:$0x7BB]  }
0x1d4: {  	s2 =	sld [smem:$0x764];
	_ =	sdelay $0x2  }
0x1d5: {  	[tilespmem:s2], [sflag:$0x1] =	stream.indirect.gather [spmem:s1], $0x1, s0, s14, $0x40b8;
	[tilespmem:$0x1BA28] =	vst v63  }
0x1d6: {  	(ifvalue) =	ssetifvalue $0x7FFFFFFF  }
0x1d7: {  	(ifvalue) =	ssetifvalue $0x7FFFFFFF;
	s0 =	sld [smem:$0x7BC]  }
0x1d8: {  	s2 =	sld [smem:$0x765];
	_ =	sdelay $0x2  }
0x1d9: {  	[tilespmem:s2], [sflag:$0x1] =	stream.indirect.gather [spmem:s1], $0x1, s0, s14, $0x40b8;
	[tilespmem:$0x1BA28] =	vst v63  }
0x1da: {  	(ifvalue) =	ssetifvalue $0x7FFFFFFF  }
0x1db: {  	(ifvalue) =	ssetifvalue $0x7FFFFFFF;
	s0 =	sld [smem:$0x7BD]  }
0x1dc: {  	s2 =	sld [smem:$0x766];
	_ =	sdelay $0x2  }
0x1dd: {  	[tilespmem:s2], [sflag:$0x1] =	stream.indirect.gather [spmem:s1], $0x1, s0, s14, $0x40b8;
	[tilespmem:$0x1BA28] =	vst v63  }
0x1de: {  	(ifvalue) =	ssetifvalue $0x7FFFFFFF  }
0x1df: {  	(ifvalue) =	ssetifvalue $0x7FFFFFFF;
	s0 =	sld [smem:$0x7BE]  }
0x1e0: {  	s2 =	sld [smem:$0x767];
	_ =	sdelay $0x2  }
0x1e1: {  	[tilespmem:s2], [sflag:$0x1] =	stream.indirect.gather [spmem:s1], $0x1, s0, s14, $0x40b8;
	[tilespmem:$0x1BA28] =	vst v63  }
0x1e2: {  	(ifvalue) =	ssetifvalue $0x7FFFFFFF  }
0x1e3: {  	(ifvalue) =	ssetifvalue $0x7FFFFFFF;
	s0 =	sld [smem:$0x7BF]  }
0x1e4: {  	s2 =	sld [smem:$0x768];
	_ =	sdelay $0x2  }
0x1e5: {  	[tilespmem:s2], [sflag:$0x1] =	stream.indirect.gather [spmem:s1], $0x1, s0, s14, $0x40b8;
	[tilespmem:$0x1BA28] =	vst v63  }
0x1e6: {  	(ifvalue) =	ssetifvalue $0x7FFFFFFF  }
0x1e7: {  	(ifvalue) =	ssetifvalue $0x7FFFFFFF;
	s0 =	sld [smem:$0x7C0]  }
0x1e8: {  	s2 =	sld [smem:$0x769];
	_ =	sdelay $0x2  }
0x1e9: {  	[tilespmem:s2], [sflag:$0x1] =	stream.indirect.gather [spmem:s1], $0x1, s0, s14, $0x40b8;
	[tilespmem:$0x1BA28] =	vst v63  }
0x1ea: {  	(ifvalue) =	ssetifvalue $0x7FFFFFFF  }
0x1eb: {  	(ifvalue) =	ssetifvalue $0x7FFFFFFF;
	s0 =	sld [smem:$0x7C1]  }
0x1ec: {  	s2 =	sld [smem:$0x76A];
	_ =	sdelay $0x2  }
0x1ed: {  	[tilespmem:s2], [sflag:$0x1] =	stream.indirect.gather [spmem:s1], $0x1, s0, s14, $0x40b8;
	[tilespmem:$0x1BA28] =	vst v63  }
0x1ee: {  	(ifvalue) =	ssetifvalue $0x7FFFFFFF  }
0x1ef: {  	(ifvalue) =	ssetifvalue $0x7FFFFFFF;
	s0 =	sld [smem:$0x7C2]  }
0x1f0: {  	s2 =	sld [smem:$0x76B];
	_ =	sdelay $0x2  }
0x1f1: {  	[tilespmem:s2], [sflag:$0x1] =	stream.indirect.gather [spmem:s1], $0x1, s0, s14, $0x40b8;
	[tilespmem:$0x1BA28] =	vst v63  }
0x1f2: {  	(ifvalue) =	ssetifvalue $0x7FFFFFFF  }
0x1f3: {  	(ifvalue) =	ssetifvalue $0x7FFFFFFF;
	s0 =	sld [smem:$0x7C3]  }
0x1f4: {  	s2 =	sld [smem:$0x76C];
	_ =	sdelay $0x2  }
0x1f5: {  	[tilespmem:s2], [sflag:$0x1] =	stream.indirect.gather [spmem:s1], $0x1, s0, s14, $0x40b8;
	[tilespmem:$0x1BA28] =	vst v63  }
0x1f6: {  	(ifvalue) =	ssetifvalue $0x7FFFFFFF  }
0x1f7: {  	(ifvalue) =	ssetifvalue $0x7FFFFFFF;
	s0 =	sld [smem:$0x7C4]  }
0x1f8: {  	s2 =	sld [smem:$0x76D];
	_ =	sdelay $0x2  }
0x1f9: {  	[tilespmem:s2], [sflag:$0x1] =	stream.indirect.gather [spmem:s1], $0x1, s0, s14, $0x40b8;
	[tilespmem:$0x1BA28] =	vst v63  }
0x1fa: {  	(ifvalue) =	ssetifvalue $0x7FFFFFFF  }
0x1fb: {  	(ifvalue) =	ssetifvalue $0x7FFFFFFF;
	s0 =	sld [smem:$0x7C5]  }
0x1fc: {  	s2 =	sld [smem:$0x76E];
	_ =	sdelay $0x2  }
0x1fd: {  	[tilespmem:s2], [sflag:$0x1] =	stream.indirect.gather [spmem:s1], $0x1, s0, s14, $0x40b8;
	[tilespmem:$0x1BA28] =	vst v63  }
0x1fe: {  	(ifvalue) =	ssetifvalue $0x7FFFFFFF  }
0x1ff: {  	(ifvalue) =	ssetifvalue $0x7FFFFFFF;
	s0 =	sld [smem:$0x7C6]  }
0x200: {  	s2 =	sld [smem:$0x76F];
	_ =	sdelay $0x2  }
0x201: {  	[tilespmem:s2], [sflag:$0x1] =	stream.indirect.gather [spmem:s1], $0x1, s0, s14, $0x40b8;
	[tilespmem:$0x1BA28] =	vst v63  }
0x202: {  	(ifvalue) =	ssetifvalue $0x7FFFFFFF  }
0x203: {  	(ifvalue) =	ssetifvalue $0x7FFFFFFF;
	s0 =	sld [smem:$0x7C7]  }
0x204: {  	s2 =	sld [smem:$0x770];
	_ =	sdelay $0x2  }
0x205: {  	[tilespmem:s2], [sflag:$0x1] =	stream.indirect.gather [spmem:s1], $0x1, s0, s14, $0x40b8;
	[tilespmem:$0x1BA28] =	vst v63  }
0x206: {  	(ifvalue) =	ssetifvalue $0x7FFFFFFF  }
0x207: {  	(ifvalue) =	ssetifvalue $0x7FFFFFFF;
	s0 =	sld [smem:$0x7C8]  }
0x208: {  	s2 =	sld [smem:$0x771];
	_ =	sdelay $0x2  }
0x209: {  	[tilespmem:s2], [sflag:$0x1] =	stream.indirect.gather [spmem:s1], $0x1, s0, s14, $0x40b8;
	[tilespmem:$0x1BA28] =	vst v63  }
0x20a: {  	(ifvalue) =	ssetifvalue $0x7FFFFFFF  }
0x20b: {  	(ifvalue) =	ssetifvalue $0x7FFFFFFF;
	s0 =	sld [smem:$0x7C9]  }
0x20c: {  	s2 =	sld [smem:$0x772];
	_ =	sdelay $0x2  }
0x20d: {  	[tilespmem:s2], [sflag:$0x1] =	stream.indirect.gather [spmem:s1], $0x1, s0, s14, $0x40b8;
	[tilespmem:$0x1BA28] =	vst v63  }
0x20e: {  	(ifvalue) =	ssetifvalue $0x7FFFFFFF  }
0x20f: {  	(ifvalue) =	ssetifvalue $0x7FFFFFFF;
	s0 =	sld [smem:$0x7CA]  }
0x210: {  	s2 =	sld [smem:$0x773];
	_ =	sdelay $0x2  }
0x211: {  	[tilespmem:s2], [sflag:$0x1] =	stream.indirect.gather [spmem:s1], $0x1, s0, s14, $0x40b8;
	[tilespmem:$0x1BA28] =	vst v63  }
0x212: {  	(ifvalue) =	ssetifvalue $0x7FFFFFFF  }
0x213: {  	(ifvalue) =	ssetifvalue $0x7FFFFFFF;
	s0 =	sld [smem:$0x7CB]  }
0x214: {  	s2 =	sld [smem:$0x774];
	_ =	sdelay $0x2  }
0x215: {  	[tilespmem:s2], [sflag:$0x1] =	stream.indirect.gather [spmem:s1], $0x1, s0, s14, $0x40b8;
	[tilespmem:$0x1BA28] =	vst v63  }
0x216: {  	(ifvalue) =	ssetifvalue $0x7FFFFFFF  }
0x217: {  	(ifvalue) =	ssetifvalue $0x7FFFFFFF;
	s0 =	sld [smem:$0x7CC]  }
0x218: {  	s2 =	sld [smem:$0x775];
	_ =	sdelay $0x2  }
0x219: {  	[tilespmem:s2], [sflag:$0x1] =	stream.indirect.gather [spmem:s1], $0x1, s0, s14, $0x40b8;
	[tilespmem:$0x1BA28] =	vst v63  }
0x21a: {  	(ifvalue) =	ssetifvalue $0x7FFFFFFF  }
0x21b: {  	(ifvalue) =	ssetifvalue $0x7FFFFFFF;
	s0 =	sld [smem:$0x7CD]  }
0x21c: {  	s2 =	sld [smem:$0x776];
	_ =	sdelay $0x2  }
0x21d: {  	[tilespmem:s2], [sflag:$0x1] =	stream.indirect.gather [spmem:s1], $0x1, s0, s14, $0x40b8;
	[tilespmem:$0x1BA28] =	vst v63  }
0x21e: {  	(ifvalue) =	ssetifvalue $0x7FFFFFFF  }
0x21f: {  	(ifvalue) =	ssetifvalue $0x7FFFFFFF;
	s0 =	sld [smem:$0x7CE]  }
0x220: {  	s2 =	sld [smem:$0x777];
	_ =	sdelay $0x2  }
0x221: {  	[tilespmem:s2], [sflag:$0x1] =	stream.indirect.gather [spmem:s1], $0x1, s0, s14, $0x40b8;
	[tilespmem:$0x1BA28] =	vst v63  }
0x222: {  	(ifvalue) =	ssetifvalue $0x7FFFFFFF  }
0x223: {  	(ifvalue) =	ssetifvalue $0x7FFFFFFF;
	s0 =	sld [smem:$0x7CF]  }
0x224: {  	s2 =	sld [smem:$0x778];
	_ =	sdelay $0x2  }
0x225: {  	[tilespmem:s2], [sflag:$0x1] =	stream.indirect.gather [spmem:s1], $0x1, s0, s14, $0x40b8;
	[tilespmem:$0x1BA28] =	vst v63  }
0x226: {  	(ifvalue) =	ssetifvalue $0x7FFFFFFF  }
0x227: {  	(ifvalue) =	ssetifvalue $0x7FFFFFFF;
	s0 =	sld [smem:$0x7D0]  }
0x228: {  	s2 =	sld [smem:$0x779];
	_ =	sdelay $0x2  }
0x229: {  	[tilespmem:s2], [sflag:$0x1] =	stream.indirect.gather [spmem:s1], $0x1, s0, s14, $0x40b8;
	[tilespmem:$0x1BA28] =	vst v63  }
0x22a: {  	(ifvalue) =	ssetifvalue $0x7FFFFFFF  }
0x22b: {  	(ifvalue) =	ssetifvalue $0x7FFFFFFF;
	s0 =	sld [smem:$0x7D1]  }
0x22c: {  	s2 =	sld [smem:$0x77A];
	_ =	sdelay $0x2  }
0x22d: {  	[tilespmem:s2], [sflag:$0x1] =	stream.indirect.gather [spmem:s1], $0x1, s0, s14, $0x40b8;
	[tilespmem:$0x1BA28] =	vst v63  }
0x22e: {  	(ifvalue) =	ssetifvalue $0x7FFFFFFF  }
0x22f: {  	(ifvalue) =	ssetifvalue $0x7FFFFFFF;
	s0 =	sld [smem:$0x7D2]  }
0x230: {  	s2 =	sld [smem:$0x77B];
	_ =	sdelay $0x2  }
0x231: {  	[tilespmem:s2], [sflag:$0x1] =	stream.indirect.gather [spmem:s1], $0x1, s0, s14, $0x40b8;
	[tilespmem:$0x1BA28] =	vst v63  }
0x232: {  	(ifvalue) =	ssetifvalue $0x7FFFFFFF  }
0x233: {  	(ifvalue) =	ssetifvalue $0x7FFFFFFF;
	s0 =	sld [smem:$0x7D3]  }
0x234: {  	s2 =	sld [smem:$0x77C];
	_ =	sdelay $0x2  }
0x235: {  	[tilespmem:s2], [sflag:$0x1] =	stream.indirect.gather [spmem:s1], $0x1, s0, s14, $0x40b8;
	[tilespmem:$0x1BA28] =	vst v63  }
0x236: {  	(ifvalue) =	ssetifvalue $0x7FFFFFFF  }
0x237: {  	(ifvalue) =	ssetifvalue $0x7FFFFFFF;
	s0 =	sld [smem:$0x7D4]  }
0x238: {  	s2 =	sld [smem:$0x77D];
	_ =	sdelay $0x2  }
0x239: {  	[tilespmem:s2], [sflag:$0x1] =	stream.indirect.gather [spmem:s1], $0x1, s0, s14, $0x40b8;
	[tilespmem:$0x1BA28] =	vst v63  }
0x23a: {  	(ifvalue) =	ssetifvalue $0x7FFFFFFF  }
0x23b: {  	(ifvalue) =	ssetifvalue $0x7FFFFFFF;
	s0 =	sld [smem:$0x7D5]  }
0x23c: {  	s2 =	sld [smem:$0x77E];
	_ =	sdelay $0x2  }
0x23d: {  	[tilespmem:s2], [sflag:$0x1] =	stream.indirect.gather [spmem:s1], $0x1, s0, s14, $0x40b8;
	[tilespmem:$0x1BA28] =	vst v63  }
0x23e: {  	(ifvalue) =	ssetifvalue $0x7FFFFFFF  }
0x23f: {  	(ifvalue) =	ssetifvalue $0x7FFFFFFF;
	s0 =	sld [smem:$0x7D6]  }
0x240: {  	s2 =	sld [smem:$0x77F];
	_ =	sdelay $0x2  }
0x241: {  	[tilespmem:s2], [sflag:$0x1] =	stream.indirect.gather [spmem:s1], $0x1, s0, s14, $0x40b8;
	[tilespmem:$0x1BA28] =	vst v63  }
0x242: {  	(ifvalue) =	ssetifvalue $0x7FFFFFFF  }
0x243: {  	(ifvalue) =	ssetifvalue $0x7FFFFFFF;
	s0 =	sld [smem:$0x7D7]  }
0x244: {  	s2 =	sld [smem:$0x780];
	_ =	sdelay $0x2  }
0x245: {  	[tilespmem:s2], [sflag:$0x1] =	stream.indirect.gather [spmem:s1], $0x1, s0, s14, $0x40b8;
	[tilespmem:$0x1BA28] =	vst v63  }
0x246: {  	(ifvalue) =	ssetifvalue $0x7FFFFFFF  }
0x247: {  	(ifvalue) =	ssetifvalue $0x7FFFFFFF;
	s0 =	sld [smem:$0x7D8]  }
0x248: {  	s2 =	sld [smem:$0x781];
	_ =	sdelay $0x2  }
0x249: {  	[tilespmem:s2], [sflag:$0x1] =	stream.indirect.gather [spmem:s1], $0x1, s0, s14, $0x40b8;
	[tilespmem:$0x1BA28] =	vst v63  }
0x24a: {  	(ifvalue) =	ssetifvalue $0x7FFFFFFF  }
0x24b: {  	(ifvalue) =	ssetifvalue $0x7FFFFFFF;
	s0 =	sld [smem:$0x7D9]  }
0x24c: {  	s2 =	sld [smem:$0x782];
	_ =	sdelay $0x2  }
0x24d: {  	[tilespmem:s2], [sflag:$0x1] =	stream.indirect.gather [spmem:s1], $0x1, s0, s14, $0x40b8;
	[tilespmem:$0x1BA28] =	vst v63  }
0x24e: {  	(ifvalue) =	ssetifvalue $0x7FFFFFFF  }
0x24f: {  	(ifvalue) =	ssetifvalue $0x7FFFFFFF;
	s0 =	sld [smem:$0x7DA]  }
0x250: {  	s2 =	sld [smem:$0x783];
	_ =	sdelay $0x2  }
0x251: {  	[tilespmem:s2], [sflag:$0x1] =	stream.indirect.gather [spmem:s1], $0x1, s0, s14, $0x40b8;
	[tilespmem:$0x1BA28] =	vst v63  }
0x252: {  	(ifvalue) =	ssetifvalue $0x7FFFFFFF  }
0x253: {  	(ifvalue) =	ssetifvalue $0x7FFFFFFF;
	s0 =	sld [smem:$0x7DB]  }
0x254: {  	s2 =	sld [smem:$0x784];
	_ =	sdelay $0x2  }
0x255: {  	[tilespmem:s2], [sflag:$0x1] =	stream.indirect.gather [spmem:s1], $0x1, s0, s14, $0x40b8;
	[tilespmem:$0x1BA28] =	vst v63  }
0x256: {  	(ifvalue) =	ssetifvalue $0x7FFFFFFF  }
0x257: {  	(ifvalue) =	ssetifvalue $0x7FFFFFFF;
	s0 =	sld [smem:$0x7DC]  }
0x258: {  	s2 =	sld [smem:$0x785];
	_ =	sdelay $0x2  }
0x259: {  	[tilespmem:s2], [sflag:$0x1] =	stream.indirect.gather [spmem:s1], $0x1, s0, s14, $0x40b8;
	[tilespmem:$0x1BA28] =	vst v63  }
0x25a: {  	(ifvalue) =	ssetifvalue $0x7FFFFFFF  }
0x25b: {  	(ifvalue) =	ssetifvalue $0x7FFFFFFF;
	s0 =	sld [smem:$0x7DD]  }
0x25c: {  	s2 =	sld [smem:$0x786];
	_ =	sdelay $0x2  }
0x25d: {  	[tilespmem:s2], [sflag:$0x1] =	stream.indirect.gather [spmem:s1], $0x1, s0, s14, $0x40b8;
	[tilespmem:$0x1BA28] =	vst v63  }
0x25e: {  	(ifvalue) =	ssetifvalue $0x7FFFFFFF  }
0x25f: {  	(ifvalue) =	ssetifvalue $0x7FFFFFFF;
	s0 =	sld [smem:$0x7DE]  }
0x260: {  	s2 =	sld [smem:$0x787];
	_ =	sdelay $0x2  }
0x261: {  	[tilespmem:s2], [sflag:$0x1] =	stream.indirect.gather [spmem:s1], $0x1, s0, s14, $0x40b8;
	[tilespmem:$0x1BA28] =	vst v63  }
0x262: {  	(ifvalue) =	ssetifvalue $0x7FFFFFFF  }
0x263: {  	(ifvalue) =	ssetifvalue $0x7FFFFFFF;
	s0 =	sld [smem:$0x7DF]  }
0x264: {  	s2 =	sld [smem:$0x788];
	_ =	sdelay $0x2  }
0x265: {  	[tilespmem:s2], [sflag:$0x1] =	stream.indirect.gather [spmem:s1], $0x1, s0, s14, $0x40b8;
	[tilespmem:$0x1BA28] =	vst v63  }
0x266: {  	(ifvalue) =	ssetifvalue $0x7FFFFFFF  }
0x267: {  	(ifvalue) =	ssetifvalue $0x7FFFFFFF;
	s0 =	sld [smem:$0x7E0]  }
0x268: {  	s2 =	sld [smem:$0x789];
	_ =	sdelay $0x2  }
0x269: {  	[tilespmem:s2], [sflag:$0x1] =	stream.indirect.gather [spmem:s1], $0x1, s0, s14, $0x40b8;
	[tilespmem:$0x1BA28] =	vst v63  }
0x26a: {  	(ifvalue) =	ssetifvalue $0x7FFFFFFF  }
0x26b: {  	(ifvalue) =	ssetifvalue $0x7FFFFFFF;
	s0 =	sld [smem:$0x7E1]  }
0x26c: {  	s2 =	sld [smem:$0x78A];
	_ =	sdelay $0x2  }
0x26d: {  	[tilespmem:s2], [sflag:$0x1] =	stream.indirect.gather [spmem:s1], $0x1, s0, s14, $0x40b8;
	[tilespmem:$0x1BA28] =	vst v63  }
0x26e: {  	(ifvalue) =	ssetifvalue $0x7FFFFFFF  }
0x26f: {  	(ifvalue) =	ssetifvalue $0x7FFFFFFF;
	s0 =	sld [smem:$0x7E2]  }
0x270: {  	s2 =	sld [smem:$0x78B];
	_ =	sdelay $0x2  }
0x271: {  	[tilespmem:s2], [sflag:$0x1] =	stream.indirect.gather [spmem:s1], $0x1, s0, s14, $0x40b8;
	[tilespmem:$0x1BA28] =	vst v63  }
0x272: {  	(ifvalue) =	ssetifvalue $0x7FFFFFFF  }
0x273: {  	(ifvalue) =	ssetifvalue $0x7FFFFFFF;
	s0 =	sld [smem:$0x7E3]  }
0x274: {  	s2 =	sld [smem:$0x78C];
	_ =	sdelay $0x2  }
0x275: {  	[tilespmem:s2], [sflag:$0x1] =	stream.indirect.gather [spmem:s1], $0x1, s0, s14, $0x40b8;
	[tilespmem:$0x1BA28] =	vst v63  }
0x276: {  	(ifvalue) =	ssetifvalue $0x7FFFFFFF  }
0x277: {  	(ifvalue) =	ssetifvalue $0x7FFFFFFF;
	s0 =	sld [smem:$0x7E4]  }
0x278: {  	s2 =	sld [smem:$0x78D];
	_ =	sdelay $0x2  }
0x279: {  	[tilespmem:s2], [sflag:$0x1] =	stream.indirect.gather [spmem:s1], $0x1, s0, s14, $0x40b8;
	[tilespmem:$0x1BA28] =	vst v63  }
0x27a: {  	(ifvalue) =	ssetifvalue $0x7FFFFFFF  }
0x27b: {  	(ifvalue) =	ssetifvalue $0x7FFFFFFF;
	s2 =	sld [smem:$0x7E5]  }
0x27c: {  	_ =	sdelay $0x1  }
0x27d: {  	[tilespmem:s26], [sflag:$0x1] =	stream.indirect.gather [spmem:s1], $0x1, s2, s14, $0x40b8;
	[tilespmem:$0x1BA28] =	vst v63  }
0x27e: {  	(ifvalue) =	ssetifvalue $0x7FFFFFFF  }
0x27f: {  	(ifvalue) =	ssetifvalue $0x7FFFFFFF;
	s2 =	sld [smem:$0x7E7]  }
0x280: {  	_ =	sdelay $0x1  }
0x281: {  	[tilespmem:s25], [sflag:$0x1] =	stream.indirect.gather [spmem:s1], $0x1, s2, s14, $0x40b8;
	[tilespmem:$0x1BA28] =	vst v63  }
0x282: {  	(ifvalue) =	ssetifvalue $0x7FFFFFFF  }
0x283: {  	(ifvalue) =	ssetifvalue $0x7FFFFFFF;
	s25 =	sld [smem:$0x7E8]  }
0x284: {  	_ =	sdelay $0x1  }
0x285: {  	[tilespmem:s24], [sflag:$0x1] =	stream.indirect.gather [spmem:s1], $0x1, s25, s14, $0x40b8;
	[tilespmem:$0x1BA28] =	vst v63  }
0x286: {  	(ifvalue) =	ssetifvalue $0x7FFFFFFF  }
0x287: {  	(ifvalue) =	ssetifvalue $0x7FFFFFFF;
	s26 =	sld [smem:$0x7E9]  }
0x288: {  	_ =	sdelay $0x1  }
0x289: {  	[tilespmem:s23], [sflag:$0x1] =	stream.indirect.gather [spmem:s1], $0x1, s26, s14, $0x40b8;
	[tilespmem:$0x1BA28] =	vst v63  }
0x28a: {  	(ifvalue) =	ssetifvalue $0x7FFFFFFF  }
0x28b: {  	(ifvalue) =	ssetifvalue $0x7FFFFFFF;
	s2 =	sld [smem:$0x7EA]  }
0x28c: {  	_ =	sdelay $0x1  }
0x28d: {  	[tilespmem:s19], [sflag:$0x1] =	stream.indirect.gather [spmem:s1], $0x1, s2, s14, $0x40b8;
	[tilespmem:$0x1BA28] =	vst v63  }
0x28e: {  	(ifvalue) =	ssetifvalue $0x7FFFFFFF  }
0x28f: {  	(ifvalue) =	ssetifvalue $0x7FFFFFFF;
	s23 =	sld [smem:$0x7EB]  }
0x290: {  	_ =	sdelay $0x1  }
0x291: {  	[tilespmem:s18], [sflag:$0x1] =	stream.indirect.gather [spmem:s1], $0x1, s23, s14, $0x40b8;
	[tilespmem:$0x1BA28] =	vst v63  }
0x292: {  	(ifvalue) =	ssetifvalue $0x7FFFFFFF  }
0x293: {  	(ifvalue) =	ssetifvalue $0x7FFFFFFF;
	s24 =	sld [smem:$0x7ED]  }
0x294: {  	_ =	sdelay $0x1  }
0x295: {  	[tilespmem:s17], [sflag:$0x1] =	stream.indirect.gather [spmem:s1], $0x1, s24, s14, $0x40b8;
	[tilespmem:$0x1BA28] =	vst v63  }
0x296: {  	(ifvalue) =	ssetifvalue $0x7FFFFFFF  }
0x297: {  	(ifvalue) =	ssetifvalue $0x7FFFFFFF;
	s25 =	sld [smem:$0x7EF]  }
0x298: {  	_ =	sdelay $0x1  }
0x299: {  	[tilespmem:s16], [sflag:$0x1] =	stream.indirect.gather [spmem:s1], $0x1, s25, s14, $0x40b8;
	[tilespmem:$0x1BA28] =	vst v63  }
0x29a: {  	(ifvalue) =	ssetifvalue $0x7FFFFFFF  }
0x29b: {  	(ifvalue) =	ssetifvalue $0x7FFFFFFF;
	s26 =	sld [smem:$0x7F0]  }
0x29c: {  	_ =	sdelay $0x1  }
0x29d: {  	[tilespmem:s15], [sflag:$0x1] =	stream.indirect.gather [spmem:s1], $0x1, s26, s14, $0x40b8;
	[tilespmem:$0x1BA28] =	vst v63  }
0x29e: {  	(ifvalue) =	ssetifvalue $0x7FFFFFFF  }
0x29f: {  	(ifvalue) =	ssetifvalue $0x7FFFFFFF;
	s2 =	sld [smem:$0x7F2]  }
0x2a0: {  	_ =	sdelay $0x1  }
0x2a1: {  	[tilespmem:s13], [sflag:$0x1] =	stream.indirect.gather [spmem:s1], $0x1, s2, s14, $0x40b8;
	[tilespmem:$0x1BA28] =	vst v63  }
0x2a2: {  	(ifvalue) =	ssetifvalue $0x7FFFFFFF  }
0x2a3: {  	(ifvalue) =	ssetifvalue $0x7FFFFFFF;
	s13 =	sld [smem:$0x7F4]  }
0x2a4: {  	_ =	sdelay $0x1  }
0x2a5: {  	[tilespmem:s12], [sflag:$0x1] =	stream.indirect.gather [spmem:s1], $0x1, s13, s14, $0x40b8;
	[tilespmem:$0x1BA28] =	vst v63  }
0x2a6: {  	(ifvalue) =	ssetifvalue $0x7FFFFFFF  }
0x2a7: {  	(ifvalue) =	ssetifvalue $0x7FFFFFFF;
	s15 =	sld [smem:$0x7F5]  }
0x2a8: {  	_ =	sdelay $0x1  }
0x2a9: {  	[tilespmem:s11], [sflag:$0x1] =	stream.indirect.gather [spmem:s1], $0x1, s15, s14, $0x40b8;
	[tilespmem:$0x1BA28] =	vst v63  }
0x2aa: {  	(ifvalue) =	ssetifvalue $0x7FFFFFFF  }
0x2ab: {  	(ifvalue) =	ssetifvalue $0x7FFFFFFF;
	s16 =	sld [smem:$0x7F6]  }
0x2ac: {  	_ =	sdelay $0x1  }
0x2ad: {  	[tilespmem:s9], [sflag:$0x1] =	stream.indirect.gather [spmem:s1], $0x1, s16, s14, $0x40b8;
	[tilespmem:$0x1BA28] =	vst v63  }
0x2ae: {  	(ifvalue) =	ssetifvalue $0x7FFFFFFF  }
0x2af: {  	(ifvalue) =	ssetifvalue $0x7FFFFFFF;
	s17 =	sld [smem:$0x7F7]  }
0x2b0: {  	_ =	sdelay $0x1  }
0x2b1: {  	[tilespmem:s8], [sflag:$0x1] =	stream.indirect.gather [spmem:s1], $0x1, s17, s14, $0x40b8;
	[tilespmem:$0x1BA28] =	vst v63  }
0x2b2: {  	(ifvalue) =	ssetifvalue $0x7FFFFFFF  }
0x2b3: {  	(ifvalue) =	ssetifvalue $0x7FFFFFFF;
	s18 =	sld [smem:$0x7F8]  }
0x2b4: {  	_ =	sdelay $0x1  }
0x2b5: {  	[tilespmem:s7], [sflag:$0x1] =	stream.indirect.gather [spmem:s1], $0x1, s18, s14, $0x40b8;
	[tilespmem:$0x1BA28] =	vst v63  }
0x2b6: {  	(ifvalue) =	ssetifvalue $0x7FFFFFFF  }
0x2b7: {  	(ifvalue) =	ssetifvalue $0x7FFFFFFF;
	s19 =	sld [smem:$0x7F9]  }
0x2b8: {  	_ =	sdelay $0x1  }
0x2b9: {  	[tilespmem:s6], [sflag:$0x1] =	stream.indirect.gather [spmem:s1], $0x1, s19, s14, $0x40b8;
	[tilespmem:$0x1BA28] =	vst v63  }
0x2ba: {  	(ifvalue) =	ssetifvalue $0x7FFFFFFF  }
0x2bb: {  	(ifvalue) =	ssetifvalue $0x7FFFFFFF;
	s23 =	sld [smem:$0x7FA]  }
0x2bc: {  	_ =	sdelay $0x1  }
0x2bd: {  	[tilespmem:s5], [sflag:$0x1] =	stream.indirect.gather [spmem:s1], $0x1, s23, s14, $0x40b8;
	[tilespmem:$0x1BA28] =	vst v63  }
0x2be: {  	(ifvalue) =	ssetifvalue $0x7FFFFFFF  }
0x2bf: {  	(ifvalue) =	ssetifvalue $0x7FFFFFFF;
	s24 =	sld [smem:$0x7FB]  }
0x2c0: {  	_ =	sdelay $0x1  }
0x2c1: {  	[tilespmem:s4], [sflag:$0x1] =	stream.indirect.gather [spmem:s1], $0x1, s24, s14, $0x40b8;
	[tilespmem:$0x1BA28] =	vst v63  }
0x2c2: {  	(ifvalue) =	ssetifvalue $0x7FFFFFFF  }
0x2c3: {  	(ifvalue) =	ssetifvalue $0x7FFFFFFF;
	s25 =	sld [smem:$0x7FC]  }
0x2c4: {  	_ =	sdelay $0x1  }
0x2c5: {  	[tilespmem:s3], [sflag:$0x1] =	stream.indirect.gather [spmem:s1], $0x1, s25, s14, $0x40b8;
	[tilespmem:$0x1BA28] =	vst v63  }
0x2c6: {  	(ifvalue) =	ssetifvalue $0x7FFFFFFF  }
0x2c7: {  	(ifvalue) =	ssetifvalue $0x7FFFFFFF;
	s26 =	sld [smem:$0x7FD]  }
0x2c8: {  	s22 =	sadd.s32 $0x200, s22  }
0x2c9: {  	p1 =	sne.s32 s22, $0x1000;
	s5 =	simm.s32 $0x1  }
0x2ca: {  	[tilespmem:s10], [sflag:$0x1] =	stream.indirect.gather [spmem:s1], $0x1, s26, s14, $0x40b8;
	[tilespmem:$0x1BA28] =	vst v63  }
.Ltmp1:
0x2cb: {  	_ =	swait.ge [sflag:s5], $0x2000;
	(pc) =	sbr.rel @p1 .LBB2_5-.Ltmp1, $4  }
0x2cc: {  	[sflag:s5] =	ssyncset.done $0x0  }
0x2cd: {  	s20 =	sadd.s32 $0x10, s20;
	s30 =	smov.u32 s31;
	[sflag:s5] =	ssyncadd.s32 $0xFFFFE000  }
0x2ce: {  	s31 =	smov.u32 s29;
	s29 =	simm.s32 $0x10;
	[bflag:$0x0] =	sbarrier.arrive $0xFFFF  }
0x2cf: {  	s21 =	simm.s32 $0x2;
	s28 =	sadd.s32 $0x10, s28;
	s4 =	simm.s32 $0x7A28  }
0x2d0: {  	s6 =	sld [smem:$0x78E]  }
0x2d1: {  	s2 =	sld [smem:$0x7EC];
	_ =	sdelay $0x1  }
0x2d2: {  	s26 =	simm.s32 $0x0;
	s0 =	sshll.u32 s6, $0x11  }
0x2d3: {  	s3 =	simm.s32 $0xBA28;
	s6 =	sadd.s32 $0x1, s6;
	s0 =	sadd.s32 s0, s2  }
0x2d4: {  	[hbm4b:s0+s26] =	stream.linear.scatter [tilespmem:s3], [sflag:$0x2], $0x10000, $0x38;
	[tilespmem:$0x1BA28] =	vst v63  }
0x2d5: {  	p1 =	sne.s32 s6, $0x4;
	_ =	swait.ge [sflag:s21], $0x10000  }
.Ltmp2:
0x2d6: {  	s28 =	sld [smem:$0x790];
	(pc) =	sbr.rel @p1 .LBB2_4-.Ltmp2, $3  }
0x2d7: {  	s20 =	sld [smem:$0x78F];
	_ =	sdelay $0x1  }
0x2d8: {  	[sflag:s21] =	ssyncset.done $0x0  }
0x2d9: {  	[sflag:s21] =	ssyncadd.s32 $0xFFFF0000;
	s28 =	sadd.s32 $0x280, s28;
	s20 =	sadd.s32 $0xF4280, s20  }
0x2da: {  	s2 =	sld [smem:$0x791]  }
0x2db: {  	s0 =	sld [smem:$0x7EE];
	_ =	sdelay $0x1  }
0x2dc: {  	s2 =	sadd.s32 $0x1, s2  }
0x2dd: {  	p1 =	sne.s32 s2, s0  }
.Ltmp3:
0x2de: {  	_ = 	snop;
	(pc) =	sbr.rel @p1 .LBB2_1-.Ltmp3, $1  }
0x2df: {  	_ =	sdelay $0x3  }
0x2e0: {  	_ =	sfence.sel $0x180000  }
0x2e1: {  	[bflag:$0x0] =	sbarrier.arrive $0xFFFF  }
0x2e2: {  	_ =	strace $0x90000047  }
0x2e3: {  	[bflag:$0x2] =	sbarrier.arrive $0xFFFF  }
0x2e4: {  	s0 =	rddreg [dreg:$0x4]  }
0x2e5: {  	s0 =	sadd.s32 @!p0 $0x100000, s0  }
0x2e6: {  	[sflag:s0] =	ssyncadd.tile.s32 @!p0 $0x1;
	_ =	shalt  }
.Lfunc_end2:
_tile_overlayer_lowered:
.L_overlay_start_2:
0x2e7: {  	(tag) =	ssettag $0x2  }
0x2e8: {  	s0 =	rddreg [dreg:$0x0];
	s2 =	stileid.u32  }
0x2e9: {  	s1 =	rddreg [dreg:$0x1];
	p0 =	sne.s32 s2, $0x0  }
0x2ea: {  	s3 =	rddreg [dreg:$0x2];
	[bflag:$0x3] =	sbarrier.arrive $0xFFFF;
	s2 =	simm.s32 @!p0 $0x1C02  }
0x2eb: {  	[timem:s3], [sflag:s2] =	dma.local @!p0 [hbm:s0], s1  }
0x2ec: {  	s0 =	simm.s32 @!p0 $0x2  }
0x2ed: {  	_ =	swait.ge @!p0 [sflag:s0], s1  }
0x2ee: {  	s1 =	ssub.s32 @!p0 $0x0, s1;
	[sflag:s0] =	ssyncset.done @!p0 $0x0  }
0x2ef: {  	[sflag:s0] =	ssyncadd.s32 @!p0 s1  }
0x2f0: {  	[bflag:$0x3] =	sbarrier.arrive $0xFFFF  }
0x2f1: {  	_ =	shalt  }

</sc_bundles>
